<compile_context>
chip_gen: v7x
topology: tpu7x:2x2x1
jax: 0.10.2.dev20260603
libtpu: 0.0.44.dev20260713+nightly
codegen_flags: <defaults>
</compile_context>

<pallas_src>
import jax
import jax.numpy as jnp
from jax import lax
from jax.experimental import pallas as pl
from jax.experimental.pallas import tpu as pltpu, tpu_sc as plsc

_NC, _NS, _L = 2, 16, 16
_NW = _NC * _NS

_ROWS, _COLS, _D = 16384, 200, 4
_N = _ROWS * _COLS
_JT = _COLS // 8
_IT = _ROWS // 128
_ITB = _IT // _NW
_CHUNK = _ITB * 8 * 128
_OUTW = _CHUNK * _D
_JROW = _IT * _D * 128


def _lookup_body(idx_hbm, emb_hbm, out_hbm, emb_v, idx_v, out_v,
                 sem_in0, sem_in1, sem_out0, sem_out1):
    wid = lax.axis_index("s") * _NC + lax.axis_index("c")
    sem_in = (sem_in0, sem_in1)
    sem_out = (sem_out0, sem_out1)
    pltpu.sync_copy(emb_hbm, emb_v)

    def in_copy(k, p):
        return pltpu.make_async_copy(
            idx_hbm.at[pl.ds((k * _IT + _ITB * wid) * 1024, _CHUNK)],
            idx_v.at[p],
            sem_in[p],
        )

    lanes = lax.iota(jnp.int32, _L)
    cvec = [lanes + c * _L for c in range(_D)]

    def compute(k, p):
        @plsc.parallel_loop(0, _CHUNK // _L, 1, unroll=8)
        def _(m):
            itl = m >> 6
            jn = (m >> 3) & 7
            kk = m & 7
            iv = idx_v[p, pl.ds(itl * 1024 + jn * 128 + kk * 16, _L)]
            w64 = iv * (_D * _L)
            dst = jn * 2048 + itl * 512 + kk * 16
            for c in range(_D):
                g = plsc.load_gather(emb_v, [w64 + cvec[c]])
                out_v[p, pl.ds(dst + c * 128, _L)] = g

    def out_start(k, p):
        for jn in range(8):
            pltpu.make_async_copy(
                out_v.at[p, pl.ds(jn * 2048, 2048)],
                out_hbm.at[pl.ds((8 * k + jn) * _JROW + 2048 * wid, 2048)],
                sem_out[p],
            ).start()

    def out_drain(p):
        pltpu.make_async_copy(
            out_hbm.at[pl.ds(0, _OUTW)], out_v.at[p], sem_out[p]
        ).wait()

    in_copy(0, 0).start()

    def pair(t, _):
        k0 = t * 2
        k1 = k0 + 1
        in_copy(k1, 1).start()
        in_copy(k0, 0).wait()

        @pl.when(t >= 1)
        def _():
            out_drain(0)

        compute(k0, 0)
        out_start(k0, 0)
        in_copy(k0 + 2, 0).start()
        in_copy(k1, 1).wait()

        @pl.when(t >= 1)
        def _():
            out_drain(1)

        compute(k1, 1)
        out_start(k1, 1)
        return 0

    lax.fori_loop(0, (_JT - 1) // 2, pair, 0)
    in_copy(_JT - 1, 0).wait()
    out_drain(0)
    compute(_JT - 1, 0)
    out_start(_JT - 1, 0)
    out_drain(1)
    out_drain(0)


def kernel(src_sent, emb):
    idx = src_sent.reshape(128, 128, _JT, 8).transpose(2, 0, 3, 1).reshape(-1)
    emb_flat = jnp.tile(emb.reshape(10, _D, 1), (1, 1, _L)).reshape(-1)
    mesh = plsc.VectorSubcoreMesh(core_axis_name="c", subcore_axis_name="s")
    out = pl.kernel(
        _lookup_body,
        out_type=jax.ShapeDtypeStruct((_N * _D,), jnp.float32),
        mesh=mesh,
        scratch_types=[
            pltpu.VMEM((10 * _D * _L,), jnp.float32),
            pltpu.VMEM((2, _CHUNK), jnp.int32),
            pltpu.VMEM((2, _OUTW), jnp.float32),
            pltpu.SemaphoreType.DMA,
            pltpu.SemaphoreType.DMA,
            pltpu.SemaphoreType.DMA,
            pltpu.SemaphoreType.DMA,
        ],
        compiler_params=pltpu.CompilerParams(needs_layout_passes=False),
    )(idx, emb_flat)
    return (
        out.reshape(_COLS, 128, _D, 128)
        .transpose(1, 3, 0, 2)
        .reshape(_ROWS, _COLS, _D)
    )

# --- scband reference (transcript-rebuilt; emitter-appended) ---
"""Pipeline reference for scband-lstmencoder-40346922779372 (READ-ONLY COPY).

The authoritative reference and input builder live on the scoring server;
editing this copy changes nothing except your own understanding.
"""

import jax, jax.numpy as jnp
import numpy as np


def setup_inputs(seed: int = 0) -> dict:
    key = jax.random.key(seed)
    k_idx, k_emb = jax.random.split(key)
    src_sent = jax.random.randint(k_idx, (16384, 200), 0, 10, dtype=jnp.int32)
    emb = jax.random.normal(k_emb, (10, 4), dtype=jnp.float32) * 0.02
    # nn.Embedding with padding_idx=0 zeros the padding row at init
    emb = emb.at[0].set(0.0)
    return {"src_sent": src_sent, "emb": emb}


def reference(src_sent, emb):
    # src_sent_enc = self.emb(src_sent_ids)
    src_sent_enc = jnp.take(emb, src_sent, axis=0)
    return src_sent_enc

if __name__ == "__main__":
    import jax
    _d = setup_inputs()
    print(jax.jit(kernel)(*tuple(_d.values())))

</pallas_src>

<mosaic_0001>
#map = affine_map<(d0, d1) -> (0)>
module attributes {stable_mosaic.version = 14 : i64} {
  func.func @_lookup_body(%arg0: i32, %arg1: i32, %arg2: memref<3276800xi32, #tpu.memory_space<hbm>>, %arg3: memref<640xf32, #tpu.memory_space<hbm>>, %arg4: memref<13107200xf32, #tpu.memory_space<hbm>>, %arg5: memref<640xf32, #tpu.memory_space<vmem>>, %arg6: memref<2x4096xi32, #tpu.memory_space<vmem>>, %arg7: memref<2x16384xf32, #tpu.memory_space<vmem>>, %arg8: memref<!tpu.dma_semaphore, #tpu.memory_space<semaphore_mem>>, %arg9: memref<!tpu.dma_semaphore, #tpu.memory_space<semaphore_mem>>, %arg10: memref<!tpu.dma_semaphore, #tpu.memory_space<semaphore_mem>>, %arg11: memref<!tpu.dma_semaphore, #tpu.memory_space<semaphore_mem>>) attributes {dimension_semantics = [#tpu.dimension_semantics<core_parallel>, #tpu.dimension_semantics<subcore_parallel>], iteration_bounds = array<i64: 2, 16>, scalar_prefetch = 0 : i64, scratch_operands = 7 : i64, tpu.core_type = #tpu.core_type<sc_vector_subcore>, window_params = [{transform_indices = #map}, {transform_indices = #map}, {transform_indices = #map}]} {
    %mul3A = arith.constant 2 : i32
    %mul3A_0 = arith.muli %arg1, %mul3A : i32
    %add3A = arith.addi %mul3A_0, %arg0 : i32
    "tpu.region"() ({
      %run_scoped3A = tpu.sem_alloc : memref<!tpu.dma_semaphore, #tpu.memory_space<semaphore_mem>>
      tpu.enqueue_dma source(%arg3 : memref<640xf32, #tpu.memory_space<hbm>>) target(%arg5 : memref<640xf32, #tpu.memory_space<vmem>>) target_semaphore(%run_scoped3A : memref<!tpu.dma_semaphore, #tpu.memory_space<semaphore_mem>>)
      tpu.wait_dma2 semaphore(%run_scoped3A : memref<!tpu.dma_semaphore, #tpu.memory_space<semaphore_mem>>) src(%arg3 : memref<640xf32, #tpu.memory_space<hbm>>) dst(%arg5 : memref<640xf32, #tpu.memory_space<vmem>>)
      tpu.yield
    }) : () -> ()
    %iota3A = tpu.iota {dimensions = array<i32: 0>} : vector<16xi32>
    %add3A_1 = arith.constant 0 : i32
    %add3A_2 = vector.broadcast %add3A_1 : i32 to vector<16xi32>
    %add3A_3 = arith.addi %iota3A, %add3A_2 : vector<16xi32>
    %add3A_4 = arith.constant 16 : i32
    %add3A_5 = vector.broadcast %add3A_4 : i32 to vector<16xi32>
    %add3A_6 = arith.addi %iota3A, %add3A_5 : vector<16xi32>
    %add3A_7 = arith.constant 32 : i32
    %add3A_8 = vector.broadcast %add3A_7 : i32 to vector<16xi32>
    %add3A_9 = arith.addi %iota3A, %add3A_8 : vector<16xi32>
    %add3A_10 = arith.constant 48 : i32
    %add3A_11 = vector.broadcast %add3A_10 : i32 to vector<16xi32>
    %add3A_12 = arith.addi %iota3A, %add3A_11 : vector<16xi32>
    %mul3A_13 = arith.constant 4 : i32
    %mul3A_14 = arith.muli %mul3A_13, %add3A : i32
    %add3A_15 = arith.constant 0 : i32
    %add3A_16 = arith.addi %add3A_15, %mul3A_14 : i32
    %mul3A_17 = arith.constant 1024 : i32
    %mul3A_18 = arith.muli %add3A_16, %mul3A_17 : i32
    %dma_start3A = arith.constant 0 : i32
    %dma_start3A_19 = arith.constant 0 : i32
    %dma_start3A_20 = tpu.memref_slice %arg6[%dma_start3A, %dma_start3A_19] : memref<2x4096xi32, #tpu.memory_space<vmem>> -> memref<1x4096xi32, #tpu.memory_space<vmem>>
    %dma_start3A_21 = tpu.memref_squeeze %dma_start3A_20 : memref<1x4096xi32, #tpu.memory_space<vmem>> -> memref<4096xi32, #tpu.memory_space<vmem>>
    %dma_start3A_22 = tpu.memref_slice %arg2[%mul3A_18] : memref<3276800xi32, #tpu.memory_space<hbm>> -> memref<4096xi32, #tpu.memory_space<hbm>>
    %dma_start3A_23 = arith.constant 0 : i32
    %dma_start3A_24 = tpu.memref_slice %arg6[%dma_start3A, %dma_start3A_23] : memref<2x4096xi32, #tpu.memory_space<vmem>> -> memref<1x4096xi32, #tpu.memory_space<vmem>>
    %dma_start3A_25 = tpu.memref_squeeze %dma_start3A_24 : memref<1x4096xi32, #tpu.memory_space<vmem>> -> memref<4096xi32, #tpu.memory_space<vmem>>
    %dma_start3A_26 = tpu.memref_slice %arg2[%mul3A_18] : memref<3276800xi32, #tpu.memory_space<hbm>> -> memref<4096xi32, #tpu.memory_space<hbm>>
    tpu.enqueue_dma source(%dma_start3A_26 : memref<4096xi32, #tpu.memory_space<hbm>>) target(%dma_start3A_25 : memref<4096xi32, #tpu.memory_space<vmem>>) target_semaphore(%arg8 : memref<!tpu.dma_semaphore, #tpu.memory_space<semaphore_mem>>)
    %scan3A = arith.constant 0 : i32
    %scan3A_27 = arith.constant 0 : i32
    %scan3A_28 = arith.constant 12 : i32
    %scan3A_29 = arith.addi %scan3A_27, %scan3A_28 : i32
    %scan3A_30 = arith.constant 1 : i32
    %scan3A_31 = scf.for %scan3A_186 = %scan3A_27 to %scan3A_29 step %scan3A_30 iter_args(%scan3A_187 = %scan3A) -> (i32)  : i32 {
      %mul3A_188 = arith.constant 2 : i32
      %mul3A_189 = arith.muli %scan3A_186, %mul3A_188 : i32
      %add3A_190 = arith.constant 1 : i32
      %add3A_191 = arith.addi %mul3A_189, %add3A_190 : i32
      %mul3A_192 = arith.constant 128 : i32
      %mul3A_193 = arith.muli %add3A_191, %mul3A_192 : i32
      %mul3A_194 = arith.constant 4 : i32
      %mul3A_195 = arith.muli %mul3A_194, %add3A : i32
      %add3A_196 = arith.addi %mul3A_193, %mul3A_195 : i32
      %mul3A_197 = arith.constant 1024 : i32
      %mul3A_198 = arith.muli %add3A_196, %mul3A_197 : i32
      %dma_start3A_199 = arith.constant 1 : i32
      %dma_start3A_200 = arith.constant 0 : i32
      %dma_start3A_201 = tpu.memref_slice %arg6[%dma_start3A_199, %dma_start3A_200] : memref<2x4096xi32, #tpu.memory_space<vmem>> -> memref<1x4096xi32, #tpu.memory_space<vmem>>
      %dma_start3A_202 = tpu.memref_squeeze %dma_start3A_201 : memref<1x4096xi32, #tpu.memory_space<vmem>> -> memref<4096xi32, #tpu.memory_space<vmem>>
      %dma_start3A_203 = tpu.memref_slice %arg2[%mul3A_198] : memref<3276800xi32, #tpu.memory_space<hbm>> -> memref<4096xi32, #tpu.memory_space<hbm>>
      %dma_start3A_204 = arith.constant 0 : i32
      %dma_start3A_205 = tpu.memref_slice %arg6[%dma_start3A_199, %dma_start3A_204] : memref<2x4096xi32, #tpu.memory_space<vmem>> -> memref<1x4096xi32, #tpu.memory_space<vmem>>
      %dma_start3A_206 = tpu.memref_squeeze %dma_start3A_205 : memref<1x4096xi32, #tpu.memory_space<vmem>> -> memref<4096xi32, #tpu.memory_space<vmem>>
      %dma_start3A_207 = tpu.memref_slice %arg2[%mul3A_198] : memref<3276800xi32, #tpu.memory_space<hbm>> -> memref<4096xi32, #tpu.memory_space<hbm>>
      tpu.enqueue_dma source(%dma_start3A_207 : memref<4096xi32, #tpu.memory_space<hbm>>) target(%dma_start3A_206 : memref<4096xi32, #tpu.memory_space<vmem>>) target_semaphore(%arg9 : memref<!tpu.dma_semaphore, #tpu.memory_space<semaphore_mem>>)
      %mul3A_208 = arith.constant 128 : i32
      %mul3A_209 = arith.muli %mul3A_189, %mul3A_208 : i32
      %mul3A_210 = arith.constant 4 : i32
      %mul3A_211 = arith.muli %mul3A_210, %add3A : i32
      %add3A_212 = arith.addi %mul3A_209, %mul3A_211 : i32
      %mul3A_213 = arith.constant 1024 : i32
      %mul3A_214 = arith.muli %add3A_212, %mul3A_213 : i32
      %dma_wait3A_215 = arith.constant 0 : i32
      %dma_wait3A_216 = arith.constant 0 : i32
      %dma_wait3A_217 = tpu.memref_slice %arg6[%dma_wait3A_215, %dma_wait3A_216] : memref<2x4096xi32, #tpu.memory_space<vmem>> -> memref<1x4096xi32, #tpu.memory_space<vmem>>
      %dma_wait3A_218 = tpu.memref_squeeze %dma_wait3A_217 : memref<1x4096xi32, #tpu.memory_space<vmem>> -> memref<4096xi32, #tpu.memory_space<vmem>>
      %dma_wait3A_219 = tpu.memref_slice %arg2[%mul3A_214] : memref<3276800xi32, #tpu.memory_space<hbm>> -> memref<4096xi32, #tpu.memory_space<hbm>>
      %dma_wait3A_220 = arith.constant 0 : i32
      %dma_wait3A_221 = tpu.memref_slice %arg6[%dma_wait3A_215, %dma_wait3A_220] : memref<2x4096xi32, #tpu.memory_space<vmem>> -> memref<1x4096xi32, #tpu.memory_space<vmem>>
      %dma_wait3A_222 = tpu.memref_squeeze %dma_wait3A_221 : memref<1x4096xi32, #tpu.memory_space<vmem>> -> memref<4096xi32, #tpu.memory_space<vmem>>
      %dma_wait3A_223 = tpu.memref_slice %arg2[%mul3A_214] : memref<3276800xi32, #tpu.memory_space<hbm>> -> memref<4096xi32, #tpu.memory_space<hbm>>
      tpu.wait_dma2 semaphore(%arg8 : memref<!tpu.dma_semaphore, #tpu.memory_space<semaphore_mem>>) src(%dma_wait3A_223 : memref<4096xi32, #tpu.memory_space<hbm>>) dst(%dma_wait3A_222 : memref<4096xi32, #tpu.memory_space<vmem>>)
      %ge3A = arith.constant 1 : i32
      %ge3A_224 = arith.cmpi sge, %scan3A_186, %ge3A : i32
      %convert_element_type3A = arith.extui %ge3A_224 : i1 to i32
      %cond3A = arith.constant 0 : i32
      %cond3A_225 = arith.cmpi ne, %convert_element_type3A, %cond3A : i32
      scf.if %cond3A_225 {
        %dma_wait3A_560 = arith.constant 0 : i32
        %dma_wait3A_561 = arith.constant 0 : i32
        %dma_wait3A_562 = tpu.memref_slice %arg7[%dma_wait3A_560, %dma_wait3A_561] : memref<2x16384xf32, #tpu.memory_space<vmem>> -> memref<1x16384xf32, #tpu.memory_space<vmem>>
        %dma_wait3A_563 = tpu.memref_squeeze %dma_wait3A_562 : memref<1x16384xf32, #tpu.memory_space<vmem>> -> memref<16384xf32, #tpu.memory_space<vmem>>
        %dma_wait3A_564 = arith.constant 0 : i32
        %dma_wait3A_565 = tpu.memref_slice %arg4[%dma_wait3A_564] : memref<13107200xf32, #tpu.memory_space<hbm>> -> memref<16384xf32, #tpu.memory_space<hbm>>
        %dma_wait3A_566 = arith.constant 0 : i32
        %dma_wait3A_567 = tpu.memref_slice %arg7[%dma_wait3A_560, %dma_wait3A_566] : memref<2x16384xf32, #tpu.memory_space<vmem>> -> memref<1x16384xf32, #tpu.memory_space<vmem>>
        %dma_wait3A_568 = tpu.memref_squeeze %dma_wait3A_567 : memref<1x16384xf32, #tpu.memory_space<vmem>> -> memref<16384xf32, #tpu.memory_space<vmem>>
        %dma_wait3A_569 = arith.constant 0 : i32
        %dma_wait3A_570 = tpu.memref_slice %arg4[%dma_wait3A_569] : memref<13107200xf32, #tpu.memory_space<hbm>> -> memref<16384xf32, #tpu.memory_space<hbm>>
        tpu.wait_dma2 semaphore(%arg10 : memref<!tpu.dma_semaphore, #tpu.memory_space<semaphore_mem>>) src(%dma_wait3A_570 : memref<16384xf32, #tpu.memory_space<hbm>>) dst(%dma_wait3A_568 : memref<16384xf32, #tpu.memory_space<vmem>>)
      } else {
      }
      %parallel_loop3A_226 = arith.constant 0 : i32
      %parallel_loop3A_227 = arith.constant 256 : i32
      %parallel_loop3A_228 = arith.constant 1 : i32
      scf.for %parallel_loop3A_560 = %parallel_loop3A_226 to %parallel_loop3A_227 step %parallel_loop3A_228  : i32 {
        %parallel_loop3A_561 = arith.constant 6 : i32
        %parallel_loop3A_562 = arith.shrsi %parallel_loop3A_560, %parallel_loop3A_561 : i32
        %parallel_loop3A_563 = arith.constant 3 : i32
        %parallel_loop3A_564 = arith.shrsi %parallel_loop3A_560, %parallel_loop3A_563 : i32
        %parallel_loop3A_565 = arith.constant 7 : i32
        %parallel_loop3A_566 = arith.andi %parallel_loop3A_564, %parallel_loop3A_565 : i32
        %parallel_loop3A_567 = arith.constant 7 : i32
        %parallel_loop3A_568 = arith.andi %parallel_loop3A_560, %parallel_loop3A_567 : i32
        %parallel_loop3A_569 = arith.constant 1024 : i32
        %parallel_loop3A_570 = arith.muli %parallel_loop3A_562, %parallel_loop3A_569 : i32
        %parallel_loop3A_571 = arith.constant 128 : i32
        %parallel_loop3A_572 = arith.muli %parallel_loop3A_566, %parallel_loop3A_571 : i32
        %parallel_loop3A_573 = arith.addi %parallel_loop3A_570, %parallel_loop3A_572 : i32
        %parallel_loop3A_574 = arith.constant 16 : i32
        %parallel_loop3A_575 = arith.muli %parallel_loop3A_568, %parallel_loop3A_574 : i32
        %parallel_loop3A_576 = arith.addi %parallel_loop3A_573, %parallel_loop3A_575 : i32
        %parallel_loop3A_577 = arith.constant 0 : i32
        %parallel_loop3A_578 = arith.index_cast %parallel_loop3A_577 : i32 to index
        %parallel_loop3A_579 = arith.index_cast %parallel_loop3A_576 : i32 to index
        %parallel_loop3A_580 = tpu.vector_load %arg6[%parallel_loop3A_578, %parallel_loop3A_579] {strides = array<i32>} : memref<2x4096xi32, #tpu.memory_space<vmem>>, vector<16xi32>,
        %parallel_loop3A_581 = arith.constant 64 : i32
        %parallel_loop3A_582 = vector.broadcast %parallel_loop3A_581 : i32 to vector<16xi32>
        %parallel_loop3A_583 = arith.muli %parallel_loop3A_580, %parallel_loop3A_582 : vector<16xi32>
        %parallel_loop3A_584 = arith.constant 2048 : i32
        %parallel_loop3A_585 = arith.muli %parallel_loop3A_566, %parallel_loop3A_584 : i32
        %parallel_loop3A_586 = arith.constant 512 : i32
        %parallel_loop3A_587 = arith.muli %parallel_loop3A_562, %parallel_loop3A_586 : i32
        %parallel_loop3A_588 = arith.addi %parallel_loop3A_585, %parallel_loop3A_587 : i32
        %parallel_loop3A_589 = arith.constant 16 : i32
        %parallel_loop3A_590 = arith.muli %parallel_loop3A_568, %parallel_loop3A_589 : i32
        %parallel_loop3A_591 = arith.addi %parallel_loop3A_588, %parallel_loop3A_590 : i32
        %parallel_loop3A_592 = arith.addi %parallel_loop3A_583, %add3A_3 : vector<16xi32>
        %parallel_loop3A_593 = tpu.vector_load_idx %arg5[%parallel_loop3A_592] : memref<640xf32, #tpu.memory_space<vmem>>[vector<16xi32>], vector<16xf32>,
        %parallel_loop3A_594 = arith.constant 0 : i32
        %parallel_loop3A_595 = arith.addi %parallel_loop3A_591, %parallel_loop3A_594 : i32
        %parallel_loop3A_596 = arith.constant 0 : i32
        %parallel_loop3A_597 = arith.index_cast %parallel_loop3A_596 : i32 to index
        %parallel_loop3A_598 = arith.index_cast %parallel_loop3A_595 : i32 to index
        %parallel_loop3A_599 = tpu.vector_load %arg7[%parallel_loop3A_597, %parallel_loop3A_598] {strides = array<i32>} : memref<2x16384xf32, #tpu.memory_space<vmem>>, vector<16xf32>,
        tpu.vector_store %arg7[%parallel_loop3A_597, %parallel_loop3A_598], %parallel_loop3A_593 {strides = array<i32>} : memref<2x16384xf32, #tpu.memory_space<vmem>>, vector<16xf32>,
        %parallel_loop3A_600 = arith.addi %parallel_loop3A_583, %add3A_6 : vector<16xi32>
        %parallel_loop3A_601 = tpu.vector_load_idx %arg5[%parallel_loop3A_600] : memref<640xf32, #tpu.memory_space<vmem>>[vector<16xi32>], vector<16xf32>,
        %parallel_loop3A_602 = arith.constant 128 : i32
        %parallel_loop3A_603 = arith.addi %parallel_loop3A_591, %parallel_loop3A_602 : i32
        %parallel_loop3A_604 = arith.constant 0 : i32
        %parallel_loop3A_605 = arith.index_cast %parallel_loop3A_604 : i32 to index
        %parallel_loop3A_606 = arith.index_cast %parallel_loop3A_603 : i32 to index
        %parallel_loop3A_607 = tpu.vector_load %arg7[%parallel_loop3A_605, %parallel_loop3A_606] {strides = array<i32>} : memref<2x16384xf32, #tpu.memory_space<vmem>>, vector<16xf32>,
        tpu.vector_store %arg7[%parallel_loop3A_605, %parallel_loop3A_606], %parallel_loop3A_601 {strides = array<i32>} : memref<2x16384xf32, #tpu.memory_space<vmem>>, vector<16xf32>,
        %parallel_loop3A_608 = arith.addi %parallel_loop3A_583, %add3A_9 : vector<16xi32>
        %parallel_loop3A_609 = tpu.vector_load_idx %arg5[%parallel_loop3A_608] : memref<640xf32, #tpu.memory_space<vmem>>[vector<16xi32>], vector<16xf32>,
        %parallel_loop3A_610 = arith.constant 256 : i32
        %parallel_loop3A_611 = arith.addi %parallel_loop3A_591, %parallel_loop3A_610 : i32
        %parallel_loop3A_612 = arith.constant 0 : i32
        %parallel_loop3A_613 = arith.index_cast %parallel_loop3A_612 : i32 to index
        %parallel_loop3A_614 = arith.index_cast %parallel_loop3A_611 : i32 to index
        %parallel_loop3A_615 = tpu.vector_load %arg7[%parallel_loop3A_613, %parallel_loop3A_614] {strides = array<i32>} : memref<2x16384xf32, #tpu.memory_space<vmem>>, vector<16xf32>,
        tpu.vector_store %arg7[%parallel_loop3A_613, %parallel_loop3A_614], %parallel_loop3A_609 {strides = array<i32>} : memref<2x16384xf32, #tpu.memory_space<vmem>>, vector<16xf32>,
        %parallel_loop3A_616 = arith.addi %parallel_loop3A_583, %add3A_12 : vector<16xi32>
        %parallel_loop3A_617 = tpu.vector_load_idx %arg5[%parallel_loop3A_616] : memref<640xf32, #tpu.memory_space<vmem>>[vector<16xi32>], vector<16xf32>,
        %parallel_loop3A_618 = arith.constant 384 : i32
        %parallel_loop3A_619 = arith.addi %parallel_loop3A_591, %parallel_loop3A_618 : i32
        %parallel_loop3A_620 = arith.constant 0 : i32
        %parallel_loop3A_621 = arith.index_cast %parallel_loop3A_620 : i32 to index
        %parallel_loop3A_622 = arith.index_cast %parallel_loop3A_619 : i32 to index
        %parallel_loop3A_623 = tpu.vector_load %arg7[%parallel_loop3A_621, %parallel_loop3A_622] {strides = array<i32>} : memref<2x16384xf32, #tpu.memory_space<vmem>>, vector<16xf32>,
        tpu.vector_store %arg7[%parallel_loop3A_621, %parallel_loop3A_622], %parallel_loop3A_617 {strides = array<i32>} : memref<2x16384xf32, #tpu.memory_space<vmem>>, vector<16xf32>,
      } {sc.loop_unroll_factor = 8 : i64, sc.parallel_access}
      %mul3A_229 = arith.constant 8 : i32
      %mul3A_230 = arith.muli %mul3A_229, %mul3A_189 : i32
      %add3A_231 = arith.constant 0 : i32
      %add3A_232 = arith.addi %mul3A_230, %add3A_231 : i32
      %mul3A_233 = arith.constant 65536 : i32
      %mul3A_234 = arith.muli %add3A_232, %mul3A_233 : i32
      %mul3A_235 = arith.constant 2048 : i32
      %mul3A_236 = arith.muli %mul3A_235, %add3A : i32
      %add3A_237 = arith.addi %mul3A_234, %mul3A_236 : i32
      %dma_start3A_238 = arith.constant 0 : i32
      %dma_start3A_239 = arith.constant 0 : i32
      %dma_start3A_240 = tpu.memref_slice %arg7[%dma_start3A_238, %dma_start3A_239] : memref<2x16384xf32, #tpu.memory_space<vmem>> -> memref<1x2048xf32, #tpu.memory_space<vmem>>
      %dma_start3A_241 = tpu.memref_squeeze %dma_start3A_240 : memref<1x2048xf32, #tpu.memory_space<vmem>> -> memref<2048xf32, #tpu.memory_space<vmem>>
      %dma_start3A_242 = tpu.memref_slice %arg4[%add3A_237] : memref<13107200xf32, #tpu.memory_space<hbm>> -> memref<2048xf32, #tpu.memory_space<hbm>>
      %dma_start3A_243 = tpu.memref_slice %arg4[%add3A_237] : memref<13107200xf32, #tpu.memory_space<hbm>> -> memref<2048xf32, #tpu.memory_space<hbm>>
      %dma_start3A_244 = arith.constant 0 : i32
      %dma_start3A_245 = tpu.memref_slice %arg7[%dma_start3A_238, %dma_start3A_244] : memref<2x16384xf32, #tpu.memory_space<vmem>> -> memref<1x2048xf32, #tpu.memory_space<vmem>>
      %dma_start3A_246 = tpu.memref_squeeze %dma_start3A_245 : memref<1x2048xf32, #tpu.memory_space<vmem>> -> memref<2048xf32, #tpu.memory_space<vmem>>
      tpu.enqueue_dma source(%dma_start3A_246 : memref<2048xf32, #tpu.memory_space<vmem>>) target(%dma_start3A_243 : memref<2048xf32, #tpu.memory_space<hbm>>) target_semaphore(%arg10 : memref<!tpu.dma_semaphore, #tpu.memory_space<semaphore_mem>>)
      %mul3A_247 = arith.constant 8 : i32
      %mul3A_248 = arith.muli %mul3A_247, %mul3A_189 : i32
      %add3A_249 = arith.constant 1 : i32
      %add3A_250 = arith.addi %mul3A_248, %add3A_249 : i32
      %mul3A_251 = arith.constant 65536 : i32
      %mul3A_252 = arith.muli %add3A_250, %mul3A_251 : i32
      %mul3A_253 = arith.constant 2048 : i32
      %mul3A_254 = arith.muli %mul3A_253, %add3A : i32
      %add3A_255 = arith.addi %mul3A_252, %mul3A_254 : i32
      %dma_start3A_256 = arith.constant 0 : i32
      %dma_start3A_257 = arith.constant 2048 : i32
      %dma_start3A_258 = tpu.memref_slice %arg7[%dma_start3A_256, %dma_start3A_257] : memref<2x16384xf32, #tpu.memory_space<vmem>> -> memref<1x2048xf32, #tpu.memory_space<vmem>>
      %dma_start3A_259 = tpu.memref_squeeze %dma_start3A_258 : memref<1x2048xf32, #tpu.memory_space<vmem>> -> memref<2048xf32, #tpu.memory_space<vmem>>
      %dma_start3A_260 = tpu.memref_slice %arg4[%add3A_255] : memref<13107200xf32, #tpu.memory_space<hbm>> -> memref<2048xf32, #tpu.memory_space<hbm>>
      %dma_start3A_261 = tpu.memref_slice %arg4[%add3A_255] : memref<13107200xf32, #tpu.memory_space<hbm>> -> memref<2048xf32, #tpu.memory_space<hbm>>
      %dma_start3A_262 = arith.constant 2048 : i32
      %dma_start3A_263 = tpu.memref_slice %arg7[%dma_start3A_256, %dma_start3A_262] : memref<2x16384xf32, #tpu.memory_space<vmem>> -> memref<1x2048xf32, #tpu.memory_space<vmem>>
      %dma_start3A_264 = tpu.memref_squeeze %dma_start3A_263 : memref<1x2048xf32, #tpu.memory_space<vmem>> -> memref<2048xf32, #tpu.memory_space<vmem>>
      tpu.enqueue_dma source(%dma_start3A_264 : memref<2048xf32, #tpu.memory_space<vmem>>) target(%dma_start3A_261 : memref<2048xf32, #tpu.memory_space<hbm>>) target_semaphore(%arg10 : memref<!tpu.dma_semaphore, #tpu.memory_space<semaphore_mem>>)
      %mul3A_265 = arith.constant 8 : i32
      %mul3A_266 = arith.muli %mul3A_265, %mul3A_189 : i32
      %add3A_267 = arith.constant 2 : i32
      %add3A_268 = arith.addi %mul3A_266, %add3A_267 : i32
      %mul3A_269 = arith.constant 65536 : i32
      %mul3A_270 = arith.muli %add3A_268, %mul3A_269 : i32
      %mul3A_271 = arith.constant 2048 : i32
      %mul3A_272 = arith.muli %mul3A_271, %add3A : i32
      %add3A_273 = arith.addi %mul3A_270, %mul3A_272 : i32
      %dma_start3A_274 = arith.constant 0 : i32
      %dma_start3A_275 = arith.constant 4096 : i32
      %dma_start3A_276 = tpu.memref_slice %arg7[%dma_start3A_274, %dma_start3A_275] : memref<2x16384xf32, #tpu.memory_space<vmem>> -> memref<1x2048xf32, #tpu.memory_space<vmem>>
      %dma_start3A_277 = tpu.memref_squeeze %dma_start3A_276 : memref<1x2048xf32, #tpu.memory_space<vmem>> -> memref<2048xf32, #tpu.memory_space<vmem>>
      %dma_start3A_278 = tpu.memref_slice %arg4[%add3A_273] : memref<13107200xf32, #tpu.memory_space<hbm>> -> memref<2048xf32, #tpu.memory_space<hbm>>
      %dma_start3A_279 = tpu.memref_slice %arg4[%add3A_273] : memref<13107200xf32, #tpu.memory_space<hbm>> -> memref<2048xf32, #tpu.memory_space<hbm>>
      %dma_start3A_280 = arith.constant 4096 : i32
      %dma_start3A_281 = tpu.memref_slice %arg7[%dma_start3A_274, %dma_start3A_280] : memref<2x16384xf32, #tpu.memory_space<vmem>> -> memref<1x2048xf32, #tpu.memory_space<vmem>>
      %dma_start3A_282 = tpu.memref_squeeze %dma_start3A_281 : memref<1x2048xf32, #tpu.memory_space<vmem>> -> memref<2048xf32, #tpu.memory_space<vmem>>
      tpu.enqueue_dma source(%dma_start3A_282 : memref<2048xf32, #tpu.memory_space<vmem>>) target(%dma_start3A_279 : memref<2048xf32, #tpu.memory_space<hbm>>) target_semaphore(%arg10 : memref<!tpu.dma_semaphore, #tpu.memory_space<semaphore_mem>>)
      %mul3A_283 = arith.constant 8 : i32
      %mul3A_284 = arith.muli %mul3A_283, %mul3A_189 : i32
      %add3A_285 = arith.constant 3 : i32
      %add3A_286 = arith.addi %mul3A_284, %add3A_285 : i32
      %mul3A_287 = arith.constant 65536 : i32
      %mul3A_288 = arith.muli %add3A_286, %mul3A_287 : i32
      %mul3A_289 = arith.constant 2048 : i32
      %mul3A_290 = arith.muli %mul3A_289, %add3A : i32
      %add3A_291 = arith.addi %mul3A_288, %mul3A_290 : i32
      %dma_start3A_292 = arith.constant 0 : i32
      %dma_start3A_293 = arith.constant 6144 : i32
      %dma_start3A_294 = tpu.memref_slice %arg7[%dma_start3A_292, %dma_start3A_293] : memref<2x16384xf32, #tpu.memory_space<vmem>> -> memref<1x2048xf32, #tpu.memory_space<vmem>>
      %dma_start3A_295 = tpu.memref_squeeze %dma_start3A_294 : memref<1x2048xf32, #tpu.memory_space<vmem>> -> memref<2048xf32, #tpu.memory_space<vmem>>
      %dma_start3A_296 = tpu.memref_slice %arg4[%add3A_291] : memref<13107200xf32, #tpu.memory_space<hbm>> -> memref<2048xf32, #tpu.memory_space<hbm>>
      %dma_start3A_297 = tpu.memref_slice %arg4[%add3A_291] : memref<13107200xf32, #tpu.memory_space<hbm>> -> memref<2048xf32, #tpu.memory_space<hbm>>
      %dma_start3A_298 = arith.constant 6144 : i32
      %dma_start3A_299 = tpu.memref_slice %arg7[%dma_start3A_292, %dma_start3A_298] : memref<2x16384xf32, #tpu.memory_space<vmem>> -> memref<1x2048xf32, #tpu.memory_space<vmem>>
      %dma_start3A_300 = tpu.memref_squeeze %dma_start3A_299 : memref<1x2048xf32, #tpu.memory_space<vmem>> -> memref<2048xf32, #tpu.memory_space<vmem>>
      tpu.enqueue_dma source(%dma_start3A_300 : memref<2048xf32, #tpu.memory_space<vmem>>) target(%dma_start3A_297 : memref<2048xf32, #tpu.memory_space<hbm>>) target_semaphore(%arg10 : memref<!tpu.dma_semaphore, #tpu.memory_space<semaphore_mem>>)
      %mul3A_301 = arith.constant 8 : i32
      %mul3A_302 = arith.muli %mul3A_301, %mul3A_189 : i32
      %add3A_303 = arith.constant 4 : i32
      %add3A_304 = arith.addi %mul3A_302, %add3A_303 : i32
      %mul3A_305 = arith.constant 65536 : i32
      %mul3A_306 = arith.muli %add3A_304, %mul3A_305 : i32
      %mul3A_307 = arith.constant 2048 : i32
      %mul3A_308 = arith.muli %mul3A_307, %add3A : i32
      %add3A_309 = arith.addi %mul3A_306, %mul3A_308 : i32
      %dma_start3A_310 = arith.constant 0 : i32
      %dma_start3A_311 = arith.constant 8192 : i32
      %dma_start3A_312 = tpu.memref_slice %arg7[%dma_start3A_310, %dma_start3A_311] : memref<2x16384xf32, #tpu.memory_space<vmem>> -> memref<1x2048xf32, #tpu.memory_space<vmem>>
      %dma_start3A_313 = tpu.memref_squeeze %dma_start3A_312 : memref<1x2048xf32, #tpu.memory_space<vmem>> -> memref<2048xf32, #tpu.memory_space<vmem>>
      %dma_start3A_314 = tpu.memref_slice %arg4[%add3A_309] : memref<13107200xf32, #tpu.memory_space<hbm>> -> memref<2048xf32, #tpu.memory_space<hbm>>
      %dma_start3A_315 = tpu.memref_slice %arg4[%add3A_309] : memref<13107200xf32, #tpu.memory_space<hbm>> -> memref<2048xf32, #tpu.memory_space<hbm>>
      %dma_start3A_316 = arith.constant 8192 : i32
      %dma_start3A_317 = tpu.memref_slice %arg7[%dma_start3A_310, %dma_start3A_316] : memref<2x16384xf32, #tpu.memory_space<vmem>> -> memref<1x2048xf32, #tpu.memory_space<vmem>>
      %dma_start3A_318 = tpu.memref_squeeze %dma_start3A_317 : memref<1x2048xf32, #tpu.memory_space<vmem>> -> memref<2048xf32, #tpu.memory_space<vmem>>
      tpu.enqueue_dma source(%dma_start3A_318 : memref<2048xf32, #tpu.memory_space<vmem>>) target(%dma_start3A_315 : memref<2048xf32, #tpu.memory_space<hbm>>) target_semaphore(%arg10 : memref<!tpu.dma_semaphore, #tpu.memory_space<semaphore_mem>>)
      %mul3A_319 = arith.constant 8 : i32
      %mul3A_320 = arith.muli %mul3A_319, %mul3A_189 : i32
      %add3A_321 = arith.constant 5 : i32
      %add3A_322 = arith.addi %mul3A_320, %add3A_321 : i32
      %mul3A_323 = arith.constant 65536 : i32
      %mul3A_324 = arith.muli %add3A_322, %mul3A_323 : i32
      %mul3A_325 = arith.constant 2048 : i32
      %mul3A_326 = arith.muli %mul3A_325, %add3A : i32
      %add3A_327 = arith.addi %mul3A_324, %mul3A_326 : i32
      %dma_start3A_328 = arith.constant 0 : i32
      %dma_start3A_329 = arith.constant 10240 : i32
      %dma_start3A_330 = tpu.memref_slice %arg7[%dma_start3A_328, %dma_start3A_329] : memref<2x16384xf32, #tpu.memory_space<vmem>> -> memref<1x2048xf32, #tpu.memory_space<vmem>>
      %dma_start3A_331 = tpu.memref_squeeze %dma_start3A_330 : memref<1x2048xf32, #tpu.memory_space<vmem>> -> memref<2048xf32, #tpu.memory_space<vmem>>
      %dma_start3A_332 = tpu.memref_slice %arg4[%add3A_327] : memref<13107200xf32, #tpu.memory_space<hbm>> -> memref<2048xf32, #tpu.memory_space<hbm>>
      %dma_start3A_333 = tpu.memref_slice %arg4[%add3A_327] : memref<13107200xf32, #tpu.memory_space<hbm>> -> memref<2048xf32, #tpu.memory_space<hbm>>
      %dma_start3A_334 = arith.constant 10240 : i32
      %dma_start3A_335 = tpu.memref_slice %arg7[%dma_start3A_328, %dma_start3A_334] : memref<2x16384xf32, #tpu.memory_space<vmem>> -> memref<1x2048xf32, #tpu.memory_space<vmem>>
      %dma_start3A_336 = tpu.memref_squeeze %dma_start3A_335 : memref<1x2048xf32, #tpu.memory_space<vmem>> -> memref<2048xf32, #tpu.memory_space<vmem>>
      tpu.enqueue_dma source(%dma_start3A_336 : memref<2048xf32, #tpu.memory_space<vmem>>) target(%dma_start3A_333 : memref<2048xf32, #tpu.memory_space<hbm>>) target_semaphore(%arg10 : memref<!tpu.dma_semaphore, #tpu.memory_space<semaphore_mem>>)
      %mul3A_337 = arith.constant 8 : i32
      %mul3A_338 = arith.muli %mul3A_337, %mul3A_189 : i32
      %add3A_339 = arith.constant 6 : i32
      %add3A_340 = arith.addi %mul3A_338, %add3A_339 : i32
      %mul3A_341 = arith.constant 65536 : i32
      %mul3A_342 = arith.muli %add3A_340, %mul3A_341 : i32
      %mul3A_343 = arith.constant 2048 : i32
      %mul3A_344 = arith.muli %mul3A_343, %add3A : i32
      %add3A_345 = arith.addi %mul3A_342, %mul3A_344 : i32
      %dma_start3A_346 = arith.constant 0 : i32
      %dma_start3A_347 = arith.constant 12288 : i32
      %dma_start3A_348 = tpu.memref_slice %arg7[%dma_start3A_346, %dma_start3A_347] : memref<2x16384xf32, #tpu.memory_space<vmem>> -> memref<1x2048xf32, #tpu.memory_space<vmem>>
      %dma_start3A_349 = tpu.memref_squeeze %dma_start3A_348 : memref<1x2048xf32, #tpu.memory_space<vmem>> -> memref<2048xf32, #tpu.memory_space<vmem>>
      %dma_start3A_350 = tpu.memref_slice %arg4[%add3A_345] : memref<13107200xf32, #tpu.memory_space<hbm>> -> memref<2048xf32, #tpu.memory_space<hbm>>
      %dma_start3A_351 = tpu.memref_slice %arg4[%add3A_345] : memref<13107200xf32, #tpu.memory_space<hbm>> -> memref<2048xf32, #tpu.memory_space<hbm>>
      %dma_start3A_352 = arith.constant 12288 : i32
      %dma_start3A_353 = tpu.memref_slice %arg7[%dma_start3A_346, %dma_start3A_352] : memref<2x16384xf32, #tpu.memory_space<vmem>> -> memref<1x2048xf32, #tpu.memory_space<vmem>>
      %dma_start3A_354 = tpu.memref_squeeze %dma_start3A_353 : memref<1x2048xf32, #tpu.memory_space<vmem>> -> memref<2048xf32, #tpu.memory_space<vmem>>
      tpu.enqueue_dma source(%dma_start3A_354 : memref<2048xf32, #tpu.memory_space<vmem>>) target(%dma_start3A_351 : memref<2048xf32, #tpu.memory_space<hbm>>) target_semaphore(%arg10 : memref<!tpu.dma_semaphore, #tpu.memory_space<semaphore_mem>>)
      %mul3A_355 = arith.constant 8 : i32
      %mul3A_356 = arith.muli %mul3A_355, %mul3A_189 : i32
      %add3A_357 = arith.constant 7 : i32
      %add3A_358 = arith.addi %mul3A_356, %add3A_357 : i32
      %mul3A_359 = arith.constant 65536 : i32
      %mul3A_360 = arith.muli %add3A_358, %mul3A_359 : i32
      %mul3A_361 = arith.constant 2048 : i32
      %mul3A_362 = arith.muli %mul3A_361, %add3A : i32
      %add3A_363 = arith.addi %mul3A_360, %mul3A_362 : i32
      %dma_start3A_364 = arith.constant 0 : i32
      %dma_start3A_365 = arith.constant 14336 : i32
      %dma_start3A_366 = tpu.memref_slice %arg7[%dma_start3A_364, %dma_start3A_365] : memref<2x16384xf32, #tpu.memory_space<vmem>> -> memref<1x2048xf32, #tpu.memory_space<vmem>>
      %dma_start3A_367 = tpu.memref_squeeze %dma_start3A_366 : memref<1x2048xf32, #tpu.memory_space<vmem>> -> memref<2048xf32, #tpu.memory_space<vmem>>
      %dma_start3A_368 = tpu.memref_slice %arg4[%add3A_363] : memref<13107200xf32, #tpu.memory_space<hbm>> -> memref<2048xf32, #tpu.memory_space<hbm>>
      %dma_start3A_369 = tpu.memref_slice %arg4[%add3A_363] : memref<13107200xf32, #tpu.memory_space<hbm>> -> memref<2048xf32, #tpu.memory_space<hbm>>
      %dma_start3A_370 = arith.constant 14336 : i32
      %dma_start3A_371 = tpu.memref_slice %arg7[%dma_start3A_364, %dma_start3A_370] : memref<2x16384xf32, #tpu.memory_space<vmem>> -> memref<1x2048xf32, #tpu.memory_space<vmem>>
      %dma_start3A_372 = tpu.memref_squeeze %dma_start3A_371 : memref<1x2048xf32, #tpu.memory_space<vmem>> -> memref<2048xf32, #tpu.memory_space<vmem>>
      tpu.enqueue_dma source(%dma_start3A_372 : memref<2048xf32, #tpu.memory_space<vmem>>) target(%dma_start3A_369 : memref<2048xf32, #tpu.memory_space<hbm>>) target_semaphore(%arg10 : memref<!tpu.dma_semaphore, #tpu.memory_space<semaphore_mem>>)
      %add3A_373 = arith.constant 2 : i32
      %add3A_374 = arith.addi %mul3A_189, %add3A_373 : i32
      %mul3A_375 = arith.constant 128 : i32
      %mul3A_376 = arith.muli %add3A_374, %mul3A_375 : i32
      %mul3A_377 = arith.constant 4 : i32
      %mul3A_378 = arith.muli %mul3A_377, %add3A : i32
      %add3A_379 = arith.addi %mul3A_376, %mul3A_378 : i32
      %mul3A_380 = arith.constant 1024 : i32
      %mul3A_381 = arith.muli %add3A_379, %mul3A_380 : i32
      %dma_start3A_382 = arith.constant 0 : i32
      %dma_start3A_383 = arith.constant 0 : i32
      %dma_start3A_384 = tpu.memref_slice %arg6[%dma_start3A_382, %dma_start3A_383] : memref<2x4096xi32, #tpu.memory_space<vmem>> -> memref<1x4096xi32, #tpu.memory_space<vmem>>
      %dma_start3A_385 = tpu.memref_squeeze %dma_start3A_384 : memref<1x4096xi32, #tpu.memory_space<vmem>> -> memref<4096xi32, #tpu.memory_space<vmem>>
      %dma_start3A_386 = tpu.memref_slice %arg2[%mul3A_381] : memref<3276800xi32, #tpu.memory_space<hbm>> -> memref<4096xi32, #tpu.memory_space<hbm>>
      %dma_start3A_387 = arith.constant 0 : i32
      %dma_start3A_388 = tpu.memref_slice %arg6[%dma_start3A_382, %dma_start3A_387] : memref<2x4096xi32, #tpu.memory_space<vmem>> -> memref<1x4096xi32, #tpu.memory_space<vmem>>
      %dma_start3A_389 = tpu.memref_squeeze %dma_start3A_388 : memref<1x4096xi32, #tpu.memory_space<vmem>> -> memref<4096xi32, #tpu.memory_space<vmem>>
      %dma_start3A_390 = tpu.memref_slice %arg2[%mul3A_381] : memref<3276800xi32, #tpu.memory_space<hbm>> -> memref<4096xi32, #tpu.memory_space<hbm>>
      tpu.enqueue_dma source(%dma_start3A_390 : memref<4096xi32, #tpu.memory_space<hbm>>) target(%dma_start3A_389 : memref<4096xi32, #tpu.memory_space<vmem>>) target_semaphore(%arg8 : memref<!tpu.dma_semaphore, #tpu.memory_space<semaphore_mem>>)
      %mul3A_391 = arith.constant 128 : i32
      %mul3A_392 = arith.muli %add3A_191, %mul3A_391 : i32
      %mul3A_393 = arith.constant 4 : i32
      %mul3A_394 = arith.muli %mul3A_393, %add3A : i32
      %add3A_395 = arith.addi %mul3A_392, %mul3A_394 : i32
      %mul3A_396 = arith.constant 1024 : i32
      %mul3A_397 = arith.muli %add3A_395, %mul3A_396 : i32
      %dma_wait3A_398 = arith.constant 1 : i32
      %dma_wait3A_399 = arith.constant 0 : i32
      %dma_wait3A_400 = tpu.memref_slice %arg6[%dma_wait3A_398, %dma_wait3A_399] : memref<2x4096xi32, #tpu.memory_space<vmem>> -> memref<1x4096xi32, #tpu.memory_space<vmem>>
      %dma_wait3A_401 = tpu.memref_squeeze %dma_wait3A_400 : memref<1x4096xi32, #tpu.memory_space<vmem>> -> memref<4096xi32, #tpu.memory_space<vmem>>
      %dma_wait3A_402 = tpu.memref_slice %arg2[%mul3A_397] : memref<3276800xi32, #tpu.memory_space<hbm>> -> memref<4096xi32, #tpu.memory_space<hbm>>
      %dma_wait3A_403 = arith.constant 0 : i32
      %dma_wait3A_404 = tpu.memref_slice %arg6[%dma_wait3A_398, %dma_wait3A_403] : memref<2x4096xi32, #tpu.memory_space<vmem>> -> memref<1x4096xi32, #tpu.memory_space<vmem>>
      %dma_wait3A_405 = tpu.memref_squeeze %dma_wait3A_404 : memref<1x4096xi32, #tpu.memory_space<vmem>> -> memref<4096xi32, #tpu.memory_space<vmem>>
      %dma_wait3A_406 = tpu.memref_slice %arg2[%mul3A_397] : memref<3276800xi32, #tpu.memory_space<hbm>> -> memref<4096xi32, #tpu.memory_space<hbm>>
      tpu.wait_dma2 semaphore(%arg9 : memref<!tpu.dma_semaphore, #tpu.memory_space<semaphore_mem>>) src(%dma_wait3A_406 : memref<4096xi32, #tpu.memory_space<hbm>>) dst(%dma_wait3A_405 : memref<4096xi32, #tpu.memory_space<vmem>>)
      %ge3A_407 = arith.constant 1 : i32
      %ge3A_408 = arith.cmpi sge, %scan3A_186, %ge3A_407 : i32
      %convert_element_type3A_409 = arith.extui %ge3A_408 : i1 to i32
      %cond3A_410 = arith.constant 0 : i32
      %cond3A_411 = arith.cmpi ne, %convert_element_type3A_409, %cond3A_410 : i32
      scf.if %cond3A_411 {
        %dma_wait3A_560 = arith.constant 1 : i32
        %dma_wait3A_561 = arith.constant 0 : i32
        %dma_wait3A_562 = tpu.memref_slice %arg7[%dma_wait3A_560, %dma_wait3A_561] : memref<2x16384xf32, #tpu.memory_space<vmem>> -> memref<1x16384xf32, #tpu.memory_space<vmem>>
        %dma_wait3A_563 = tpu.memref_squeeze %dma_wait3A_562 : memref<1x16384xf32, #tpu.memory_space<vmem>> -> memref<16384xf32, #tpu.memory_space<vmem>>
        %dma_wait3A_564 = arith.constant 0 : i32
        %dma_wait3A_565 = tpu.memref_slice %arg4[%dma_wait3A_564] : memref<13107200xf32, #tpu.memory_space<hbm>> -> memref<16384xf32, #tpu.memory_space<hbm>>
        %dma_wait3A_566 = arith.constant 0 : i32
        %dma_wait3A_567 = tpu.memref_slice %arg7[%dma_wait3A_560, %dma_wait3A_566] : memref<2x16384xf32, #tpu.memory_space<vmem>> -> memref<1x16384xf32, #tpu.memory_space<vmem>>
        %dma_wait3A_568 = tpu.memref_squeeze %dma_wait3A_567 : memref<1x16384xf32, #tpu.memory_space<vmem>> -> memref<16384xf32, #tpu.memory_space<vmem>>
        %dma_wait3A_569 = arith.constant 0 : i32
        %dma_wait3A_570 = tpu.memref_slice %arg4[%dma_wait3A_569] : memref<13107200xf32, #tpu.memory_space<hbm>> -> memref<16384xf32, #tpu.memory_space<hbm>>
        tpu.wait_dma2 semaphore(%arg11 : memref<!tpu.dma_semaphore, #tpu.memory_space<semaphore_mem>>) src(%dma_wait3A_570 : memref<16384xf32, #tpu.memory_space<hbm>>) dst(%dma_wait3A_568 : memref<16384xf32, #tpu.memory_space<vmem>>)
      } else {
      }
      %parallel_loop3A_412 = arith.constant 0 : i32
      %parallel_loop3A_413 = arith.constant 256 : i32
      %parallel_loop3A_414 = arith.constant 1 : i32
      scf.for %parallel_loop3A_560 = %parallel_loop3A_412 to %parallel_loop3A_413 step %parallel_loop3A_414  : i32 {
        %parallel_loop3A_561 = arith.constant 6 : i32
        %parallel_loop3A_562 = arith.shrsi %parallel_loop3A_560, %parallel_loop3A_561 : i32
        %parallel_loop3A_563 = arith.constant 3 : i32
        %parallel_loop3A_564 = arith.shrsi %parallel_loop3A_560, %parallel_loop3A_563 : i32
        %parallel_loop3A_565 = arith.constant 7 : i32
        %parallel_loop3A_566 = arith.andi %parallel_loop3A_564, %parallel_loop3A_565 : i32
        %parallel_loop3A_567 = arith.constant 7 : i32
        %parallel_loop3A_568 = arith.andi %parallel_loop3A_560, %parallel_loop3A_567 : i32
        %parallel_loop3A_569 = arith.constant 1024 : i32
        %parallel_loop3A_570 = arith.muli %parallel_loop3A_562, %parallel_loop3A_569 : i32
        %parallel_loop3A_571 = arith.constant 128 : i32
        %parallel_loop3A_572 = arith.muli %parallel_loop3A_566, %parallel_loop3A_571 : i32
        %parallel_loop3A_573 = arith.addi %parallel_loop3A_570, %parallel_loop3A_572 : i32
        %parallel_loop3A_574 = arith.constant 16 : i32
        %parallel_loop3A_575 = arith.muli %parallel_loop3A_568, %parallel_loop3A_574 : i32
        %parallel_loop3A_576 = arith.addi %parallel_loop3A_573, %parallel_loop3A_575 : i32
        %parallel_loop3A_577 = arith.constant 1 : i32
        %parallel_loop3A_578 = arith.index_cast %parallel_loop3A_577 : i32 to index
        %parallel_loop3A_579 = arith.index_cast %parallel_loop3A_576 : i32 to index
        %parallel_loop3A_580 = tpu.vector_load %arg6[%parallel_loop3A_578, %parallel_loop3A_579] {strides = array<i32>} : memref<2x4096xi32, #tpu.memory_space<vmem>>, vector<16xi32>,
        %parallel_loop3A_581 = arith.constant 64 : i32
        %parallel_loop3A_582 = vector.broadcast %parallel_loop3A_581 : i32 to vector<16xi32>
        %parallel_loop3A_583 = arith.muli %parallel_loop3A_580, %parallel_loop3A_582 : vector<16xi32>
        %parallel_loop3A_584 = arith.constant 2048 : i32
        %parallel_loop3A_585 = arith.muli %parallel_loop3A_566, %parallel_loop3A_584 : i32
        %parallel_loop3A_586 = arith.constant 512 : i32
        %parallel_loop3A_587 = arith.muli %parallel_loop3A_562, %parallel_loop3A_586 : i32
        %parallel_loop3A_588 = arith.addi %parallel_loop3A_585, %parallel_loop3A_587 : i32
        %parallel_loop3A_589 = arith.constant 16 : i32
        %parallel_loop3A_590 = arith.muli %parallel_loop3A_568, %parallel_loop3A_589 : i32
        %parallel_loop3A_591 = arith.addi %parallel_loop3A_588, %parallel_loop3A_590 : i32
        %parallel_loop3A_592 = arith.addi %parallel_loop3A_583, %add3A_3 : vector<16xi32>
        %parallel_loop3A_593 = tpu.vector_load_idx %arg5[%parallel_loop3A_592] : memref<640xf32, #tpu.memory_space<vmem>>[vector<16xi32>], vector<16xf32>,
        %parallel_loop3A_594 = arith.constant 0 : i32
        %parallel_loop3A_595 = arith.addi %parallel_loop3A_591, %parallel_loop3A_594 : i32
        %parallel_loop3A_596 = arith.constant 1 : i32
        %parallel_loop3A_597 = arith.index_cast %parallel_loop3A_596 : i32 to index
        %parallel_loop3A_598 = arith.index_cast %parallel_loop3A_595 : i32 to index
        %parallel_loop3A_599 = tpu.vector_load %arg7[%parallel_loop3A_597, %parallel_loop3A_598] {strides = array<i32>} : memref<2x16384xf32, #tpu.memory_space<vmem>>, vector<16xf32>,
        tpu.vector_store %arg7[%parallel_loop3A_597, %parallel_loop3A_598], %parallel_loop3A_593 {strides = array<i32>} : memref<2x16384xf32, #tpu.memory_space<vmem>>, vector<16xf32>,
        %parallel_loop3A_600 = arith.addi %parallel_loop3A_583, %add3A_6 : vector<16xi32>
        %parallel_loop3A_601 = tpu.vector_load_idx %arg5[%parallel_loop3A_600] : memref<640xf32, #tpu.memory_space<vmem>>[vector<16xi32>], vector<16xf32>,
        %parallel_loop3A_602 = arith.constant 128 : i32
        %parallel_loop3A_603 = arith.addi %parallel_loop3A_591, %parallel_loop3A_602 : i32
        %parallel_loop3A_604 = arith.constant 1 : i32
        %parallel_loop3A_605 = arith.index_cast %parallel_loop3A_604 : i32 to index
        %parallel_loop3A_606 = arith.index_cast %parallel_loop3A_603 : i32 to index
        %parallel_loop3A_607 = tpu.vector_load %arg7[%parallel_loop3A_605, %parallel_loop3A_606] {strides = array<i32>} : memref<2x16384xf32, #tpu.memory_space<vmem>>, vector<16xf32>,
        tpu.vector_store %arg7[%parallel_loop3A_605, %parallel_loop3A_606], %parallel_loop3A_601 {strides = array<i32>} : memref<2x16384xf32, #tpu.memory_space<vmem>>, vector<16xf32>,
        %parallel_loop3A_608 = arith.addi %parallel_loop3A_583, %add3A_9 : vector<16xi32>
        %parallel_loop3A_609 = tpu.vector_load_idx %arg5[%parallel_loop3A_608] : memref<640xf32, #tpu.memory_space<vmem>>[vector<16xi32>], vector<16xf32>,
        %parallel_loop3A_610 = arith.constant 256 : i32
        %parallel_loop3A_611 = arith.addi %parallel_loop3A_591, %parallel_loop3A_610 : i32
        %parallel_loop3A_612 = arith.constant 1 : i32
        %parallel_loop3A_613 = arith.index_cast %parallel_loop3A_612 : i32 to index
        %parallel_loop3A_614 = arith.index_cast %parallel_loop3A_611 : i32 to index
        %parallel_loop3A_615 = tpu.vector_load %arg7[%parallel_loop3A_613, %parallel_loop3A_614] {strides = array<i32>} : memref<2x16384xf32, #tpu.memory_space<vmem>>, vector<16xf32>,
        tpu.vector_store %arg7[%parallel_loop3A_613, %parallel_loop3A_614], %parallel_loop3A_609 {strides = array<i32>} : memref<2x16384xf32, #tpu.memory_space<vmem>>, vector<16xf32>,
        %parallel_loop3A_616 = arith.addi %parallel_loop3A_583, %add3A_12 : vector<16xi32>
        %parallel_loop3A_617 = tpu.vector_load_idx %arg5[%parallel_loop3A_616] : memref<640xf32, #tpu.memory_space<vmem>>[vector<16xi32>], vector<16xf32>,
        %parallel_loop3A_618 = arith.constant 384 : i32
        %parallel_loop3A_619 = arith.addi %parallel_loop3A_591, %parallel_loop3A_618 : i32
        %parallel_loop3A_620 = arith.constant 1 : i32
        %parallel_loop3A_621 = arith.index_cast %parallel_loop3A_620 : i32 to index
        %parallel_loop3A_622 = arith.index_cast %parallel_loop3A_619 : i32 to index
        %parallel_loop3A_623 = tpu.vector_load %arg7[%parallel_loop3A_621, %parallel_loop3A_622] {strides = array<i32>} : memref<2x16384xf32, #tpu.memory_space<vmem>>, vector<16xf32>,
        tpu.vector_store %arg7[%parallel_loop3A_621, %parallel_loop3A_622], %parallel_loop3A_617 {strides = array<i32>} : memref<2x16384xf32, #tpu.memory_space<vmem>>, vector<16xf32>,
      } {sc.loop_unroll_factor = 8 : i64, sc.parallel_access}
      %mul3A_415 = arith.constant 8 : i32
      %mul3A_416 = arith.muli %mul3A_415, %add3A_191 : i32
      %add3A_417 = arith.constant 0 : i32
      %add3A_418 = arith.addi %mul3A_416, %add3A_417 : i32
      %mul3A_419 = arith.constant 65536 : i32
      %mul3A_420 = arith.muli %add3A_418, %mul3A_419 : i32
      %mul3A_421 = arith.constant 2048 : i32
      %mul3A_422 = arith.muli %mul3A_421, %add3A : i32
      %add3A_423 = arith.addi %mul3A_420, %mul3A_422 : i32
      %dma_start3A_424 = arith.constant 1 : i32
      %dma_start3A_425 = arith.constant 0 : i32
      %dma_start3A_426 = tpu.memref_slice %arg7[%dma_start3A_424, %dma_start3A_425] : memref<2x16384xf32, #tpu.memory_space<vmem>> -> memref<1x2048xf32, #tpu.memory_space<vmem>>
      %dma_start3A_427 = tpu.memref_squeeze %dma_start3A_426 : memref<1x2048xf32, #tpu.memory_space<vmem>> -> memref<2048xf32, #tpu.memory_space<vmem>>
      %dma_start3A_428 = tpu.memref_slice %arg4[%add3A_423] : memref<13107200xf32, #tpu.memory_space<hbm>> -> memref<2048xf32, #tpu.memory_space<hbm>>
      %dma_start3A_429 = tpu.memref_slice %arg4[%add3A_423] : memref<13107200xf32, #tpu.memory_space<hbm>> -> memref<2048xf32, #tpu.memory_space<hbm>>
      %dma_start3A_430 = arith.constant 0 : i32
      %dma_start3A_431 = tpu.memref_slice %arg7[%dma_start3A_424, %dma_start3A_430] : memref<2x16384xf32, #tpu.memory_space<vmem>> -> memref<1x2048xf32, #tpu.memory_space<vmem>>
      %dma_start3A_432 = tpu.memref_squeeze %dma_start3A_431 : memref<1x2048xf32, #tpu.memory_space<vmem>> -> memref<2048xf32, #tpu.memory_space<vmem>>
      tpu.enqueue_dma source(%dma_start3A_432 : memref<2048xf32, #tpu.memory_space<vmem>>) target(%dma_start3A_429 : memref<2048xf32, #tpu.memory_space<hbm>>) target_semaphore(%arg11 : memref<!tpu.dma_semaphore, #tpu.memory_space<semaphore_mem>>)
      %mul3A_433 = arith.constant 8 : i32
      %mul3A_434 = arith.muli %mul3A_433, %add3A_191 : i32
      %add3A_435 = arith.constant 1 : i32
      %add3A_436 = arith.addi %mul3A_434, %add3A_435 : i32
      %mul3A_437 = arith.constant 65536 : i32
      %mul3A_438 = arith.muli %add3A_436, %mul3A_437 : i32
      %mul3A_439 = arith.constant 2048 : i32
      %mul3A_440 = arith.muli %mul3A_439, %add3A : i32
      %add3A_441 = arith.addi %mul3A_438, %mul3A_440 : i32
      %dma_start3A_442 = arith.constant 1 : i32
      %dma_start3A_443 = arith.constant 2048 : i32
      %dma_start3A_444 = tpu.memref_slice %arg7[%dma_start3A_442, %dma_start3A_443] : memref<2x16384xf32, #tpu.memory_space<vmem>> -> memref<1x2048xf32, #tpu.memory_space<vmem>>
      %dma_start3A_445 = tpu.memref_squeeze %dma_start3A_444 : memref<1x2048xf32, #tpu.memory_space<vmem>> -> memref<2048xf32, #tpu.memory_space<vmem>>
      %dma_start3A_446 = tpu.memref_slice %arg4[%add3A_441] : memref<13107200xf32, #tpu.memory_space<hbm>> -> memref<2048xf32, #tpu.memory_space<hbm>>
      %dma_start3A_447 = tpu.memref_slice %arg4[%add3A_441] : memref<13107200xf32, #tpu.memory_space<hbm>> -> memref<2048xf32, #tpu.memory_space<hbm>>
      %dma_start3A_448 = arith.constant 2048 : i32
      %dma_start3A_449 = tpu.memref_slice %arg7[%dma_start3A_442, %dma_start3A_448] : memref<2x16384xf32, #tpu.memory_space<vmem>> -> memref<1x2048xf32, #tpu.memory_space<vmem>>
      %dma_start3A_450 = tpu.memref_squeeze %dma_start3A_449 : memref<1x2048xf32, #tpu.memory_space<vmem>> -> memref<2048xf32, #tpu.memory_space<vmem>>
      tpu.enqueue_dma source(%dma_start3A_450 : memref<2048xf32, #tpu.memory_space<vmem>>) target(%dma_start3A_447 : memref<2048xf32, #tpu.memory_space<hbm>>) target_semaphore(%arg11 : memref<!tpu.dma_semaphore, #tpu.memory_space<semaphore_mem>>)
      %mul3A_451 = arith.constant 8 : i32
      %mul3A_452 = arith.muli %mul3A_451, %add3A_191 : i32
      %add3A_453 = arith.constant 2 : i32
      %add3A_454 = arith.addi %mul3A_452, %add3A_453 : i32
      %mul3A_455 = arith.constant 65536 : i32
      %mul3A_456 = arith.muli %add3A_454, %mul3A_455 : i32
      %mul3A_457 = arith.constant 2048 : i32
      %mul3A_458 = arith.muli %mul3A_457, %add3A : i32
      %add3A_459 = arith.addi %mul3A_456, %mul3A_458 : i32
      %dma_start3A_460 = arith.constant 1 : i32
      %dma_start3A_461 = arith.constant 4096 : i32
      %dma_start3A_462 = tpu.memref_slice %arg7[%dma_start3A_460, %dma_start3A_461] : memref<2x16384xf32, #tpu.memory_space<vmem>> -> memref<1x2048xf32, #tpu.memory_space<vmem>>
      %dma_start3A_463 = tpu.memref_squeeze %dma_start3A_462 : memref<1x2048xf32, #tpu.memory_space<vmem>> -> memref<2048xf32, #tpu.memory_space<vmem>>
      %dma_start3A_464 = tpu.memref_slice %arg4[%add3A_459] : memref<13107200xf32, #tpu.memory_space<hbm>> -> memref<2048xf32, #tpu.memory_space<hbm>>
      %dma_start3A_465 = tpu.memref_slice %arg4[%add3A_459] : memref<13107200xf32, #tpu.memory_space<hbm>> -> memref<2048xf32, #tpu.memory_space<hbm>>
      %dma_start3A_466 = arith.constant 4096 : i32
      %dma_start3A_467 = tpu.memref_slice %arg7[%dma_start3A_460, %dma_start3A_466] : memref<2x16384xf32, #tpu.memory_space<vmem>> -> memref<1x2048xf32, #tpu.memory_space<vmem>>
      %dma_start3A_468 = tpu.memref_squeeze %dma_start3A_467 : memref<1x2048xf32, #tpu.memory_space<vmem>> -> memref<2048xf32, #tpu.memory_space<vmem>>
      tpu.enqueue_dma source(%dma_start3A_468 : memref<2048xf32, #tpu.memory_space<vmem>>) target(%dma_start3A_465 : memref<2048xf32, #tpu.memory_space<hbm>>) target_semaphore(%arg11 : memref<!tpu.dma_semaphore, #tpu.memory_space<semaphore_mem>>)
      %mul3A_469 = arith.constant 8 : i32
      %mul3A_470 = arith.muli %mul3A_469, %add3A_191 : i32
      %add3A_471 = arith.constant 3 : i32
      %add3A_472 = arith.addi %mul3A_470, %add3A_471 : i32
      %mul3A_473 = arith.constant 65536 : i32
      %mul3A_474 = arith.muli %add3A_472, %mul3A_473 : i32
      %mul3A_475 = arith.constant 2048 : i32
      %mul3A_476 = arith.muli %mul3A_475, %add3A : i32
      %add3A_477 = arith.addi %mul3A_474, %mul3A_476 : i32
      %dma_start3A_478 = arith.constant 1 : i32
      %dma_start3A_479 = arith.constant 6144 : i32
      %dma_start3A_480 = tpu.memref_slice %arg7[%dma_start3A_478, %dma_start3A_479] : memref<2x16384xf32, #tpu.memory_space<vmem>> -> memref<1x2048xf32, #tpu.memory_space<vmem>>
      %dma_start3A_481 = tpu.memref_squeeze %dma_start3A_480 : memref<1x2048xf32, #tpu.memory_space<vmem>> -> memref<2048xf32, #tpu.memory_space<vmem>>
      %dma_start3A_482 = tpu.memref_slice %arg4[%add3A_477] : memref<13107200xf32, #tpu.memory_space<hbm>> -> memref<2048xf32, #tpu.memory_space<hbm>>
      %dma_start3A_483 = tpu.memref_slice %arg4[%add3A_477] : memref<13107200xf32, #tpu.memory_space<hbm>> -> memref<2048xf32, #tpu.memory_space<hbm>>
      %dma_start3A_484 = arith.constant 6144 : i32
      %dma_start3A_485 = tpu.memref_slice %arg7[%dma_start3A_478, %dma_start3A_484] : memref<2x16384xf32, #tpu.memory_space<vmem>> -> memref<1x2048xf32, #tpu.memory_space<vmem>>
      %dma_start3A_486 = tpu.memref_squeeze %dma_start3A_485 : memref<1x2048xf32, #tpu.memory_space<vmem>> -> memref<2048xf32, #tpu.memory_space<vmem>>
      tpu.enqueue_dma source(%dma_start3A_486 : memref<2048xf32, #tpu.memory_space<vmem>>) target(%dma_start3A_483 : memref<2048xf32, #tpu.memory_space<hbm>>) target_semaphore(%arg11 : memref<!tpu.dma_semaphore, #tpu.memory_space<semaphore_mem>>)
      %mul3A_487 = arith.constant 8 : i32
      %mul3A_488 = arith.muli %mul3A_487, %add3A_191 : i32
      %add3A_489 = arith.constant 4 : i32
      %add3A_490 = arith.addi %mul3A_488, %add3A_489 : i32
      %mul3A_491 = arith.constant 65536 : i32
      %mul3A_492 = arith.muli %add3A_490, %mul3A_491 : i32
      %mul3A_493 = arith.constant 2048 : i32
      %mul3A_494 = arith.muli %mul3A_493, %add3A : i32
      %add3A_495 = arith.addi %mul3A_492, %mul3A_494 : i32
      %dma_start3A_496 = arith.constant 1 : i32
      %dma_start3A_497 = arith.constant 8192 : i32
      %dma_start3A_498 = tpu.memref_slice %arg7[%dma_start3A_496, %dma_start3A_497] : memref<2x16384xf32, #tpu.memory_space<vmem>> -> memref<1x2048xf32, #tpu.memory_space<vmem>>
      %dma_start3A_499 = tpu.memref_squeeze %dma_start3A_498 : memref<1x2048xf32, #tpu.memory_space<vmem>> -> memref<2048xf32, #tpu.memory_space<vmem>>
      %dma_start3A_500 = tpu.memref_slice %arg4[%add3A_495] : memref<13107200xf32, #tpu.memory_space<hbm>> -> memref<2048xf32, #tpu.memory_space<hbm>>
      %dma_start3A_501 = tpu.memref_slice %arg4[%add3A_495] : memref<13107200xf32, #tpu.memory_space<hbm>> -> memref<2048xf32, #tpu.memory_space<hbm>>
      %dma_start3A_502 = arith.constant 8192 : i32
      %dma_start3A_503 = tpu.memref_slice %arg7[%dma_start3A_496, %dma_start3A_502] : memref<2x16384xf32, #tpu.memory_space<vmem>> -> memref<1x2048xf32, #tpu.memory_space<vmem>>
      %dma_start3A_504 = tpu.memref_squeeze %dma_start3A_503 : memref<1x2048xf32, #tpu.memory_space<vmem>> -> memref<2048xf32, #tpu.memory_space<vmem>>
      tpu.enqueue_dma source(%dma_start3A_504 : memref<2048xf32, #tpu.memory_space<vmem>>) target(%dma_start3A_501 : memref<2048xf32, #tpu.memory_space<hbm>>) target_semaphore(%arg11 : memref<!tpu.dma_semaphore, #tpu.memory_space<semaphore_mem>>)
      %mul3A_505 = arith.constant 8 : i32
      %mul3A_506 = arith.muli %mul3A_505, %add3A_191 : i32
      %add3A_507 = arith.constant 5 : i32
      %add3A_508 = arith.addi %mul3A_506, %add3A_507 : i32
      %mul3A_509 = arith.constant 65536 : i32
      %mul3A_510 = arith.muli %add3A_508, %mul3A_509 : i32
      %mul3A_511 = arith.constant 2048 : i32
      %mul3A_512 = arith.muli %mul3A_511, %add3A : i32
      %add3A_513 = arith.addi %mul3A_510, %mul3A_512 : i32
      %dma_start3A_514 = arith.constant 1 : i32
      %dma_start3A_515 = arith.constant 10240 : i32
      %dma_start3A_516 = tpu.memref_slice %arg7[%dma_start3A_514, %dma_start3A_515] : memref<2x16384xf32, #tpu.memory_space<vmem>> -> memref<1x2048xf32, #tpu.memory_space<vmem>>
      %dma_start3A_517 = tpu.memref_squeeze %dma_start3A_516 : memref<1x2048xf32, #tpu.memory_space<vmem>> -> memref<2048xf32, #tpu.memory_space<vmem>>
      %dma_start3A_518 = tpu.memref_slice %arg4[%add3A_513] : memref<13107200xf32, #tpu.memory_space<hbm>> -> memref<2048xf32, #tpu.memory_space<hbm>>
      %dma_start3A_519 = tpu.memref_slice %arg4[%add3A_513] : memref<13107200xf32, #tpu.memory_space<hbm>> -> memref<2048xf32, #tpu.memory_space<hbm>>
      %dma_start3A_520 = arith.constant 10240 : i32
      %dma_start3A_521 = tpu.memref_slice %arg7[%dma_start3A_514, %dma_start3A_520] : memref<2x16384xf32, #tpu.memory_space<vmem>> -> memref<1x2048xf32, #tpu.memory_space<vmem>>
      %dma_start3A_522 = tpu.memref_squeeze %dma_start3A_521 : memref<1x2048xf32, #tpu.memory_space<vmem>> -> memref<2048xf32, #tpu.memory_space<vmem>>
      tpu.enqueue_dma source(%dma_start3A_522 : memref<2048xf32, #tpu.memory_space<vmem>>) target(%dma_start3A_519 : memref<2048xf32, #tpu.memory_space<hbm>>) target_semaphore(%arg11 : memref<!tpu.dma_semaphore, #tpu.memory_space<semaphore_mem>>)
      %mul3A_523 = arith.constant 8 : i32
      %mul3A_524 = arith.muli %mul3A_523, %add3A_191 : i32
      %add3A_525 = arith.constant 6 : i32
      %add3A_526 = arith.addi %mul3A_524, %add3A_525 : i32
      %mul3A_527 = arith.constant 65536 : i32
      %mul3A_528 = arith.muli %add3A_526, %mul3A_527 : i32
      %mul3A_529 = arith.constant 2048 : i32
      %mul3A_530 = arith.muli %mul3A_529, %add3A : i32
      %add3A_531 = arith.addi %mul3A_528, %mul3A_530 : i32
      %dma_start3A_532 = arith.constant 1 : i32
      %dma_start3A_533 = arith.constant 12288 : i32
      %dma_start3A_534 = tpu.memref_slice %arg7[%dma_start3A_532, %dma_start3A_533] : memref<2x16384xf32, #tpu.memory_space<vmem>> -> memref<1x2048xf32, #tpu.memory_space<vmem>>
      %dma_start3A_535 = tpu.memref_squeeze %dma_start3A_534 : memref<1x2048xf32, #tpu.memory_space<vmem>> -> memref<2048xf32, #tpu.memory_space<vmem>>
      %dma_start3A_536 = tpu.memref_slice %arg4[%add3A_531] : memref<13107200xf32, #tpu.memory_space<hbm>> -> memref<2048xf32, #tpu.memory_space<hbm>>
      %dma_start3A_537 = tpu.memref_slice %arg4[%add3A_531] : memref<13107200xf32, #tpu.memory_space<hbm>> -> memref<2048xf32, #tpu.memory_space<hbm>>
      %dma_start3A_538 = arith.constant 12288 : i32
      %dma_start3A_539 = tpu.memref_slice %arg7[%dma_start3A_532, %dma_start3A_538] : memref<2x16384xf32, #tpu.memory_space<vmem>> -> memref<1x2048xf32, #tpu.memory_space<vmem>>
      %dma_start3A_540 = tpu.memref_squeeze %dma_start3A_539 : memref<1x2048xf32, #tpu.memory_space<vmem>> -> memref<2048xf32, #tpu.memory_space<vmem>>
      tpu.enqueue_dma source(%dma_start3A_540 : memref<2048xf32, #tpu.memory_space<vmem>>) target(%dma_start3A_537 : memref<2048xf32, #tpu.memory_space<hbm>>) target_semaphore(%arg11 : memref<!tpu.dma_semaphore, #tpu.memory_space<semaphore_mem>>)
      %mul3A_541 = arith.constant 8 : i32
      %mul3A_542 = arith.muli %mul3A_541, %add3A_191 : i32
      %add3A_543 = arith.constant 7 : i32
      %add3A_544 = arith.addi %mul3A_542, %add3A_543 : i32
      %mul3A_545 = arith.constant 65536 : i32
      %mul3A_546 = arith.muli %add3A_544, %mul3A_545 : i32
      %mul3A_547 = arith.constant 2048 : i32
      %mul3A_548 = arith.muli %mul3A_547, %add3A : i32
      %add3A_549 = arith.addi %mul3A_546, %mul3A_548 : i32
      %dma_start3A_550 = arith.constant 1 : i32
      %dma_start3A_551 = arith.constant 14336 : i32
      %dma_start3A_552 = tpu.memref_slice %arg7[%dma_start3A_550, %dma_start3A_551] : memref<2x16384xf32, #tpu.memory_space<vmem>> -> memref<1x2048xf32, #tpu.memory_space<vmem>>
      %dma_start3A_553 = tpu.memref_squeeze %dma_start3A_552 : memref<1x2048xf32, #tpu.memory_space<vmem>> -> memref<2048xf32, #tpu.memory_space<vmem>>
      %dma_start3A_554 = tpu.memref_slice %arg4[%add3A_549] : memref<13107200xf32, #tpu.memory_space<hbm>> -> memref<2048xf32, #tpu.memory_space<hbm>>
      %dma_start3A_555 = tpu.memref_slice %arg4[%add3A_549] : memref<13107200xf32, #tpu.memory_space<hbm>> -> memref<2048xf32, #tpu.memory_space<hbm>>
      %dma_start3A_556 = arith.constant 14336 : i32
      %dma_start3A_557 = tpu.memref_slice %arg7[%dma_start3A_550, %dma_start3A_556] : memref<2x16384xf32, #tpu.memory_space<vmem>> -> memref<1x2048xf32, #tpu.memory_space<vmem>>
      %dma_start3A_558 = tpu.memref_squeeze %dma_start3A_557 : memref<1x2048xf32, #tpu.memory_space<vmem>> -> memref<2048xf32, #tpu.memory_space<vmem>>
      tpu.enqueue_dma source(%dma_start3A_558 : memref<2048xf32, #tpu.memory_space<vmem>>) target(%dma_start3A_555 : memref<2048xf32, #tpu.memory_space<hbm>>) target_semaphore(%arg11 : memref<!tpu.dma_semaphore, #tpu.memory_space<semaphore_mem>>)
      %scan3A_559 = arith.constant 0 : i32
      scf.yield %scan3A_559 : i32
    }
    %scan3A_32 = arith.constant 12 : i32
    %mul3A_33 = arith.constant 4 : i32
    %mul3A_34 = arith.muli %mul3A_33, %add3A : i32
    %add3A_35 = arith.constant 3072 : i32
    %add3A_36 = arith.addi %add3A_35, %mul3A_34 : i32
    %mul3A_37 = arith.constant 1024 : i32
    %mul3A_38 = arith.muli %add3A_36, %mul3A_37 : i32
    %dma_wait3A = arith.constant 0 : i32
    %dma_wait3A_39 = arith.constant 0 : i32
    %dma_wait3A_40 = tpu.memref_slice %arg6[%dma_wait3A, %dma_wait3A_39] : memref<2x4096xi32, #tpu.memory_space<vmem>> -> memref<1x4096xi32, #tpu.memory_space<vmem>>
    %dma_wait3A_41 = tpu.memref_squeeze %dma_wait3A_40 : memref<1x4096xi32, #tpu.memory_space<vmem>> -> memref<4096xi32, #tpu.memory_space<vmem>>
    %dma_wait3A_42 = tpu.memref_slice %arg2[%mul3A_38] : memref<3276800xi32, #tpu.memory_space<hbm>> -> memref<4096xi32, #tpu.memory_space<hbm>>
    %dma_wait3A_43 = arith.constant 0 : i32
    %dma_wait3A_44 = tpu.memref_slice %arg6[%dma_wait3A, %dma_wait3A_43] : memref<2x4096xi32, #tpu.memory_space<vmem>> -> memref<1x4096xi32, #tpu.memory_space<vmem>>
    %dma_wait3A_45 = tpu.memref_squeeze %dma_wait3A_44 : memref<1x4096xi32, #tpu.memory_space<vmem>> -> memref<4096xi32, #tpu.memory_space<vmem>>
    %dma_wait3A_46 = tpu.memref_slice %arg2[%mul3A_38] : memref<3276800xi32, #tpu.memory_space<hbm>> -> memref<4096xi32, #tpu.memory_space<hbm>>
    tpu.wait_dma2 semaphore(%arg8 : memref<!tpu.dma_semaphore, #tpu.memory_space<semaphore_mem>>) src(%dma_wait3A_46 : memref<4096xi32, #tpu.memory_space<hbm>>) dst(%dma_wait3A_45 : memref<4096xi32, #tpu.memory_space<vmem>>)
    %dma_wait3A_47 = arith.constant 0 : i32
    %dma_wait3A_48 = arith.constant 0 : i32
    %dma_wait3A_49 = tpu.memref_slice %arg7[%dma_wait3A_47, %dma_wait3A_48] : memref<2x16384xf32, #tpu.memory_space<vmem>> -> memref<1x16384xf32, #tpu.memory_space<vmem>>
    %dma_wait3A_50 = tpu.memref_squeeze %dma_wait3A_49 : memref<1x16384xf32, #tpu.memory_space<vmem>> -> memref<16384xf32, #tpu.memory_space<vmem>>
    %dma_wait3A_51 = arith.constant 0 : i32
    %dma_wait3A_52 = tpu.memref_slice %arg4[%dma_wait3A_51] : memref<13107200xf32, #tpu.memory_space<hbm>> -> memref<16384xf32, #tpu.memory_space<hbm>>
    %dma_wait3A_53 = arith.constant 0 : i32
    %dma_wait3A_54 = tpu.memref_slice %arg7[%dma_wait3A_47, %dma_wait3A_53] : memref<2x16384xf32, #tpu.memory_space<vmem>> -> memref<1x16384xf32, #tpu.memory_space<vmem>>
    %dma_wait3A_55 = tpu.memref_squeeze %dma_wait3A_54 : memref<1x16384xf32, #tpu.memory_space<vmem>> -> memref<16384xf32, #tpu.memory_space<vmem>>
    %dma_wait3A_56 = arith.constant 0 : i32
    %dma_wait3A_57 = tpu.memref_slice %arg4[%dma_wait3A_56] : memref<13107200xf32, #tpu.memory_space<hbm>> -> memref<16384xf32, #tpu.memory_space<hbm>>
    tpu.wait_dma2 semaphore(%arg10 : memref<!tpu.dma_semaphore, #tpu.memory_space<semaphore_mem>>) src(%dma_wait3A_57 : memref<16384xf32, #tpu.memory_space<hbm>>) dst(%dma_wait3A_55 : memref<16384xf32, #tpu.memory_space<vmem>>)
    %parallel_loop3A = arith.constant 0 : i32
    %parallel_loop3A_58 = arith.constant 256 : i32
    %parallel_loop3A_59 = arith.constant 1 : i32
    scf.for %parallel_loop3A_186 = %parallel_loop3A to %parallel_loop3A_58 step %parallel_loop3A_59  : i32 {
      %parallel_loop3A_187 = arith.constant 6 : i32
      %parallel_loop3A_188 = arith.shrsi %parallel_loop3A_186, %parallel_loop3A_187 : i32
      %parallel_loop3A_189 = arith.constant 3 : i32
      %parallel_loop3A_190 = arith.shrsi %parallel_loop3A_186, %parallel_loop3A_189 : i32
      %parallel_loop3A_191 = arith.constant 7 : i32
      %parallel_loop3A_192 = arith.andi %parallel_loop3A_190, %parallel_loop3A_191 : i32
      %parallel_loop3A_193 = arith.constant 7 : i32
      %parallel_loop3A_194 = arith.andi %parallel_loop3A_186, %parallel_loop3A_193 : i32
      %parallel_loop3A_195 = arith.constant 1024 : i32
      %parallel_loop3A_196 = arith.muli %parallel_loop3A_188, %parallel_loop3A_195 : i32
      %parallel_loop3A_197 = arith.constant 128 : i32
      %parallel_loop3A_198 = arith.muli %parallel_loop3A_192, %parallel_loop3A_197 : i32
      %parallel_loop3A_199 = arith.addi %parallel_loop3A_196, %parallel_loop3A_198 : i32
      %parallel_loop3A_200 = arith.constant 16 : i32
      %parallel_loop3A_201 = arith.muli %parallel_loop3A_194, %parallel_loop3A_200 : i32
      %parallel_loop3A_202 = arith.addi %parallel_loop3A_199, %parallel_loop3A_201 : i32
      %parallel_loop3A_203 = arith.constant 0 : i32
      %parallel_loop3A_204 = arith.index_cast %parallel_loop3A_203 : i32 to index
      %parallel_loop3A_205 = arith.index_cast %parallel_loop3A_202 : i32 to index
      %parallel_loop3A_206 = tpu.vector_load %arg6[%parallel_loop3A_204, %parallel_loop3A_205] {strides = array<i32>} : memref<2x4096xi32, #tpu.memory_space<vmem>>, vector<16xi32>,
      %parallel_loop3A_207 = arith.constant 64 : i32
      %parallel_loop3A_208 = vector.broadcast %parallel_loop3A_207 : i32 to vector<16xi32>
      %parallel_loop3A_209 = arith.muli %parallel_loop3A_206, %parallel_loop3A_208 : vector<16xi32>
      %parallel_loop3A_210 = arith.constant 2048 : i32
      %parallel_loop3A_211 = arith.muli %parallel_loop3A_192, %parallel_loop3A_210 : i32
      %parallel_loop3A_212 = arith.constant 512 : i32
      %parallel_loop3A_213 = arith.muli %parallel_loop3A_188, %parallel_loop3A_212 : i32
      %parallel_loop3A_214 = arith.addi %parallel_loop3A_211, %parallel_loop3A_213 : i32
      %parallel_loop3A_215 = arith.constant 16 : i32
      %parallel_loop3A_216 = arith.muli %parallel_loop3A_194, %parallel_loop3A_215 : i32
      %parallel_loop3A_217 = arith.addi %parallel_loop3A_214, %parallel_loop3A_216 : i32
      %parallel_loop3A_218 = arith.addi %parallel_loop3A_209, %add3A_3 : vector<16xi32>
      %parallel_loop3A_219 = tpu.vector_load_idx %arg5[%parallel_loop3A_218] : memref<640xf32, #tpu.memory_space<vmem>>[vector<16xi32>], vector<16xf32>,
      %parallel_loop3A_220 = arith.constant 0 : i32
      %parallel_loop3A_221 = arith.addi %parallel_loop3A_217, %parallel_loop3A_220 : i32
      %parallel_loop3A_222 = arith.constant 0 : i32
      %parallel_loop3A_223 = arith.index_cast %parallel_loop3A_222 : i32 to index
      %parallel_loop3A_224 = arith.index_cast %parallel_loop3A_221 : i32 to index
      %parallel_loop3A_225 = tpu.vector_load %arg7[%parallel_loop3A_223, %parallel_loop3A_224] {strides = array<i32>} : memref<2x16384xf32, #tpu.memory_space<vmem>>, vector<16xf32>,
      tpu.vector_store %arg7[%parallel_loop3A_223, %parallel_loop3A_224], %parallel_loop3A_219 {strides = array<i32>} : memref<2x16384xf32, #tpu.memory_space<vmem>>, vector<16xf32>,
      %parallel_loop3A_226 = arith.addi %parallel_loop3A_209, %add3A_6 : vector<16xi32>
      %parallel_loop3A_227 = tpu.vector_load_idx %arg5[%parallel_loop3A_226] : memref<640xf32, #tpu.memory_space<vmem>>[vector<16xi32>], vector<16xf32>,
      %parallel_loop3A_228 = arith.constant 128 : i32
      %parallel_loop3A_229 = arith.addi %parallel_loop3A_217, %parallel_loop3A_228 : i32
      %parallel_loop3A_230 = arith.constant 0 : i32
      %parallel_loop3A_231 = arith.index_cast %parallel_loop3A_230 : i32 to index
      %parallel_loop3A_232 = arith.index_cast %parallel_loop3A_229 : i32 to index
      %parallel_loop3A_233 = tpu.vector_load %arg7[%parallel_loop3A_231, %parallel_loop3A_232] {strides = array<i32>} : memref<2x16384xf32, #tpu.memory_space<vmem>>, vector<16xf32>,
      tpu.vector_store %arg7[%parallel_loop3A_231, %parallel_loop3A_232], %parallel_loop3A_227 {strides = array<i32>} : memref<2x16384xf32, #tpu.memory_space<vmem>>, vector<16xf32>,
      %parallel_loop3A_234 = arith.addi %parallel_loop3A_209, %add3A_9 : vector<16xi32>
      %parallel_loop3A_235 = tpu.vector_load_idx %arg5[%parallel_loop3A_234] : memref<640xf32, #tpu.memory_space<vmem>>[vector<16xi32>], vector<16xf32>,
      %parallel_loop3A_236 = arith.constant 256 : i32
      %parallel_loop3A_237 = arith.addi %parallel_loop3A_217, %parallel_loop3A_236 : i32
      %parallel_loop3A_238 = arith.constant 0 : i32
      %parallel_loop3A_239 = arith.index_cast %parallel_loop3A_238 : i32 to index
      %parallel_loop3A_240 = arith.index_cast %parallel_loop3A_237 : i32 to index
      %parallel_loop3A_241 = tpu.vector_load %arg7[%parallel_loop3A_239, %parallel_loop3A_240] {strides = array<i32>} : memref<2x16384xf32, #tpu.memory_space<vmem>>, vector<16xf32>,
      tpu.vector_store %arg7[%parallel_loop3A_239, %parallel_loop3A_240], %parallel_loop3A_235 {strides = array<i32>} : memref<2x16384xf32, #tpu.memory_space<vmem>>, vector<16xf32>,
      %parallel_loop3A_242 = arith.addi %parallel_loop3A_209, %add3A_12 : vector<16xi32>
      %parallel_loop3A_243 = tpu.vector_load_idx %arg5[%parallel_loop3A_242] : memref<640xf32, #tpu.memory_space<vmem>>[vector<16xi32>], vector<16xf32>,
      %parallel_loop3A_244 = arith.constant 384 : i32
      %parallel_loop3A_245 = arith.addi %parallel_loop3A_217, %parallel_loop3A_244 : i32
      %parallel_loop3A_246 = arith.constant 0 : i32
      %parallel_loop3A_247 = arith.index_cast %parallel_loop3A_246 : i32 to index
      %parallel_loop3A_248 = arith.index_cast %parallel_loop3A_245 : i32 to index
      %parallel_loop3A_249 = tpu.vector_load %arg7[%parallel_loop3A_247, %parallel_loop3A_248] {strides = array<i32>} : memref<2x16384xf32, #tpu.memory_space<vmem>>, vector<16xf32>,
      tpu.vector_store %arg7[%parallel_loop3A_247, %parallel_loop3A_248], %parallel_loop3A_243 {strides = array<i32>} : memref<2x16384xf32, #tpu.memory_space<vmem>>, vector<16xf32>,
    } {sc.loop_unroll_factor = 8 : i64, sc.parallel_access}
    %mul3A_60 = arith.constant 2048 : i32
    %mul3A_61 = arith.muli %mul3A_60, %add3A : i32
    %add3A_62 = arith.constant 12582912 : i32
    %add3A_63 = arith.addi %add3A_62, %mul3A_61 : i32
    %dma_start3A_64 = arith.constant 0 : i32
    %dma_start3A_65 = arith.constant 0 : i32
    %dma_start3A_66 = tpu.memref_slice %arg7[%dma_start3A_64, %dma_start3A_65] : memref<2x16384xf32, #tpu.memory_space<vmem>> -> memref<1x2048xf32, #tpu.memory_space<vmem>>
    %dma_start3A_67 = tpu.memref_squeeze %dma_start3A_66 : memref<1x2048xf32, #tpu.memory_space<vmem>> -> memref<2048xf32, #tpu.memory_space<vmem>>
    %dma_start3A_68 = tpu.memref_slice %arg4[%add3A_63] : memref<13107200xf32, #tpu.memory_space<hbm>> -> memref<2048xf32, #tpu.memory_space<hbm>>
    %dma_start3A_69 = tpu.memref_slice %arg4[%add3A_63] : memref<13107200xf32, #tpu.memory_space<hbm>> -> memref<2048xf32, #tpu.memory_space<hbm>>
    %dma_start3A_70 = arith.constant 0 : i32
    %dma_start3A_71 = tpu.memref_slice %arg7[%dma_start3A_64, %dma_start3A_70] : memref<2x16384xf32, #tpu.memory_space<vmem>> -> memref<1x2048xf32, #tpu.memory_space<vmem>>
    %dma_start3A_72 = tpu.memref_squeeze %dma_start3A_71 : memref<1x2048xf32, #tpu.memory_space<vmem>> -> memref<2048xf32, #tpu.memory_space<vmem>>
    tpu.enqueue_dma source(%dma_start3A_72 : memref<2048xf32, #tpu.memory_space<vmem>>) target(%dma_start3A_69 : memref<2048xf32, #tpu.memory_space<hbm>>) target_semaphore(%arg10 : memref<!tpu.dma_semaphore, #tpu.memory_space<semaphore_mem>>)
    %mul3A_73 = arith.constant 2048 : i32
    %mul3A_74 = arith.muli %mul3A_73, %add3A : i32
    %add3A_75 = arith.constant 12648448 : i32
    %add3A_76 = arith.addi %add3A_75, %mul3A_74 : i32
    %dma_start3A_77 = arith.constant 0 : i32
    %dma_start3A_78 = arith.constant 2048 : i32
    %dma_start3A_79 = tpu.memref_slice %arg7[%dma_start3A_77, %dma_start3A_78] : memref<2x16384xf32, #tpu.memory_space<vmem>> -> memref<1x2048xf32, #tpu.memory_space<vmem>>
    %dma_start3A_80 = tpu.memref_squeeze %dma_start3A_79 : memref<1x2048xf32, #tpu.memory_space<vmem>> -> memref<2048xf32, #tpu.memory_space<vmem>>
    %dma_start3A_81 = tpu.memref_slice %arg4[%add3A_76] : memref<13107200xf32, #tpu.memory_space<hbm>> -> memref<2048xf32, #tpu.memory_space<hbm>>
    %dma_start3A_82 = tpu.memref_slice %arg4[%add3A_76] : memref<13107200xf32, #tpu.memory_space<hbm>> -> memref<2048xf32, #tpu.memory_space<hbm>>
    %dma_start3A_83 = arith.constant 2048 : i32
    %dma_start3A_84 = tpu.memref_slice %arg7[%dma_start3A_77, %dma_start3A_83] : memref<2x16384xf32, #tpu.memory_space<vmem>> -> memref<1x2048xf32, #tpu.memory_space<vmem>>
    %dma_start3A_85 = tpu.memref_squeeze %dma_start3A_84 : memref<1x2048xf32, #tpu.memory_space<vmem>> -> memref<2048xf32, #tpu.memory_space<vmem>>
    tpu.enqueue_dma source(%dma_start3A_85 : memref<2048xf32, #tpu.memory_space<vmem>>) target(%dma_start3A_82 : memref<2048xf32, #tpu.memory_space<hbm>>) target_semaphore(%arg10 : memref<!tpu.dma_semaphore, #tpu.memory_space<semaphore_mem>>)
    %mul3A_86 = arith.constant 2048 : i32
    %mul3A_87 = arith.muli %mul3A_86, %add3A : i32
    %add3A_88 = arith.constant 12713984 : i32
    %add3A_89 = arith.addi %add3A_88, %mul3A_87 : i32
    %dma_start3A_90 = arith.constant 0 : i32
    %dma_start3A_91 = arith.constant 4096 : i32
    %dma_start3A_92 = tpu.memref_slice %arg7[%dma_start3A_90, %dma_start3A_91] : memref<2x16384xf32, #tpu.memory_space<vmem>> -> memref<1x2048xf32, #tpu.memory_space<vmem>>
    %dma_start3A_93 = tpu.memref_squeeze %dma_start3A_92 : memref<1x2048xf32, #tpu.memory_space<vmem>> -> memref<2048xf32, #tpu.memory_space<vmem>>
    %dma_start3A_94 = tpu.memref_slice %arg4[%add3A_89] : memref<13107200xf32, #tpu.memory_space<hbm>> -> memref<2048xf32, #tpu.memory_space<hbm>>
    %dma_start3A_95 = tpu.memref_slice %arg4[%add3A_89] : memref<13107200xf32, #tpu.memory_space<hbm>> -> memref<2048xf32, #tpu.memory_space<hbm>>
    %dma_start3A_96 = arith.constant 4096 : i32
    %dma_start3A_97 = tpu.memref_slice %arg7[%dma_start3A_90, %dma_start3A_96] : memref<2x16384xf32, #tpu.memory_space<vmem>> -> memref<1x2048xf32, #tpu.memory_space<vmem>>
    %dma_start3A_98 = tpu.memref_squeeze %dma_start3A_97 : memref<1x2048xf32, #tpu.memory_space<vmem>> -> memref<2048xf32, #tpu.memory_space<vmem>>
    tpu.enqueue_dma source(%dma_start3A_98 : memref<2048xf32, #tpu.memory_space<vmem>>) target(%dma_start3A_95 : memref<2048xf32, #tpu.memory_space<hbm>>) target_semaphore(%arg10 : memref<!tpu.dma_semaphore, #tpu.memory_space<semaphore_mem>>)
    %mul3A_99 = arith.constant 2048 : i32
    %mul3A_100 = arith.muli %mul3A_99, %add3A : i32
    %add3A_101 = arith.constant 12779520 : i32
    %add3A_102 = arith.addi %add3A_101, %mul3A_100 : i32
    %dma_start3A_103 = arith.constant 0 : i32
    %dma_start3A_104 = arith.constant 6144 : i32
    %dma_start3A_105 = tpu.memref_slice %arg7[%dma_start3A_103, %dma_start3A_104] : memref<2x16384xf32, #tpu.memory_space<vmem>> -> memref<1x2048xf32, #tpu.memory_space<vmem>>
    %dma_start3A_106 = tpu.memref_squeeze %dma_start3A_105 : memref<1x2048xf32, #tpu.memory_space<vmem>> -> memref<2048xf32, #tpu.memory_space<vmem>>
    %dma_start3A_107 = tpu.memref_slice %arg4[%add3A_102] : memref<13107200xf32, #tpu.memory_space<hbm>> -> memref<2048xf32, #tpu.memory_space<hbm>>
    %dma_start3A_108 = tpu.memref_slice %arg4[%add3A_102] : memref<13107200xf32, #tpu.memory_space<hbm>> -> memref<2048xf32, #tpu.memory_space<hbm>>
    %dma_start3A_109 = arith.constant 6144 : i32
    %dma_start3A_110 = tpu.memref_slice %arg7[%dma_start3A_103, %dma_start3A_109] : memref<2x16384xf32, #tpu.memory_space<vmem>> -> memref<1x2048xf32, #tpu.memory_space<vmem>>
    %dma_start3A_111 = tpu.memref_squeeze %dma_start3A_110 : memref<1x2048xf32, #tpu.memory_space<vmem>> -> memref<2048xf32, #tpu.memory_space<vmem>>
    tpu.enqueue_dma source(%dma_start3A_111 : memref<2048xf32, #tpu.memory_space<vmem>>) target(%dma_start3A_108 : memref<2048xf32, #tpu.memory_space<hbm>>) target_semaphore(%arg10 : memref<!tpu.dma_semaphore, #tpu.memory_space<semaphore_mem>>)
    %mul3A_112 = arith.constant 2048 : i32
    %mul3A_113 = arith.muli %mul3A_112, %add3A : i32
    %add3A_114 = arith.constant 12845056 : i32
    %add3A_115 = arith.addi %add3A_114, %mul3A_113 : i32
    %dma_start3A_116 = arith.constant 0 : i32
    %dma_start3A_117 = arith.constant 8192 : i32
    %dma_start3A_118 = tpu.memref_slice %arg7[%dma_start3A_116, %dma_start3A_117] : memref<2x16384xf32, #tpu.memory_space<vmem>> -> memref<1x2048xf32, #tpu.memory_space<vmem>>
    %dma_start3A_119 = tpu.memref_squeeze %dma_start3A_118 : memref<1x2048xf32, #tpu.memory_space<vmem>> -> memref<2048xf32, #tpu.memory_space<vmem>>
    %dma_start3A_120 = tpu.memref_slice %arg4[%add3A_115] : memref<13107200xf32, #tpu.memory_space<hbm>> -> memref<2048xf32, #tpu.memory_space<hbm>>
    %dma_start3A_121 = tpu.memref_slice %arg4[%add3A_115] : memref<13107200xf32, #tpu.memory_space<hbm>> -> memref<2048xf32, #tpu.memory_space<hbm>>
    %dma_start3A_122 = arith.constant 8192 : i32
    %dma_start3A_123 = tpu.memref_slice %arg7[%dma_start3A_116, %dma_start3A_122] : memref<2x16384xf32, #tpu.memory_space<vmem>> -> memref<1x2048xf32, #tpu.memory_space<vmem>>
    %dma_start3A_124 = tpu.memref_squeeze %dma_start3A_123 : memref<1x2048xf32, #tpu.memory_space<vmem>> -> memref<2048xf32, #tpu.memory_space<vmem>>
    tpu.enqueue_dma source(%dma_start3A_124 : memref<2048xf32, #tpu.memory_space<vmem>>) target(%dma_start3A_121 : memref<2048xf32, #tpu.memory_space<hbm>>) target_semaphore(%arg10 : memref<!tpu.dma_semaphore, #tpu.memory_space<semaphore_mem>>)
    %mul3A_125 = arith.constant 2048 : i32
    %mul3A_126 = arith.muli %mul3A_125, %add3A : i32
    %add3A_127 = arith.constant 12910592 : i32
    %add3A_128 = arith.addi %add3A_127, %mul3A_126 : i32
    %dma_start3A_129 = arith.constant 0 : i32
    %dma_start3A_130 = arith.constant 10240 : i32
    %dma_start3A_131 = tpu.memref_slice %arg7[%dma_start3A_129, %dma_start3A_130] : memref<2x16384xf32, #tpu.memory_space<vmem>> -> memref<1x2048xf32, #tpu.memory_space<vmem>>
    %dma_start3A_132 = tpu.memref_squeeze %dma_start3A_131 : memref<1x2048xf32, #tpu.memory_space<vmem>> -> memref<2048xf32, #tpu.memory_space<vmem>>
    %dma_start3A_133 = tpu.memref_slice %arg4[%add3A_128] : memref<13107200xf32, #tpu.memory_space<hbm>> -> memref<2048xf32, #tpu.memory_space<hbm>>
    %dma_start3A_134 = tpu.memref_slice %arg4[%add3A_128] : memref<13107200xf32, #tpu.memory_space<hbm>> -> memref<2048xf32, #tpu.memory_space<hbm>>
    %dma_start3A_135 = arith.constant 10240 : i32
    %dma_start3A_136 = tpu.memref_slice %arg7[%dma_start3A_129, %dma_start3A_135] : memref<2x16384xf32, #tpu.memory_space<vmem>> -> memref<1x2048xf32, #tpu.memory_space<vmem>>
    %dma_start3A_137 = tpu.memref_squeeze %dma_start3A_136 : memref<1x2048xf32, #tpu.memory_space<vmem>> -> memref<2048xf32, #tpu.memory_space<vmem>>
    tpu.enqueue_dma source(%dma_start3A_137 : memref<2048xf32, #tpu.memory_space<vmem>>) target(%dma_start3A_134 : memref<2048xf32, #tpu.memory_space<hbm>>) target_semaphore(%arg10 : memref<!tpu.dma_semaphore, #tpu.memory_space<semaphore_mem>>)
    %mul3A_138 = arith.constant 2048 : i32
    %mul3A_139 = arith.muli %mul3A_138, %add3A : i32
    %add3A_140 = arith.constant 12976128 : i32
    %add3A_141 = arith.addi %add3A_140, %mul3A_139 : i32
    %dma_start3A_142 = arith.constant 0 : i32
    %dma_start3A_143 = arith.constant 12288 : i32
    %dma_start3A_144 = tpu.memref_slice %arg7[%dma_start3A_142, %dma_start3A_143] : memref<2x16384xf32, #tpu.memory_space<vmem>> -> memref<1x2048xf32, #tpu.memory_space<vmem>>
    %dma_start3A_145 = tpu.memref_squeeze %dma_start3A_144 : memref<1x2048xf32, #tpu.memory_space<vmem>> -> memref<2048xf32, #tpu.memory_space<vmem>>
    %dma_start3A_146 = tpu.memref_slice %arg4[%add3A_141] : memref<13107200xf32, #tpu.memory_space<hbm>> -> memref<2048xf32, #tpu.memory_space<hbm>>
    %dma_start3A_147 = tpu.memref_slice %arg4[%add3A_141] : memref<13107200xf32, #tpu.memory_space<hbm>> -> memref<2048xf32, #tpu.memory_space<hbm>>
    %dma_start3A_148 = arith.constant 12288 : i32
    %dma_start3A_149 = tpu.memref_slice %arg7[%dma_start3A_142, %dma_start3A_148] : memref<2x16384xf32, #tpu.memory_space<vmem>> -> memref<1x2048xf32, #tpu.memory_space<vmem>>
    %dma_start3A_150 = tpu.memref_squeeze %dma_start3A_149 : memref<1x2048xf32, #tpu.memory_space<vmem>> -> memref<2048xf32, #tpu.memory_space<vmem>>
    tpu.enqueue_dma source(%dma_start3A_150 : memref<2048xf32, #tpu.memory_space<vmem>>) target(%dma_start3A_147 : memref<2048xf32, #tpu.memory_space<hbm>>) target_semaphore(%arg10 : memref<!tpu.dma_semaphore, #tpu.memory_space<semaphore_mem>>)
    %mul3A_151 = arith.constant 2048 : i32
    %mul3A_152 = arith.muli %mul3A_151, %add3A : i32
    %add3A_153 = arith.constant 13041664 : i32
    %add3A_154 = arith.addi %add3A_153, %mul3A_152 : i32
    %dma_start3A_155 = arith.constant 0 : i32
    %dma_start3A_156 = arith.constant 14336 : i32
    %dma_start3A_157 = tpu.memref_slice %arg7[%dma_start3A_155, %dma_start3A_156] : memref<2x16384xf32, #tpu.memory_space<vmem>> -> memref<1x2048xf32, #tpu.memory_space<vmem>>
    %dma_start3A_158 = tpu.memref_squeeze %dma_start3A_157 : memref<1x2048xf32, #tpu.memory_space<vmem>> -> memref<2048xf32, #tpu.memory_space<vmem>>
    %dma_start3A_159 = tpu.memref_slice %arg4[%add3A_154] : memref<13107200xf32, #tpu.memory_space<hbm>> -> memref<2048xf32, #tpu.memory_space<hbm>>
    %dma_start3A_160 = tpu.memref_slice %arg4[%add3A_154] : memref<13107200xf32, #tpu.memory_space<hbm>> -> memref<2048xf32, #tpu.memory_space<hbm>>
    %dma_start3A_161 = arith.constant 14336 : i32
    %dma_start3A_162 = tpu.memref_slice %arg7[%dma_start3A_155, %dma_start3A_161] : memref<2x16384xf32, #tpu.memory_space<vmem>> -> memref<1x2048xf32, #tpu.memory_space<vmem>>
    %dma_start3A_163 = tpu.memref_squeeze %dma_start3A_162 : memref<1x2048xf32, #tpu.memory_space<vmem>> -> memref<2048xf32, #tpu.memory_space<vmem>>
    tpu.enqueue_dma source(%dma_start3A_163 : memref<2048xf32, #tpu.memory_space<vmem>>) target(%dma_start3A_160 : memref<2048xf32, #tpu.memory_space<hbm>>) target_semaphore(%arg10 : memref<!tpu.dma_semaphore, #tpu.memory_space<semaphore_mem>>)
    %dma_wait3A_164 = arith.constant 1 : i32
    %dma_wait3A_165 = arith.constant 0 : i32
    %dma_wait3A_166 = tpu.memref_slice %arg7[%dma_wait3A_164, %dma_wait3A_165] : memref<2x16384xf32, #tpu.memory_space<vmem>> -> memref<1x16384xf32, #tpu.memory_space<vmem>>
    %dma_wait3A_167 = tpu.memref_squeeze %dma_wait3A_166 : memref<1x16384xf32, #tpu.memory_space<vmem>> -> memref<16384xf32, #tpu.memory_space<vmem>>
    %dma_wait3A_168 = arith.constant 0 : i32
    %dma_wait3A_169 = tpu.memref_slice %arg4[%dma_wait3A_168] : memref<13107200xf32, #tpu.memory_space<hbm>> -> memref<16384xf32, #tpu.memory_space<hbm>>
    %dma_wait3A_170 = arith.constant 0 : i32
    %dma_wait3A_171 = tpu.memref_slice %arg7[%dma_wait3A_164, %dma_wait3A_170] : memref<2x16384xf32, #tpu.memory_space<vmem>> -> memref<1x16384xf32, #tpu.memory_space<vmem>>
    %dma_wait3A_172 = tpu.memref_squeeze %dma_wait3A_171 : memref<1x16384xf32, #tpu.memory_space<vmem>> -> memref<16384xf32, #tpu.memory_space<vmem>>
    %dma_wait3A_173 = arith.constant 0 : i32
    %dma_wait3A_174 = tpu.memref_slice %arg4[%dma_wait3A_173] : memref<13107200xf32, #tpu.memory_space<hbm>> -> memref<16384xf32, #tpu.memory_space<hbm>>
    tpu.wait_dma2 semaphore(%arg11 : memref<!tpu.dma_semaphore, #tpu.memory_space<semaphore_mem>>) src(%dma_wait3A_174 : memref<16384xf32, #tpu.memory_space<hbm>>) dst(%dma_wait3A_172 : memref<16384xf32, #tpu.memory_space<vmem>>)
    %dma_wait3A_175 = arith.constant 0 : i32
    %dma_wait3A_176 = arith.constant 0 : i32
    %dma_wait3A_177 = tpu.memref_slice %arg7[%dma_wait3A_175, %dma_wait3A_176] : memref<2x16384xf32, #tpu.memory_space<vmem>> -> memref<1x16384xf32, #tpu.memory_space<vmem>>
    %dma_wait3A_178 = tpu.memref_squeeze %dma_wait3A_177 : memref<1x16384xf32, #tpu.memory_space<vmem>> -> memref<16384xf32, #tpu.memory_space<vmem>>
    %dma_wait3A_179 = arith.constant 0 : i32
    %dma_wait3A_180 = tpu.memref_slice %arg4[%dma_wait3A_179] : memref<13107200xf32, #tpu.memory_space<hbm>> -> memref<16384xf32, #tpu.memory_space<hbm>>
    %dma_wait3A_181 = arith.constant 0 : i32
    %dma_wait3A_182 = tpu.memref_slice %arg7[%dma_wait3A_175, %dma_wait3A_181] : memref<2x16384xf32, #tpu.memory_space<vmem>> -> memref<1x16384xf32, #tpu.memory_space<vmem>>
    %dma_wait3A_183 = tpu.memref_squeeze %dma_wait3A_182 : memref<1x16384xf32, #tpu.memory_space<vmem>> -> memref<16384xf32, #tpu.memory_space<vmem>>
    %dma_wait3A_184 = arith.constant 0 : i32
    %dma_wait3A_185 = tpu.memref_slice %arg4[%dma_wait3A_184] : memref<13107200xf32, #tpu.memory_space<hbm>> -> memref<16384xf32, #tpu.memory_space<hbm>>
    tpu.wait_dma2 semaphore(%arg10 : memref<!tpu.dma_semaphore, #tpu.memory_space<semaphore_mem>>) src(%dma_wait3A_185 : memref<16384xf32, #tpu.memory_space<hbm>>) dst(%dma_wait3A_183 : memref<16384xf32, #tpu.memory_space<vmem>>)
    return
  }
}

</mosaic_0001>

<sc_bundles>
// kernel: kernel.3.cloned.1.call-start
scs
__scs_entry_jumppad:
0x0: {  	(pc) =	sbr.rel $0x88, $3  }
0x1: {  	(tag) =	ssettag $0x0;
	lr =	simm.s32 $0x1  }
0x2: {  	[smem:$0x3F9F] =	sst lr;
	_ =	strace $0xD0000000  }
0x3: {  	_ = 	snop  }
0x4: {  	_ = 	snop  }
0x5: {  	_ = 	snop  }
0x6: {  	_ = 	snop  }
0x7: {  	_ = 	snop  }
__scs_overlays_trampoline_lowered:
0x8: {  	[smem:$0x3FAE] =	sst s0  }
0x9: {  	[smem:$0x3FAF] =	sst s1  }
0xa: {  	[smem:$0x3FB0] =	sst s2  }
0xb: {  	[smem:$0x3FB1] =	sst s3  }
0xc: {  	[smem:$0x3FB2] =	sst s4  }
0xd: {  	[smem:$0x3FB3] =	sst s5  }
0xe: {  	[smem:$0x3FB4] =	sst s6  }
0xf: {  	[smem:$0x3FB5] =	sst s7  }
0x10: {  	[smem:$0x3FB6] =	sst s8  }
0x11: {  	[smem:$0x3FB7] =	sst s9;
	s0 =	simm.s32 @!p0 $0x0  }
0x12: {  	s1 =	sld [smem:$0x3F9D];
	s0 =	simm.s32 @p0 $0x1  }
0x13: {  	[smem:$0x3FB8] =	sst s0;
	s0 =	simm.s32 @!p1 $0x0  }
0x14: {  	s2 =	sld [smem:$0x3F9C];
	s0 =	simm.s32 @p1 $0x1  }
0x15: {  	[smem:$0x3FB9] =	sst s0;
	s0 =	simm.s32 @!p2 $0x0  }
0x16: {  	s3 =	sld [smem:$0x3FDB];
	s0 =	simm.s32 @p2 $0x1  }
0x17: {  	s4 =	simm.s32 $0x1BF5;
	[smem:$0x3FBB] =	sst s0  }
0x18: {  	s0 =	sld [smem:$0x3F9E];
	_ =	swait.ge [sflag:s4], $0x0  }
0x19: {  	s7 =	sld [smem:$0x3F9F]  }
0x1a: {  	s8 =	sadd.s32 $0xFFFFE003, lr  }
0x1b: {  	s9 =	sadd.s32 $0xFFFFFEF7, lr;
	s5 =	simm.s32 $0xFFFFFFFF;
	p2 =	slt.u32 s8, $0xFFFFF086  }
0x1c: {  	p1 =	slt.u32 s9, $0xF7A;
	s5 =	simm.s32 @!p2 $0x0  }
0x1d: {  	s5 =	simm.s32 @p1 $0x1;
	p0 =	seq.s32 s7, s2  }
0x1e: {  	s7 =	smul.u32 @!p0 $0xF7A, s2;
	p2 =	seq.s32 @!p0 s5, $0x0  }
0x1f: {  	s9 =	smul.u32 $0xF7A, s1;
	s8 =	simm.s32 @!p0 $0x1BF5;
	p2 =	por !p2, p0  }
0x20: {  	[sflag:s8] =	ssyncset.s32 @!p0 $0xFFFFF086;
	s6 =	sadd.s32 @!p0 s3, s7;
	s7 =	simm.s32 @!p0 $0x108  }
0x21: {  	s3 =	sadd.s32 s3, s9;
	s6 =	sadd.s32 @!p0 $0x88, s6;
	s7 =	simm.s32 @p2 $0x1082  }
0x22: {  	[simem:s7], [sflag:s8] =	dma.local @!p0 [hbm:s6], $0xF7A  }
0x23: {  	s9 =	sor.u32 $0xD0000000, s2;
	s6 =	simm.s32 $0x108;
	_ =	swait.ge @!p0 [sflag:s8], $0x0  }
0x24: {  	s3 =	sadd.s32 $0x88, s3;
	s6 =	simm.s32 @!p1 $0x1082;
	[sflag:s4] =	ssyncset.s32 $0xFFFFF086  }
0x25: {  	[simem:s6], [sflag:s4] =	dma.local [hbm:s3], $0xF7A  }
0x26: {  	[smem:$0x3F9F] =	sst s1;
	(tag) =	ssettag s2;
	_ =	strace s9  }
0x27: {  	s1 =	sld [smem:$0x3FAF]  }
0x28: {  	s2 =	sld [smem:$0x3FB0]  }
0x29: {  	s4 =	sld [smem:$0x3FB2]  }
0x2a: {  	p0 =	seq.s32 s5, $0x0;
	s5 =	sld [smem:$0x3FB3]  }
0x2b: {  	s6 =	sld [smem:$0x3FB4]  }
0x2c: {  	s7 =	sld [smem:$0x3FB5]  }
0x2d: {  	s3 =	simm.s32 $0x108;
	s8 =	sld [smem:$0x3FB6]  }
0x2e: {  	s3 =	simm.s32 @!p0 $0x1082;
	s9 =	sld [smem:$0x3FB7]  }
0x2f: {  	lr =	sadd.s32 s0, s3;
	s0 =	sld [smem:$0x3FAE]  }
0x30: {  	s3 =	sld [smem:$0x3FB1]  }
0x31: {  	[smem:$0x3FBA] =	sst s10  }
0x32: {  	s10 =	sld [smem:$0x3FB8];
	_ =	sdelay $0x3  }
0x33: {  	p0 =	seq.s32 s10, $0x1;
	s10 =	sld [smem:$0x3FBA];
	_ =	sdelay $0x3  }
0x34: {  	[smem:$0x3FBA] =	sst s10  }
0x35: {  	s10 =	sld [smem:$0x3FB9];
	_ =	sdelay $0x3  }
0x36: {  	p1 =	seq.s32 s10, $0x1;
	s10 =	sld [smem:$0x3FBA];
	_ =	sdelay $0x3  }
0x37: {  	[smem:$0x3FBA] =	sst s10  }
0x38: {  	s10 =	sld [smem:$0x3FBB]  }
0x39: {  	_ = 	snop;
	(pc) =	sbr.ind lr, $3  }
0x3a: {  	_ = 	snop  }
0x3b: {  	_ = 	snop  }
0x3c: {  	p2 =	seq.s32 s10, $0x1;
	s10 =	sld [smem:$0x3FBA]  }
0x3d: {  	_ =	shalt  }
0x3e: {  	_ =	shalt  }
0x3f: {  	_ =	shalt  }
0x40: {  	_ =	shalt  }
0x41: {  	_ =	shalt  }
0x42: {  	_ =	shalt  }
0x43: {  	_ =	shalt  }
0x44: {  	_ =	shalt  }
0x45: {  	_ =	shalt  }
0x46: {  	_ =	shalt  }
0x47: {  	_ =	shalt  }
0x48: {  	_ =	shalt  }
0x49: {  	_ =	shalt  }
0x4a: {  	_ =	shalt  }
0x4b: {  	_ =	shalt  }
0x4c: {  	_ =	shalt  }
0x4d: {  	_ =	shalt  }
0x4e: {  	_ =	shalt  }
0x4f: {  	_ =	shalt  }
0x50: {  	_ =	shalt  }
0x51: {  	_ =	shalt  }
0x52: {  	_ =	shalt  }
0x53: {  	_ =	shalt  }
0x54: {  	_ =	shalt  }
0x55: {  	_ =	shalt  }
0x56: {  	_ =	shalt  }
0x57: {  	_ =	shalt  }
0x58: {  	_ =	shalt  }
0x59: {  	_ =	shalt  }
0x5a: {  	_ =	shalt  }
0x5b: {  	_ =	shalt  }
0x5c: {  	_ =	shalt  }
0x5d: {  	_ =	shalt  }
0x5e: {  	_ =	shalt  }
0x5f: {  	_ =	shalt  }
0x60: {  	_ =	shalt  }
0x61: {  	_ =	shalt  }
0x62: {  	_ =	shalt  }
0x63: {  	_ =	shalt  }
0x64: {  	_ =	shalt  }
0x65: {  	_ =	shalt  }
0x66: {  	_ =	shalt  }
0x67: {  	_ =	shalt  }
0x68: {  	_ =	shalt  }
0x69: {  	_ =	shalt  }
0x6a: {  	_ =	shalt  }
0x6b: {  	_ =	shalt  }
0x6c: {  	_ =	shalt  }
0x6d: {  	_ =	shalt  }
0x6e: {  	_ =	shalt  }
0x6f: {  	_ =	shalt  }
0x70: {  	_ =	shalt  }
0x71: {  	_ =	shalt  }
0x72: {  	_ =	shalt  }
0x73: {  	_ =	shalt  }
0x74: {  	_ =	shalt  }
0x75: {  	_ =	shalt  }
0x76: {  	_ =	shalt  }
0x77: {  	_ =	shalt  }
0x78: {  	_ =	shalt  }
0x79: {  	_ =	shalt  }
0x7a: {  	_ =	shalt  }
0x7b: {  	_ =	shalt  }
0x7c: {  	_ =	shalt  }
0x7d: {  	_ =	shalt  }
0x7e: {  	_ =	shalt  }
0x7f: {  	_ =	shalt  }
0x80: {  	_ =	shalt  }
0x81: {  	_ =	shalt  }
0x82: {  	_ =	shalt  }
0x83: {  	_ =	shalt  }
0x84: {  	_ =	shalt  }
0x85: {  	_ =	shalt  }
0x86: {  	_ =	shalt  }
0x87: {  	_ =	shalt  }
.Lfunc_end0:
.L_simem_size_0:
called_computation_lowered:
.L_overlay_start_0:
0x88: {  	s2 =	sld [smem:$0x3FD9]  }
0x89: {  	s3 =	sld [smem:$0x3FFE];
	_ =	sdelay $0x1  }
0x8a: {  	s1 =	srdreg.scid  }
0x8b: {  	s0 =	sand.u32 $0x1, s1  }
0x8c: {  	s17 =	sshll.u32 s0, $0xA;
	s2 =	sadd.s32 s3, s2  }
0x8d: {  	s2 =	sadd.s32 s2, s17  }
0x8e: {  	[smem:$0x3FC6] =	sst s2  }
0x8f: {  	_ = 	snop  }
0x90: {  	s2 =	sld [smem:$0x3FC9]  }
0x91: {  	s18 =	sld [smem:$0x3FD0];
	(tm) =	ssettm $0x1  }
0x92: {  	s4 =	sld [smem:$0x3FFB];
	_ =	sdelay $0x3  }
0x93: {  	_ =	strace s4  }
0x94: {  	s4 =	sld [smem:$0x3FFC];
	_ =	sdelay $0x3  }
0x95: {  	_ =	strace s4  }
0x96: {  	s4 =	sld [smem:$0x3FFD];
	_ =	sdelay $0x3  }
0x97: {  	_ =	strace s4  }
0x98: {  	_ =	strace $0x8FFFFFFF  }
0x99: {  	s19 =	sld [smem:$0x3FDB];
	_ =	sdelay $0x1  }
0x9a: {  	s5 =	simm.s32 $_scs_section_size  }
0x9b: {  	s6 =	simm.s32 $_size__tile_overlayer_lowered;
	s7 =	simm.s32 $_tile_overlayer_lowered  }
0x9c: {  	s22 =	simm.s32 $0x1BFF;
	s21 =	sshll.u32 s7, $0x1;
	s4 =	sadd.s32 s5, s19  }
0x9d: {  	s8 =	simm.s32 $0x0;
	s20 =	sshll.u32 s6, $0x1;
	s6 =	sadd.s32 s21, s4  }
0x9e: {  	[timem:s8], [sflag:s22] =	dma.local [hbm:s6], s20  }
0x9f: {  	_ =	swait.ge [sflag:s22], s20  }
0xa0: {  	s5 =	ssub.s32 $0x0, s20;
	[sflag:s22] =	ssyncset.done $0x0  }
0xa1: {  	[sflag:s22] =	ssyncadd.s32 s5;
	_ =	sdelay $0x1  }
0xa2: {  	s23 =	simm.s32 $0x1B8B  }
0xa3: {  	_ =	swait.ge [sflag:s23], $0x1  }
0xa4: {  	[sflag:s23] =	ssyncset.done $0x0  }
0xa5: {  	s25 =	simm.s32 $0x1B8E;
	s24 =	sld [smem:$0x3FFE];
	[sflag:s23] =	ssyncadd.s32 $0xFFFFFFFF  }
0xa6: {  	s26 =	simm.s32 $execute0_lowered;
	[smem:$0x3FD2] =	sst s25  }
0xa7: {  	s6 =	sshll.u32 s26, $0x1;
	_ =	strace $0x80000046;
	[dreg:$0x1] =	wrdreg $0xFFFFFFFF  }
0xa8: {  	s28 =	simm.s32 $_size_execute0_lowered;
	s4 =	sadd.s32 s4, s6;
	[dreg:$0x0] =	wrdreg $0x0  }
0xa9: {  	s6 =	sshll.u32 s28, $0x1;
	[dreg:$0x2] =	wrdreg s4  }
0xaa: {  	[dreg:$0x3] =	wrdreg s6  }
0xab: {  	[dreg:$0x4] =	wrdreg $0xC0  }
0xac: {  	_ =	task [dreg:s8], $0x5FFFF  }
0xad: {  	[dreg:$0x1] =	wrdreg $0xFFFFFFFF  }
0xae: {  	[dreg:$0x0] =	wrdreg $0x60  }
0xaf: {  	[dreg:$0x2] =	wrdreg s2  }
0xb0: {  	[dreg:$0x3] =	wrdreg s24  }
0xb1: {  	[dreg:$0x4] =	wrdreg s18  }
0xb2: {  	[dreg:$0x5] =	wrdreg $0x9  }
0xb3: {  	_ =	task.clear_ibuf [dreg:s8], $0x6FFFF;
	_ =	strace $0x90000046  }
0xb4: {  	s29 =	simm.s32 $0x9;
	_ =	strace $0x80000048  }
0xb5: {  	_ =	swait.ge [sflag:s29], $0x1  }
0xb6: {  	[sflag:s29] =	ssyncadd.s32 $0xFFFFFFFF  }
0xb7: {  	_ =	strace $0x90000048  }
0xb8: {  	_ =	sfence  }
0xb9: {  	s30 =	sld [smem:$0x0];
	_ =	sdelay $0x2  }
0xba: {  	s31 =	sshll.u32 s1, $0xD;
	s1 =	sshrl.u32 s1, $0x2  }
0xbb: {  	s3 =	sand.u32 $0x4000, s31;
	s1 =	sadd.s32 s1, s30  }
0xbc: {  	s0 =	sor.u32 s3, s0;
	s1 =	sshll.u32 s1, $0x11  }
0xbd: {  	s0 =	sor.u32 s1, s0  }
0xbe: {  	s0 =	sadd.s32 $0x8F2B, s0  }
0xbf: {  	[sflag:s0] =	ssyncadd.remote.s32 $0x1  }
0xc0: {  	_ =	sfence.sel $0xFFFF  }
0xc1: {  	[dreg:$0x0] =	wrdreg $0xFFFFFFFF;
	(pc) =	sbr.abs _section_cstart, $3  }
0xc2: {  	[dreg:$0x1] =	wrdreg $0xFFFFFFFF  }
0xc3: {  	_ =	task.clear_ibuf [dreg:s8], $0x2FFFF;
	_ =	strace $0x9FFFFFFF  }
0xc4: {  	(tm) =	ssettm $0x7FFFFFFF  }
0xc5: {  	_ =	shalt  }
tec
execute0_lowered:
.L_overlay_start_1:
0x0: {  	(tag) =	ssettag $0x1  }
0x1: {  	s0 =	rddreg [dreg:$0x0]  }
0x2: {  	s1 =	rddreg [dreg:$0x1]  }
0x3: {  	s2 =	rddreg [dreg:$0x2];
	s4 =	srdreg.scid  }
0x4: {  	s5 =	stileid.u32;
	s3 =	simm.s32 $0x0;
	s29 =	simm.s32 $0x2  }
0x5: {  	s17 =	simm.s32 $0x9B00;
	s31 =	simm.s32 $0xA000;
	s15 =	simm.s32 $0x0  }
0x6: {  	s4 =	sand.u32 $0x1, s4;
	s5 =	sshll.u32 s5, $0x1;
	[smem:$0x7FF] =	sst s3  }
0x7: {  	s1 =	sadd.s32 $0x400, s1;
	s8 =	sadd.s32 $0x4000, s2;
	s9 =	sadd.s32 $0x6000, s2  }
0x8: {  	s10 =	sadd.s32 $0x8000, s2;
	s6 =	ssub.s32 $0x2, s4;
	s4 =	sor.u32 s4, s5  }
0x9: {  	s11 =	sadd.s32 $0xA000, s2;
	s7 =	sshll.u32 s4, $0x9;
	s20 =	sshll.u32 s4, $0x8  }
0xa: {  	s12 =	sadd.s32 $0xC000, s2;
	s5 =	sadd.s32 s0, s7;
	s0 =	sadd.s32 s20, s2  }
0xb: {  	_ =	strace $0x80000047;
	[dreg:$0x4] =	wrdreg s1;
	s21 =	sadd.s32 $0x180000, s0  }
0xc: {  	s13 =	sadd.s32 $0xE000, s2;
	s22 =	sadd.s32 $0x182000, s0;
	[dreg:$0x5] =	wrdreg s21  }
0xd: {  	s18 =	sshrl.u32 s6, $0x1;
	s23 =	sadd.s32 $0x184000, s0;
	[dreg:$0x6] =	wrdreg s22  }
0xe: {  	s19 =	ssub.s32 s6, s18;
	s24 =	sadd.s32 $0x186000, s0;
	[dreg:$0x7] =	wrdreg s23  }
0xf: {  	s6 =	sshll.u32 s4, $0xB;
	s25 =	sadd.s32 $0x188000, s0;
	[dreg:$0x8] =	wrdreg s24  }
0x10: {  	s7 =	sadd.s32 $0x2000, s2;
	s26 =	sadd.s32 $0x18A000, s0;
	[dreg:$0x9] =	wrdreg s25  }
0x11: {  	s4 =	simm.s32 $0x9A00;
	s28 =	sadd.s32 $0x18C000, s0;
	[dreg:$0xa] =	wrdreg s26  }
0x12: {  	s18 =	simm.s32 $0x9D00;
	s0 =	sadd.s32 $0x18E000, s0;
	[dreg:$0xb] =	wrdreg s28  }
0x13: {  	s20 =	simm.s32 $0xA100;
	s30 =	smax.u32 s19, $0x1;
	[dreg:$0xc] =	wrdreg s0  }
0x14: {  	v0 =	vlaneseq.u32;
	s14 =	sadd.s32 $0x8000, s5;
	s19 =	simm.s32 $0x9F00;
	[dreg:$0xd] =	wrdreg s30  }
0x15: {  	v1 =	vor.u32 $0x10, v0;
	v2 =	vor.u32 $0x20, v0;
	v3 =	vor.u32 $0x30, v0;
	s25 =	simm.s32 $0x1;
	s0 =	simm.s32 $0x9C00;
	s23 =	simm.s32 $0x9E00  }
.LBB2_1:
0x16: {  	[dreg:$0xe] =	wrdreg s15  }
0x17: {  	s1 =	rddreg [dreg:$0x4];
	s28 =	simm.s32 $0x5  }
0x18: {  	[tilespmem:s3], [sflag:$0x5] =	stream.linear.gather [hbm4b:s1+s3], $0x280, $0x38;
	[tilespmem:$0xA280] =	vst v63  }
0x19: {  	_ =	swait.ge [sflag:s28], $0x280  }
0x1a: {  	s30 =	sadd.s32 $0x0, s5;
	[sflag:s28] =	ssyncset.done $0x0  }
0x1b: {  	s15 =	simm.s32 $0x10;
	s1 =	simm.s32 $0x280;
	[sflag:s28] =	ssyncadd.s32 $0xFFFFFD80  }
0x1c: {  	[tilespmem:s1], [sflag:$0x1] =	stream.linear.gather [hbm4b:s30+s3], $0x80, $0x38;
	[tilespmem:$0xA280] =	vst v63  }
.LBB2_2:
0x1d: {  	p0 =	sne.s32 s15, $0x1F0  }
.Ltmp0:
0x1e: {  	_ = 	snop;
	(pc) =	sbr.rel @p0 .LBB2_2-.Ltmp0, $4  }
0x1f: {  	_ = 	snop  }
0x20: {  	s21 =	sadd.s32 s15, s5;
	s1 =	sadd.s32 $0x100, s1  }
0x21: {  	s24 =	simm.s32 $0x0;
	s15 =	sadd.s32 $0x10, s15  }
0x22: {  	[tilespmem:s1], [sflag:$0x1] =	stream.linear.gather [hbm4b:s21+s24], $0x80, $0x38;
	[tilespmem:$0xA280] =	vst v63  }
.LBB2_3:
0x23: {  	s21 =	sshllo.u32 s24, $0x1  }
0x24: {  	s1 =	sshll.u32 s21, $0xE  }
0x25: {  	s15 =	simm.s32 $0x300;
	s1 =	sadd.s32 s1, s5  }
0x26: {  	s22 =	simm.s32 $0x10;
	s26 =	simm.s32 $0x400;
	s30 =	sadd.s32 $0x0, s1  }
.LBB2_4:
0x27: {  	[tilespmem:s15], [sflag:$0x2] =	stream.linear.gather [hbm4b:s30+s3], $0x80, $0x38;
	[tilespmem:$0xA280] =	vst v63  }
0x28: {  	s30 =	smov.u32 s22;
	s15 =	smov.u32 s26;
	p0 =	sne.s32 s22, $0x1F0  }
.Ltmp1:
0x29: {  	s22 =	sadd.s32 $0x10, s22;
	(pc) =	sbr.rel @p0 .LBB2_4-.Ltmp1, $2  }
0x2a: {  	_ =	sdelay $0x2  }
0x2b: {  	s26 =	sadd.s32 $0x100, s26;
	s30 =	sadd.s32 s30, s1  }
0x2c: {  	[tilespmem:s15], [sflag:$0x2] =	stream.linear.gather [hbm4b:s30+s3], $0x80, $0x38;
	[tilespmem:$0xA280] =	vst v63  }
0x2d: {  	_ =	swait.ge [sflag:s25], $0x1000  }
0x2e: {  	p0 =	seq.s32 s24, $0x0;
	[sflag:s25] =	ssyncset.done $0x0  }
0x2f: {  	s26 =	simm.s32 $0x0;
	s1 =	simm.s32 @!p0 $0x3;
	[sflag:s25] =	ssyncadd.s32 $0xFFFFF000  }
0x30: {  	s22 =	simm.s32 $0x0;
	s15 =	sand.u32 $0x7, s26;
	_ =	swait.ge @!p0 [sflag:s1], $0x4000  }
0x31: {  	s22 =	sand.u32 $0x3FFFF800, s22;
	s26 =	sshll.u32 s15, $0x8;
	[sflag:s1] =	ssyncset.done @!p0 $0x0  }
0x32: {  	s28 =	sor.u32 s26, s22;
	[sflag:s1] =	ssyncadd.s32 @!p0 $0xFFFFC000  }
0x33: {  	v4 =	vld [tilespmem:s28+$0x2F0]  }
0x34: {  	v5 =	vld [tilespmem:s28+$0x280]  }
0x35: {  	v6 =	vld [tilespmem:s28+$0x290]  }
0x36: {  	v7 =	vld [tilespmem:s28+$0x2A0]  }
0x37: {  	v8 =	vld [tilespmem:s28+$0x2B0]  }
0x38: {  	v9 =	vld [tilespmem:s28+$0x2C0];
	v4 =	vshll.u32 v4, $0x6  }
0x39: {  	v10 =	vld [tilespmem:s28+$0x2D0];
	v5 =	vshll.u32 v5, $0x6;
	v11 =	vor.u32 v0, v4  }
0x3a: {  	v13 =	vld [tilespmem:s28+$0x2E0];
	v6 =	vshll.u32 v6, $0x6;
	v12 =	vor.u32 v0, v5  }
0x3b: {  	v7 =	vshll.u32 v7, $0x6;
	v14 =	vor.u32 v0, v6  }
0x3c: {  	v8 =	vshll.u32 v8, $0x6;
	v15 =	vor.u32 v0, v7  }
0x3d: {  	v9 =	vshll.u32 v9, $0x6;
	v16 =	vor.u32 v0, v8  }
0x3e: {  	v10 =	vshll.u32 v10, $0x6;
	v17 =	vor.u32 v0, v9;
	v11 =	vld.idx.msk [tilespmem:v11+s3+$0x0], $0xffff  }
0x3f: {  	v13 =	vshll.u32 v13, $0x6;
	v18 =	vor.u32 v0, v10;
	v12 =	vld.idx.msk [tilespmem:v12+s3+$0x0], $0xffff  }
0x40: {  	v20 =	vor.u32 v0, v13;
	v14 =	vld.idx.msk [tilespmem:v14+s3+$0x0], $0xffff  }
0x41: {  	s30 =	simm.s32 $0x0;
	v19 =	vor.u32 v1, v4;
	v15 =	vld.idx.msk [tilespmem:v15+s3+$0x0], $0xffff  }
0x42: {  	s15 =	sshll.u32 s15, $0xC;
	s1 =	sand.u32 $0x3FFFFC00, s30;
	v21 =	vor.u32 v1, v5;
	v16 =	vld.idx.msk [tilespmem:v16+s3+$0x0], $0xffff  }
0x43: {  	s1 =	sadd.s32 s1, s15;
	v22 =	vor.u32 v1, v6;
	v17 =	vld.idx.msk [tilespmem:v17+s3+$0x0], $0xffff  }
0x44: {  	v23 =	vor.u32 v1, v7;
	v18 =	vld.idx.msk [tilespmem:v18+s3+$0x0], $0xffff;
	[tilespmem:s1+$0x22F0] =	vst v11  }
0x45: {  	v24 =	vor.u32 v1, v9;
	[tilespmem:s1+$0x2280] =	vst v12;
	v12 =	vld.idx.msk [tilespmem:v20+s3+$0x0], $0xffff  }
0x46: {  	v11 =	vor.u32 v1, v8;
	[tilespmem:s1+$0x2290] =	vst v14;
	v19 =	vld.idx.msk [tilespmem:v19+s3+$0x0], $0xffff  }
0x47: {  	v52 =	vor.u32 v1, v10;
	[tilespmem:s1+$0x22A0] =	vst v15;
	v14 =	vld.idx.msk [tilespmem:v21+s3+$0x0], $0xffff  }
0x48: {  	v53 =	vor.u32 v1, v13;
	[tilespmem:s1+$0x22B0] =	vst v16;
	v15 =	vld.idx.msk [tilespmem:v22+s3+$0x0], $0xffff  }
0x49: {  	v20 =	vor.u32 v2, v4;
	[tilespmem:s1+$0x22C0] =	vst v17;
	v16 =	vld.idx.msk [tilespmem:v23+s3+$0x0], $0xffff  }
0x4a: {  	v17 =	vor.u32 v2, v6;
	[tilespmem:s1+$0x22D0] =	vst v18;
	v24 =	vld.idx.msk [tilespmem:v24+s3+$0x0], $0xffff  }
0x4b: {  	v54 =	vor.u32 v2, v5;
	v11 =	vld.idx.msk [tilespmem:v11+s3+$0x0], $0xffff;
	[tilespmem:s1+$0x22E0] =	vst v12  }
0x4c: {  	v12 =	vld.idx.msk [tilespmem:v52+s3+$0x0], $0xffff;
	[tilespmem:s1+$0x23F0] =	vst v19;
	v19 =	vor.u32 v2, v7  }
0x4d: {  	v56 =	vor.u32 v2, v10;
	[tilespmem:s1+$0x2380] =	vst v14;
	v14 =	vld.idx.msk [tilespmem:v53+s3+$0x0], $0xffff  }
0x4e: {  	[tilespmem:s1+$0x2390] =	vst v15;
	v18 =	vld.idx.msk [tilespmem:v20+s3+$0x0], $0xffff;
	v20 =	vor.u32 v2, v8  }
0x4f: {  	[tilespmem:s1+$0x23A0] =	vst v16;
	v16 =	vld.idx.msk [tilespmem:v17+s3+$0x0], $0xffff;
	v17 =	vor.u32 v2, v13  }
0x50: {  	v15 =	vld.idx.msk [tilespmem:v54+s3+$0x0], $0xffff;
	[tilespmem:s1+$0x23B0] =	vst v11  }
0x51: {  	s22 =	simm.s32 $0x1;
	[tilespmem:s1+$0x23D0] =	vst v12;
	v11 =	vld.idx.msk [tilespmem:v19+s3+$0x0], $0xffff  }
0x52: {  	s16 =	simm.s32 $0x100;
	s15 =	sand.u32 $0x7, s22;
	v4 =	vor.u32 v3, v4;
	v12 =	vld.idx.msk [tilespmem:v56+s3+$0x0], $0xffff  }
0x53: {  	s26 =	sand.u32 $0x3FFFF800, s16;
	s28 =	sshll.u32 s15, $0x8;
	v55 =	vor.u32 v2, v9;
	[tilespmem:s1+$0x23E0] =	vst v14;
	v19 =	vld.idx.msk [tilespmem:v20+s3+$0x0], $0xffff  }
0x54: {  	s26 =	sor.u32 s28, s26;
	v5 =	vor.u32 v3, v5;
	v14 =	vld.idx.msk [tilespmem:v17+s3+$0x0], $0xffff  }
0x55: {  	v17 =	vld [tilespmem:s26+$0x2A0]  }
0x56: {  	v6 =	vor.u32 v3, v6;
	[tilespmem:s1+$0x24F0] =	vst v18;
	v20 =	vld [tilespmem:s26+$0x2C0]  }
0x57: {  	[tilespmem:s1+$0x23C0] =	vst v24;
	v18 =	vld.idx.msk [tilespmem:v4+s3+$0x0], $0xffff  }
0x58: {  	[tilespmem:s1+$0x2480] =	vst v15;
	v4 =	vor.u32 v3, v7;
	v7 =	vld.idx.msk [tilespmem:v55+s3+$0x0], $0xffff  }
0x59: {  	v15 =	vld.idx.msk [tilespmem:v5+s3+$0x0], $0xffff  }
0x5a: {  	[tilespmem:s1+$0x2490] =	vst v16;
	v5 =	vld [tilespmem:s26+$0x280]  }
0x5b: {  	[tilespmem:s1+$0x24A0] =	vst v11;
	v11 =	vld.idx.msk [tilespmem:v6+s3+$0x0], $0xffff  }
0x5c: {  	v6 =	vld [tilespmem:s26+$0x290]  }
0x5d: {  	v13 =	vor.u32 v3, v13;
	[tilespmem:s1+$0x24B0] =	vst v19;
	v19 =	vld [tilespmem:s26+$0x2B0]  }
0x5e: {  	v8 =	vor.u32 v3, v8;
	v16 =	vld.idx.msk [tilespmem:v4+s3+$0x0], $0xffff  }
0x5f: {  	v9 =	vor.u32 v3, v9;
	v4 =	vld [tilespmem:s26+$0x2F0]  }
0x60: {  	v59 =	vld [tilespmem:s26+$0x2D0];
	v10 =	vor.u32 v3, v10;
	[tilespmem:s1+$0x24E0] =	vst v14;
	v58 =	vshll.u32 v5, $0x6  }
0x61: {  	v26 =	vld [tilespmem:s26+$0x2E0];
	v20 =	vshll.u32 v20, $0x6;
	[tilespmem:s1+$0x24C0] =	vst v7;
	v7 =	vor.u32 v0, v58  }
0x62: {  	v25 =	vshll.u32 v6, $0x6;
	v6 =	vld.idx.msk [tilespmem:v13+s3+$0x0], $0xffff;
	v13 =	vor.u32 v0, v20  }
0x63: {  	[tilespmem:s1+$0x24D0] =	vst v12;
	v27 =	vshll.u32 v17, $0x6;
	v8 =	vld.idx.msk [tilespmem:v8+s3+$0x0], $0xffff;
	v12 =	vor.u32 v0, v25  }
0x64: {  	v19 =	vshll.u32 v19, $0x6;
	v57 =	vshll.u32 v4, $0x6;
	v4 =	vld.idx.msk [tilespmem:v9+s3+$0x0], $0xffff;
	v9 =	vor.u32 v0, v27  }
0x65: {  	v5 =	vld.idx.msk [tilespmem:v10+s3+$0x0], $0xffff;
	v10 =	vor.u32 v0, v19  }
0x66: {  	v23 =	vshll.u32 v59, $0x6;
	[tilespmem:s1+$0x25F0] =	vst v18;
	v60 =	vor.u32 v0, v57;
	v7 =	vld.idx.msk [tilespmem:v7+s3+$0x0], $0xffff  }
0x67: {  	v61 =	vshll.u32 v26, $0x6;
	v17 =	vor.u32 v0, v23;
	[tilespmem:s1+$0x2580] =	vst v15;
	v13 =	vld.idx.msk [tilespmem:v13+s3+$0x0], $0xffff  }
0x68: {  	s30 =	simm.s32 $0x80;
	[tilespmem:s1+$0x2590] =	vst v11;
	v11 =	vor.u32 v0, v61;
	v12 =	vld.idx.msk [tilespmem:v12+s3+$0x0], $0xffff  }
0x69: {  	s15 =	sshll.u32 s15, $0xC;
	s26 =	sand.u32 $0x3FFFFC00, s30;
	[tilespmem:s1+$0x25A0] =	vst v16;
	v16 =	vor.u32 v1, v58;
	v9 =	vld.idx.msk [tilespmem:v9+s3+$0x0], $0xffff  }
0x6a: {  	s15 =	sadd.s32 s26, s15;
	[tilespmem:s1+$0x25B0] =	vst v8;
	v8 =	vor.u32 v1, v25;
	v10 =	vld.idx.msk [tilespmem:v10+s3+$0x0], $0xffff  }
0x6b: {  	v18 =	vor.u32 v1, v27;
	v14 =	vld.idx.msk [tilespmem:v60+s3+$0x0], $0xffff;
	[tilespmem:s15+$0x2280] =	vst v7  }
0x6c: {  	v17 =	vld.idx.msk [tilespmem:v17+s3+$0x0], $0xffff;
	v15 =	vor.u32 v1, v57;
	[tilespmem:s15+$0x22C0] =	vst v13  }
0x6d: {  	v11 =	vld.idx.msk [tilespmem:v11+s3+$0x0], $0xffff;
	[tilespmem:s15+$0x2290] =	vst v12  }
0x6e: {  	v12 =	vld.idx.msk [tilespmem:v16+s3+$0x0], $0xffff;
	v16 =	vor.u32 v1, v23;
	[tilespmem:s15+$0x22A0] =	vst v9  }
0x6f: {  	v8 =	vld.idx.msk [tilespmem:v8+s3+$0x0], $0xffff;
	[tilespmem:s15+$0x22B0] =	vst v10;
	v10 =	vor.u32 v1, v61  }
0x70: {  	v13 =	vor.u32 v2, v58;
	[tilespmem:s15+$0x22F0] =	vst v14;
	v18 =	vld.idx.msk [tilespmem:v18+s3+$0x0], $0xffff  }
0x71: {  	[tilespmem:s15+$0x22D0] =	vst v17;
	v14 =	vor.u32 v1, v19;
	v7 =	vld.idx.msk [tilespmem:v15+s3+$0x0], $0xffff  }
0x72: {  	[tilespmem:s15+$0x22E0] =	vst v11;
	v9 =	vor.u32 v2, v57  }
0x73: {  	v15 =	vor.u32 v1, v20;
	[tilespmem:s15+$0x2380] =	vst v12;
	v12 =	vld.idx.msk [tilespmem:v16+s3+$0x0], $0xffff  }
0x74: {  	v17 =	vor.u32 v2, v25;
	[tilespmem:s15+$0x2390] =	vst v8;
	v8 =	vld.idx.msk [tilespmem:v10+s3+$0x0], $0xffff  }
0x75: {  	v63 =	vld.idx.msk [tilespmem:v13+s3+$0x0], $0xffff;
	[tilespmem:s15+$0x23A0] =	vst v18;
	v18 =	vor.u32 v2, v23  }
0x76: {  	v14 =	vld.idx.msk [tilespmem:v14+s3+$0x0], $0xffff;
	[tilespmem:s15+$0x23F0] =	vst v7;
	v7 =	vor.u32 v2, v27  }
0x77: {  	v11 =	vor.u32 v2, v19;
	v9 =	vld.idx.msk [tilespmem:v9+s3+$0x0], $0xffff  }
0x78: {  	v10 =	vor.u32 v3, v57;
	v15 =	vld.idx.msk [tilespmem:v15+s3+$0x0], $0xffff  }
0x79: {  	v62 =	vor.u32 v2, v20;
	v28 =	vld.idx.msk [tilespmem:v17+s3+$0x0], $0xffff;
	[tilespmem:s15+$0x23D0] =	vst v12  }
0x7a: {  	v29 =	vor.u32 v2, v61;
	[tilespmem:s15+$0x23E0] =	vst v8;
	v18 =	vld.idx.msk [tilespmem:v18+s3+$0x0], $0xffff  }
0x7b: {  	v13 =	vor.u32 v3, v58;
	[tilespmem:s15+$0x23B0] =	vst v14;
	v17 =	vld.idx.msk [tilespmem:v7+s3+$0x0], $0xffff  }
0x7c: {  	v12 =	vor.u32 v3, v25;
	v14 =	vld.idx.msk [tilespmem:v11+s3+$0x0], $0xffff;
	[tilespmem:s15+$0x24F0] =	vst v9  }
0x7d: {  	[tilespmem:s15+$0x23C0] =	vst v15;
	v11 =	vor.u32 v3, v27;
	v16 =	vld.idx.msk [tilespmem:v10+s3+$0x0], $0xffff  }
0x7e: {  	[tilespmem:s15+$0x2480] =	vst v63;
	v8 =	vor.u32 v3, v23;
	v15 =	vld.idx.msk [tilespmem:v62+s3+$0x0], $0xffff;
	v10 =	vor.u32 v3, v19  }
0x7f: {  	s26 =	simm.s32 $0x8;
	[tilespmem:s15+$0x2490] =	vst v28;
	v7 =	vor.u32 v3, v61;
	v9 =	vor.u32 v3, v20;
	v19 =	vld.idx.msk [tilespmem:v29+s3+$0x0], $0xffff  }
.LBB2_6:
0x80: {  	s26 =	sadd.s32 $0x8, s26;
	v13 =	vld.idx.msk [tilespmem:v13+s3+$0x0], $0xffff;
	[tilespmem:s15+$0x24A0] =	vst v17;
	s22 =	sadd.s32 $0x1, s22  }
0x81: {  	s30 =	sand.u32 $0x7, s22;
	s28 =	sshll.u32 s26, $0x5;
	p1 =	slt.u32 s26, $0xF8;
	v12 =	vld.idx.msk [tilespmem:v12+s3+$0x0], $0xffff;
	[tilespmem:s15+$0x24B0] =	vst v14  }
0x82: {  	s28 =	sand.u32 $0x3FFFF800, s28;
	s16 =	sshll.u32 s30, $0x8;
	v11 =	vld.idx.msk [tilespmem:v11+s3+$0x0], $0xffff;
	[tilespmem:s15+$0x25F0] =	vst v16  }
0x83: {  	s16 =	sor.u32 s16, s28;
	v10 =	vld.idx.msk [tilespmem:v10+s3+$0x0], $0xffff;
	[tilespmem:s15+$0x24C0] =	vst v15  }
0x84: {  	v14 =	vld [tilespmem:s16+$0x2F0];
	[tilespmem:s15+$0x24D0] =	vst v18  }
0x85: {  	v15 =	vld [tilespmem:s16+$0x280];
	[tilespmem:s15+$0x24E0] =	vst v19  }
0x86: {  	v16 =	vld [tilespmem:s16+$0x290];
	[tilespmem:s15+$0x2580] =	vst v13  }
0x87: {  	v13 =	vld [tilespmem:s16+$0x2A0];
	[tilespmem:s15+$0x2590] =	vst v12  }
0x88: {  	v12 =	vld [tilespmem:s16+$0x2B0];
	[tilespmem:s15+$0x25A0] =	vst v11  }
0x89: {  	v11 =	vld [tilespmem:s16+$0x2C0];
	v14 =	vshll.u32 v14, $0x6;
	[tilespmem:s15+$0x25B0] =	vst v10  }
0x8a: {  	v10 =	vshll.u32 v15, $0x6;
	v15 =	vld [tilespmem:s16+$0x2D0];
	v17 =	vor.u32 v0, v14;
	[tilespmem:s1+$0x25C0] =	vst v4  }
0x8b: {  	v18 =	vor.u32 v0, v10;
	v19 =	vor.u32 v1, v10;
	v16 =	vshll.u32 v16, $0x6;
	v20 =	vld [tilespmem:s16+$0x2E0];
	[tilespmem:s1+$0x25D0] =	vst v5  }
0x8c: {  	v21 =	vor.u32 v0, v16;
	v22 =	vor.u32 v1, v16;
	v23 =	vshll.u32 v13, $0x6;
	v4 =	vld.idx.msk [tilespmem:v9+s3+$0x0], $0xffff;
	[tilespmem:s1+$0x25E0] =	vst v6;
	s1 =	smov.u32 s15  }
0x8d: {  	v9 =	vor.u32 v0, v23;
	v24 =	vor.u32 v1, v23;
	v25 =	vshll.u32 v12, $0x6;
	v5 =	vld.idx.msk [tilespmem:v8+s3+$0x0], $0xffff  }
0x8e: {  	v8 =	vor.u32 v0, v25;
	v26 =	vor.u32 v1, v25;
	v27 =	vshll.u32 v11, $0x6;
	v6 =	vld.idx.msk [tilespmem:v7+s3+$0x0], $0xffff  }
0x8f: {  	v7 =	vor.u32 v0, v27;
	v28 =	vor.u32 v1, v27;
	v15 =	vshll.u32 v15, $0x6;
	v17 =	vld.idx.msk [tilespmem:v17+s3+$0x0], $0xffff  }
0x90: {  	v18 =	vld.idx.msk [tilespmem:v18+s3+$0x0], $0xffff;
	v29 =	vor.u32 v0, v15;
	v30 =	vor.u32 v1, v15;
	v20 =	vshll.u32 v20, $0x6  }
0x91: {  	v33 =	vor.u32 v1, v14;
	v21 =	vld.idx.msk [tilespmem:v21+s3+$0x0], $0xffff;
	v31 =	vor.u32 v0, v20;
	v32 =	vor.u32 v1, v20  }
0x92: {  	v34 =	vor.u32 v2, v10;
	s15 =	sshll.u32 s26, $0x4;
	v35 =	vor.u32 v2, v16;
	v37 =	vor.u32 v2, v23;
	v36 =	vld.idx.msk [tilespmem:v9+s3+$0x0], $0xffff  }
0x93: {  	s16 =	sshll.u32 s30, $0xC;
	s15 =	sand.u32 $0x3FFFFC00, s15;
	v39 =	vor.u32 v2, v25;
	v40 =	vor.u32 v2, v27;
	v41 =	vor.u32 v2, v15;
	v38 =	vld.idx.msk [tilespmem:v8+s3+$0x0], $0xffff  }
0x94: {  	v13 =	vor.u32 v3, v10;
	v12 =	vor.u32 v3, v16;
	s15 =	sadd.s32 s15, s16;
	v42 =	vor.u32 v2, v20;
	v16 =	vld.idx.msk [tilespmem:v7+s3+$0x0], $0xffff  }
0x95: {  	v11 =	vor.u32 v3, v23;
	v10 =	vor.u32 v3, v25;
	v23 =	vld.idx.msk [tilespmem:v29+s3+$0x0], $0xffff;
	[tilespmem:s15+$0x22F0] =	vst v17  }
0x96: {  	v9 =	vor.u32 v3, v27;
	v8 =	vor.u32 v3, v15;
	[tilespmem:s15+$0x2280] =	vst v18;
	v15 =	vld.idx.msk [tilespmem:v33+s3+$0x0], $0xffff  }
0x97: {  	v7 =	vor.u32 v3, v20;
	[tilespmem:s15+$0x2290] =	vst v21;
	v17 =	vld.idx.msk [tilespmem:v31+s3+$0x0], $0xffff  }
0x98: {  	v18 =	vld.idx.msk [tilespmem:v19+s3+$0x0], $0xffff;
	[tilespmem:s15+$0x22A0] =	vst v36;
	v19 =	vor.u32 v2, v14  }
0x99: {  	v20 =	vld.idx.msk [tilespmem:v22+s3+$0x0], $0xffff;
	[tilespmem:s15+$0x22B0] =	vst v38  }
0x9a: {  	v21 =	vld.idx.msk [tilespmem:v24+s3+$0x0], $0xffff;
	[tilespmem:s15+$0x22C0] =	vst v16  }
0x9b: {  	v16 =	vld.idx.msk [tilespmem:v26+s3+$0x0], $0xffff;
	[tilespmem:s15+$0x22D0] =	vst v23  }
0x9c: {  	v22 =	vld.idx.msk [tilespmem:v28+s3+$0x0], $0xffff;
	[tilespmem:s15+$0x23F0] =	vst v15  }
0x9d: {  	[tilespmem:s15+$0x22E0] =	vst v17;
	v15 =	vld.idx.msk [tilespmem:v19+s3+$0x0], $0xffff  }
0x9e: {  	[tilespmem:s15+$0x2380] =	vst v18;
	v18 =	vld.idx.msk [tilespmem:v30+s3+$0x0], $0xffff  }
0x9f: {  	[tilespmem:s15+$0x2390] =	vst v20;
	v19 =	vld.idx.msk [tilespmem:v32+s3+$0x0], $0xffff;
	v20 =	vor.u32 v3, v14  }
0xa0: {  	v23 =	vld.idx.msk [tilespmem:v34+s3+$0x0], $0xffff;
	[tilespmem:s15+$0x23A0] =	vst v21  }
0xa1: {  	v21 =	vld.idx.msk [tilespmem:v35+s3+$0x0], $0xffff;
	[tilespmem:s15+$0x23B0] =	vst v16  }
0xa2: {  	v17 =	vld.idx.msk [tilespmem:v37+s3+$0x0], $0xffff;
	[tilespmem:s15+$0x23C0] =	vst v22  }
.Ltmp2:
0xa3: {  	v14 =	vld.idx.msk [tilespmem:v39+s3+$0x0], $0xffff;
	[tilespmem:s15+$0x24F0] =	vst v15;
	(pc) =	sbr.rel @p1 .LBB2_6-.Ltmp2, $4  }
0xa4: {  	[tilespmem:s15+$0x23D0] =	vst v18;
	v16 =	vld.idx.msk [tilespmem:v20+s3+$0x0], $0xffff  }
0xa5: {  	v15 =	vld.idx.msk [tilespmem:v40+s3+$0x0], $0xffff;
	[tilespmem:s15+$0x23E0] =	vst v19  }
0xa6: {  	[tilespmem:s15+$0x2480] =	vst v23;
	v18 =	vld.idx.msk [tilespmem:v41+s3+$0x0], $0xffff  }
0xa7: {  	[tilespmem:s15+$0x2490] =	vst v21;
	v19 =	vld.idx.msk [tilespmem:v42+s3+$0x0], $0xffff  }
0xa8: {  	[tilespmem:s15+$0x24A0] =	vst v17  }
0xa9: {  	[tilespmem:s15+$0x24B0] =	vst v14  }
0xaa: {  	[tilespmem:s1+$0x25C0] =	vst v4  }
0xab: {  	[tilespmem:s1+$0x25D0] =	vst v5  }
0xac: {  	v13 =	vld.idx.msk [tilespmem:v13+s3+$0x0], $0xffff;
	[tilespmem:s1+$0x25E0] =	vst v6  }
0xad: {  	v12 =	vld.idx.msk [tilespmem:v12+s3+$0x0], $0xffff;
	[tilespmem:s15+$0x25F0] =	vst v16  }
0xae: {  	v11 =	vld.idx.msk [tilespmem:v11+s3+$0x0], $0xffff;
	[tilespmem:s15+$0x24C0] =	vst v15  }
0xaf: {  	v10 =	vld.idx.msk [tilespmem:v10+s3+$0x0], $0xffff;
	[tilespmem:s15+$0x24D0] =	vst v18  }
0xb0: {  	v9 =	vld.idx.msk [tilespmem:v9+s3+$0x0], $0xffff;
	[tilespmem:s15+$0x24E0] =	vst v19  }
0xb1: {  	v8 =	vld.idx.msk [tilespmem:v8+s3+$0x0], $0xffff;
	[tilespmem:s15+$0x2580] =	vst v13  }
0xb2: {  	[tilespmem:s15+$0x2590] =	vst v12;
	v4 =	vld.idx.msk [tilespmem:v7+s3+$0x0], $0xffff  }
0xb3: {  	[tilespmem:s15+$0x25A0] =	vst v11  }
0xb4: {  	s26 =	sshll.u32 s24, $0x14;
	[tilespmem:s15+$0x25B0] =	vst v10  }
0xb5: {  	s1 =	sor.u32 s6, s26;
	[tilespmem:s15+$0x25C0] =	vst v9  }
0xb6: {  	s22 =	sshrl.u32 s1, $0x3;
	[tilespmem:s15+$0x25D0] =	vst v8  }
0xb7: {  	s16 =	simm.s32 $0x2280;
	s1 =	simm.s32 $0x0;
	[tilespmem:s15+$0x25E0] =	vst v4;
	s15 =	sadd.s32 s2, s22  }
0xb8: {  	[hbm4b:s15+s1] =	stream.linear.scatter [tilespmem:s16], [sflag:$0x3], $0x80, $0x38;
	[tilespmem:$0xA280] =	vst v63  }
0xb9: {  	s26 =	simm.s32 $0x2380;
	s28 =	sadd.s32 $0x10, s15  }
0xba: {  	[hbm4b:s28+s1] =	stream.linear.scatter [tilespmem:s26], [sflag:$0x3], $0x80, $0x38;
	[tilespmem:$0xA280] =	vst v63  }
0xbb: {  	s26 =	sadd.s32 $0x20, s15;
	s28 =	simm.s32 $0x2480  }
0xbc: {  	[hbm4b:s26+s1] =	stream.linear.scatter [tilespmem:s28], [sflag:$0x3], $0x80, $0x38;
	[tilespmem:$0xA280] =	vst v63  }
0xbd: {  	s26 =	sadd.s32 $0x30, s15;
	s28 =	simm.s32 $0x2580  }
0xbe: {  	[hbm4b:s26+s1] =	stream.linear.scatter [tilespmem:s28], [sflag:$0x3], $0x80, $0x38;
	[tilespmem:$0xA280] =	vst v63  }
0xbf: {  	s26 =	sadd.s32 $0x40, s15;
	s28 =	simm.s32 $0x2680  }
0xc0: {  	[hbm4b:s26+s1] =	stream.linear.scatter [tilespmem:s28], [sflag:$0x3], $0x80, $0x38;
	[tilespmem:$0xA280] =	vst v63  }
0xc1: {  	s26 =	sadd.s32 $0x50, s15;
	s28 =	simm.s32 $0x2780  }
0xc2: {  	[hbm4b:s26+s1] =	stream.linear.scatter [tilespmem:s28], [sflag:$0x3], $0x80, $0x38;
	[tilespmem:$0xA280] =	vst v63  }
0xc3: {  	s26 =	sadd.s32 $0x60, s15;
	s28 =	simm.s32 $0x2880  }
0xc4: {  	[hbm4b:s26+s1] =	stream.linear.scatter [tilespmem:s28], [sflag:$0x3], $0x80, $0x38;
	[tilespmem:$0xA280] =	vst v63  }
0xc5: {  	s26 =	sadd.s32 $0x70, s15;
	s28 =	simm.s32 $0x2980  }
0xc6: {  	[hbm4b:s26+s1] =	stream.linear.scatter [tilespmem:s28], [sflag:$0x3], $0x80, $0x38;
	[tilespmem:$0xA280] =	vst v63  }
0xc7: {  	s26 =	sadd.s32 $0x80, s15;
	s28 =	simm.s32 $0x2A80  }
0xc8: {  	[hbm4b:s26+s1] =	stream.linear.scatter [tilespmem:s28], [sflag:$0x3], $0x80, $0x38;
	[tilespmem:$0xA280] =	vst v63  }
0xc9: {  	s26 =	sadd.s32 $0x90, s15;
	s28 =	simm.s32 $0x2B80  }
0xca: {  	[hbm4b:s26+s1] =	stream.linear.scatter [tilespmem:s28], [sflag:$0x3], $0x80, $0x38;
	[tilespmem:$0xA280] =	vst v63  }
0xcb: {  	s26 =	sadd.s32 $0xA0, s15;
	s28 =	simm.s32 $0x2C80  }
0xcc: {  	[hbm4b:s26+s1] =	stream.linear.scatter [tilespmem:s28], [sflag:$0x3], $0x80, $0x38;
	[tilespmem:$0xA280] =	vst v63  }
0xcd: {  	s26 =	sadd.s32 $0xB0, s15;
	s28 =	simm.s32 $0x2D80  }
0xce: {  	[hbm4b:s26+s1] =	stream.linear.scatter [tilespmem:s28], [sflag:$0x3], $0x80, $0x38;
	[tilespmem:$0xA280] =	vst v63  }
0xcf: {  	s26 =	sadd.s32 $0xC0, s15;
	s28 =	simm.s32 $0x2E80  }
0xd0: {  	[hbm4b:s26+s1] =	stream.linear.scatter [tilespmem:s28], [sflag:$0x3], $0x80, $0x38;
	[tilespmem:$0xA280] =	vst v63  }
0xd1: {  	s26 =	sadd.s32 $0xD0, s15;
	s28 =	simm.s32 $0x2F80  }
0xd2: {  	[hbm4b:s26+s1] =	stream.linear.scatter [tilespmem:s28], [sflag:$0x3], $0x80, $0x38;
	[tilespmem:$0xA280] =	vst v63  }
0xd3: {  	s26 =	sadd.s32 $0xE0, s15;
	s28 =	simm.s32 $0x3080  }
0xd4: {  	[hbm4b:s26+s1] =	stream.linear.scatter [tilespmem:s28], [sflag:$0x3], $0x80, $0x38;
	[tilespmem:$0xA280] =	vst v63  }
0xd5: {  	s15 =	sadd.s32 $0xF0, s15;
	s26 =	simm.s32 $0x3180  }
0xd6: {  	[hbm4b:s15+s1] =	stream.linear.scatter [tilespmem:s26], [sflag:$0x3], $0x80, $0x38;
	[tilespmem:$0xA280] =	vst v63  }
0xd7: {  	s28 =	simm.s32 $0x3280;
	s15 =	sadd.s32 s22, s7  }
0xd8: {  	[hbm4b:s15+s1] =	stream.linear.scatter [tilespmem:s28], [sflag:$0x3], $0x80, $0x38;
	[tilespmem:$0xA280] =	vst v63  }
0xd9: {  	s26 =	sadd.s32 $0x10, s15;
	s28 =	simm.s32 $0x3380  }
0xda: {  	[hbm4b:s26+s1] =	stream.linear.scatter [tilespmem:s28], [sflag:$0x3], $0x80, $0x38;
	[tilespmem:$0xA280] =	vst v63  }
0xdb: {  	s26 =	sadd.s32 $0x20, s15;
	s28 =	simm.s32 $0x3480  }
0xdc: {  	[hbm4b:s26+s1] =	stream.linear.scatter [tilespmem:s28], [sflag:$0x3], $0x80, $0x38;
	[tilespmem:$0xA280] =	vst v63  }
0xdd: {  	s26 =	sadd.s32 $0x30, s15;
	s28 =	simm.s32 $0x3580  }
0xde: {  	[hbm4b:s26+s1] =	stream.linear.scatter [tilespmem:s28], [sflag:$0x3], $0x80, $0x38;
	[tilespmem:$0xA280] =	vst v63  }
0xdf: {  	s26 =	sadd.s32 $0x40, s15;
	s28 =	simm.s32 $0x3680  }
0xe0: {  	[hbm4b:s26+s1] =	stream.linear.scatter [tilespmem:s28], [sflag:$0x3], $0x80, $0x38;
	[tilespmem:$0xA280] =	vst v63  }
0xe1: {  	s26 =	sadd.s32 $0x50, s15;
	s28 =	simm.s32 $0x3780  }
0xe2: {  	[hbm4b:s26+s1] =	stream.linear.scatter [tilespmem:s28], [sflag:$0x3], $0x80, $0x38;
	[tilespmem:$0xA280] =	vst v63  }
0xe3: {  	s26 =	sadd.s32 $0x60, s15;
	s28 =	simm.s32 $0x3880  }
0xe4: {  	[hbm4b:s26+s1] =	stream.linear.scatter [tilespmem:s28], [sflag:$0x3], $0x80, $0x38;
	[tilespmem:$0xA280] =	vst v63  }
0xe5: {  	s26 =	sadd.s32 $0x70, s15;
	s28 =	simm.s32 $0x3980  }
0xe6: {  	[hbm4b:s26+s1] =	stream.linear.scatter [tilespmem:s28], [sflag:$0x3], $0x80, $0x38;
	[tilespmem:$0xA280] =	vst v63  }
0xe7: {  	s26 =	sadd.s32 $0x80, s15;
	s28 =	simm.s32 $0x3A80  }
0xe8: {  	[hbm4b:s26+s1] =	stream.linear.scatter [tilespmem:s28], [sflag:$0x3], $0x80, $0x38;
	[tilespmem:$0xA280] =	vst v63  }
0xe9: {  	s26 =	sadd.s32 $0x90, s15;
	s28 =	simm.s32 $0x3B80  }
0xea: {  	[hbm4b:s26+s1] =	stream.linear.scatter [tilespmem:s28], [sflag:$0x3], $0x80, $0x38;
	[tilespmem:$0xA280] =	vst v63  }
0xeb: {  	s26 =	sadd.s32 $0xA0, s15;
	s28 =	simm.s32 $0x3C80  }
0xec: {  	[hbm4b:s26+s1] =	stream.linear.scatter [tilespmem:s28], [sflag:$0x3], $0x80, $0x38;
	[tilespmem:$0xA280] =	vst v63  }
0xed: {  	s26 =	sadd.s32 $0xB0, s15;
	s28 =	simm.s32 $0x3D80  }
0xee: {  	[hbm4b:s26+s1] =	stream.linear.scatter [tilespmem:s28], [sflag:$0x3], $0x80, $0x38;
	[tilespmem:$0xA280] =	vst v63  }
0xef: {  	s26 =	sadd.s32 $0xC0, s15;
	s28 =	simm.s32 $0x3E80  }
0xf0: {  	[hbm4b:s26+s1] =	stream.linear.scatter [tilespmem:s28], [sflag:$0x3], $0x80, $0x38;
	[tilespmem:$0xA280] =	vst v63  }
0xf1: {  	s26 =	sadd.s32 $0xD0, s15;
	s28 =	simm.s32 $0x3F80  }
0xf2: {  	[hbm4b:s26+s1] =	stream.linear.scatter [tilespmem:s28], [sflag:$0x3], $0x80, $0x38;
	[tilespmem:$0xA280] =	vst v63  }
0xf3: {  	s26 =	sadd.s32 $0xE0, s15;
	s28 =	simm.s32 $0x4080  }
0xf4: {  	[hbm4b:s26+s1] =	stream.linear.scatter [tilespmem:s28], [sflag:$0x3], $0x80, $0x38;
	[tilespmem:$0xA280] =	vst v63  }
0xf5: {  	s15 =	sadd.s32 $0xF0, s15;
	s26 =	simm.s32 $0x4180  }
0xf6: {  	[hbm4b:s15+s1] =	stream.linear.scatter [tilespmem:s26], [sflag:$0x3], $0x80, $0x38;
	[tilespmem:$0xA280] =	vst v63  }
0xf7: {  	s28 =	simm.s32 $0x4280;
	s15 =	sadd.s32 s22, s8  }
0xf8: {  	[hbm4b:s15+s1] =	stream.linear.scatter [tilespmem:s28], [sflag:$0x3], $0x80, $0x38;
	[tilespmem:$0xA280] =	vst v63  }
0xf9: {  	s26 =	sadd.s32 $0x10, s15;
	s28 =	simm.s32 $0x4380  }
0xfa: {  	[hbm4b:s26+s1] =	stream.linear.scatter [tilespmem:s28], [sflag:$0x3], $0x80, $0x38;
	[tilespmem:$0xA280] =	vst v63  }
0xfb: {  	s26 =	sadd.s32 $0x20, s15;
	s28 =	simm.s32 $0x4480  }
0xfc: {  	[hbm4b:s26+s1] =	stream.linear.scatter [tilespmem:s28], [sflag:$0x3], $0x80, $0x38;
	[tilespmem:$0xA280] =	vst v63  }
0xfd: {  	s26 =	sadd.s32 $0x30, s15;
	s28 =	simm.s32 $0x4580  }
0xfe: {  	[hbm4b:s26+s1] =	stream.linear.scatter [tilespmem:s28], [sflag:$0x3], $0x80, $0x38;
	[tilespmem:$0xA280] =	vst v63  }
0xff: {  	s26 =	sadd.s32 $0x40, s15;
	s28 =	simm.s32 $0x4680  }
0x100: {  	[hbm4b:s26+s1] =	stream.linear.scatter [tilespmem:s28], [sflag:$0x3], $0x80, $0x38;
	[tilespmem:$0xA280] =	vst v63  }
0x101: {  	s26 =	sadd.s32 $0x50, s15;
	s28 =	simm.s32 $0x4780  }
0x102: {  	[hbm4b:s26+s1] =	stream.linear.scatter [tilespmem:s28], [sflag:$0x3], $0x80, $0x38;
	[tilespmem:$0xA280] =	vst v63  }
0x103: {  	s26 =	sadd.s32 $0x60, s15;
	s28 =	simm.s32 $0x4880  }
0x104: {  	[hbm4b:s26+s1] =	stream.linear.scatter [tilespmem:s28], [sflag:$0x3], $0x80, $0x38;
	[tilespmem:$0xA280] =	vst v63  }
0x105: {  	s26 =	sadd.s32 $0x70, s15;
	s28 =	simm.s32 $0x4980  }
0x106: {  	[hbm4b:s26+s1] =	stream.linear.scatter [tilespmem:s28], [sflag:$0x3], $0x80, $0x38;
	[tilespmem:$0xA280] =	vst v63  }
0x107: {  	s26 =	sadd.s32 $0x80, s15;
	s28 =	simm.s32 $0x4A80  }
0x108: {  	[hbm4b:s26+s1] =	stream.linear.scatter [tilespmem:s28], [sflag:$0x3], $0x80, $0x38;
	[tilespmem:$0xA280] =	vst v63  }
0x109: {  	s26 =	sadd.s32 $0x90, s15;
	s28 =	simm.s32 $0x4B80  }
0x10a: {  	[hbm4b:s26+s1] =	stream.linear.scatter [tilespmem:s28], [sflag:$0x3], $0x80, $0x38;
	[tilespmem:$0xA280] =	vst v63  }
0x10b: {  	s26 =	sadd.s32 $0xA0, s15;
	s28 =	simm.s32 $0x4C80  }
0x10c: {  	[hbm4b:s26+s1] =	stream.linear.scatter [tilespmem:s28], [sflag:$0x3], $0x80, $0x38;
	[tilespmem:$0xA280] =	vst v63  }
0x10d: {  	s26 =	sadd.s32 $0xB0, s15;
	s28 =	simm.s32 $0x4D80  }
0x10e: {  	[hbm4b:s26+s1] =	stream.linear.scatter [tilespmem:s28], [sflag:$0x3], $0x80, $0x38;
	[tilespmem:$0xA280] =	vst v63  }
0x10f: {  	s26 =	sadd.s32 $0xC0, s15;
	s28 =	simm.s32 $0x4E80  }
0x110: {  	[hbm4b:s26+s1] =	stream.linear.scatter [tilespmem:s28], [sflag:$0x3], $0x80, $0x38;
	[tilespmem:$0xA280] =	vst v63  }
0x111: {  	s26 =	sadd.s32 $0xD0, s15;
	s28 =	simm.s32 $0x4F80  }
0x112: {  	[hbm4b:s26+s1] =	stream.linear.scatter [tilespmem:s28], [sflag:$0x3], $0x80, $0x38;
	[tilespmem:$0xA280] =	vst v63  }
0x113: {  	s26 =	sadd.s32 $0xE0, s15;
	s28 =	simm.s32 $0x5080  }
0x114: {  	[hbm4b:s26+s1] =	stream.linear.scatter [tilespmem:s28], [sflag:$0x3], $0x80, $0x38;
	[tilespmem:$0xA280] =	vst v63  }
0x115: {  	s15 =	sadd.s32 $0xF0, s15;
	s26 =	simm.s32 $0x5180  }
0x116: {  	[hbm4b:s15+s1] =	stream.linear.scatter [tilespmem:s26], [sflag:$0x3], $0x80, $0x38;
	[tilespmem:$0xA280] =	vst v63  }
0x117: {  	s28 =	simm.s32 $0x5280;
	s15 =	sadd.s32 s22, s9  }
0x118: {  	[hbm4b:s15+s1] =	stream.linear.scatter [tilespmem:s28], [sflag:$0x3], $0x80, $0x38;
	[tilespmem:$0xA280] =	vst v63  }
0x119: {  	s26 =	sadd.s32 $0x10, s15;
	s28 =	simm.s32 $0x5380  }
0x11a: {  	[hbm4b:s26+s1] =	stream.linear.scatter [tilespmem:s28], [sflag:$0x3], $0x80, $0x38;
	[tilespmem:$0xA280] =	vst v63  }
0x11b: {  	s26 =	sadd.s32 $0x20, s15;
	s28 =	simm.s32 $0x5480  }
0x11c: {  	[hbm4b:s26+s1] =	stream.linear.scatter [tilespmem:s28], [sflag:$0x3], $0x80, $0x38;
	[tilespmem:$0xA280] =	vst v63  }
0x11d: {  	s26 =	sadd.s32 $0x30, s15;
	s28 =	simm.s32 $0x5580  }
0x11e: {  	[hbm4b:s26+s1] =	stream.linear.scatter [tilespmem:s28], [sflag:$0x3], $0x80, $0x38;
	[tilespmem:$0xA280] =	vst v63  }
0x11f: {  	s26 =	sadd.s32 $0x40, s15;
	s28 =	simm.s32 $0x5680  }
0x120: {  	[hbm4b:s26+s1] =	stream.linear.scatter [tilespmem:s28], [sflag:$0x3], $0x80, $0x38;
	[tilespmem:$0xA280] =	vst v63  }
0x121: {  	s26 =	sadd.s32 $0x50, s15;
	s28 =	simm.s32 $0x5780  }
0x122: {  	[hbm4b:s26+s1] =	stream.linear.scatter [tilespmem:s28], [sflag:$0x3], $0x80, $0x38;
	[tilespmem:$0xA280] =	vst v63  }
0x123: {  	s26 =	sadd.s32 $0x60, s15;
	s28 =	simm.s32 $0x5880  }
0x124: {  	[hbm4b:s26+s1] =	stream.linear.scatter [tilespmem:s28], [sflag:$0x3], $0x80, $0x38;
	[tilespmem:$0xA280] =	vst v63  }
0x125: {  	s26 =	sadd.s32 $0x70, s15;
	s28 =	simm.s32 $0x5980  }
0x126: {  	[hbm4b:s26+s1] =	stream.linear.scatter [tilespmem:s28], [sflag:$0x3], $0x80, $0x38;
	[tilespmem:$0xA280] =	vst v63  }
0x127: {  	s26 =	sadd.s32 $0x80, s15;
	s28 =	simm.s32 $0x5A80  }
0x128: {  	[hbm4b:s26+s1] =	stream.linear.scatter [tilespmem:s28], [sflag:$0x3], $0x80, $0x38;
	[tilespmem:$0xA280] =	vst v63  }
0x129: {  	s26 =	sadd.s32 $0x90, s15;
	s28 =	simm.s32 $0x5B80  }
0x12a: {  	[hbm4b:s26+s1] =	stream.linear.scatter [tilespmem:s28], [sflag:$0x3], $0x80, $0x38;
	[tilespmem:$0xA280] =	vst v63  }
0x12b: {  	s26 =	sadd.s32 $0xA0, s15;
	s28 =	simm.s32 $0x5C80  }
0x12c: {  	[hbm4b:s26+s1] =	stream.linear.scatter [tilespmem:s28], [sflag:$0x3], $0x80, $0x38;
	[tilespmem:$0xA280] =	vst v63  }
0x12d: {  	s26 =	sadd.s32 $0xB0, s15;
	s28 =	simm.s32 $0x5D80  }
0x12e: {  	[hbm4b:s26+s1] =	stream.linear.scatter [tilespmem:s28], [sflag:$0x3], $0x80, $0x38;
	[tilespmem:$0xA280] =	vst v63  }
0x12f: {  	s26 =	sadd.s32 $0xC0, s15;
	s28 =	simm.s32 $0x5E80  }
0x130: {  	[hbm4b:s26+s1] =	stream.linear.scatter [tilespmem:s28], [sflag:$0x3], $0x80, $0x38;
	[tilespmem:$0xA280] =	vst v63  }
0x131: {  	s26 =	sadd.s32 $0xD0, s15;
	s28 =	simm.s32 $0x5F80  }
0x132: {  	[hbm4b:s26+s1] =	stream.linear.scatter [tilespmem:s28], [sflag:$0x3], $0x80, $0x38;
	[tilespmem:$0xA280] =	vst v63  }
0x133: {  	s26 =	sadd.s32 $0xE0, s15;
	s28 =	simm.s32 $0x6080  }
0x134: {  	[hbm4b:s26+s1] =	stream.linear.scatter [tilespmem:s28], [sflag:$0x3], $0x80, $0x38;
	[tilespmem:$0xA280] =	vst v63  }
0x135: {  	s15 =	sadd.s32 $0xF0, s15;
	s26 =	simm.s32 $0x6180  }
0x136: {  	[hbm4b:s15+s1] =	stream.linear.scatter [tilespmem:s26], [sflag:$0x3], $0x80, $0x38;
	[tilespmem:$0xA280] =	vst v63  }
0x137: {  	s28 =	simm.s32 $0x6280;
	s15 =	sadd.s32 s22, s10  }
0x138: {  	[hbm4b:s15+s1] =	stream.linear.scatter [tilespmem:s28], [sflag:$0x3], $0x80, $0x38;
	[tilespmem:$0xA280] =	vst v63  }
0x139: {  	s26 =	sadd.s32 $0x10, s15;
	s28 =	simm.s32 $0x6380  }
0x13a: {  	[hbm4b:s26+s1] =	stream.linear.scatter [tilespmem:s28], [sflag:$0x3], $0x80, $0x38;
	[tilespmem:$0xA280] =	vst v63  }
0x13b: {  	s26 =	sadd.s32 $0x20, s15;
	s28 =	simm.s32 $0x6480  }
0x13c: {  	[hbm4b:s26+s1] =	stream.linear.scatter [tilespmem:s28], [sflag:$0x3], $0x80, $0x38;
	[tilespmem:$0xA280] =	vst v63  }
0x13d: {  	s26 =	sadd.s32 $0x30, s15;
	s28 =	simm.s32 $0x6580  }
0x13e: {  	[hbm4b:s26+s1] =	stream.linear.scatter [tilespmem:s28], [sflag:$0x3], $0x80, $0x38;
	[tilespmem:$0xA280] =	vst v63  }
0x13f: {  	s26 =	sadd.s32 $0x40, s15;
	s28 =	simm.s32 $0x6680  }
0x140: {  	[hbm4b:s26+s1] =	stream.linear.scatter [tilespmem:s28], [sflag:$0x3], $0x80, $0x38;
	[tilespmem:$0xA280] =	vst v63  }
0x141: {  	s26 =	sadd.s32 $0x50, s15;
	s28 =	simm.s32 $0x6780  }
0x142: {  	[hbm4b:s26+s1] =	stream.linear.scatter [tilespmem:s28], [sflag:$0x3], $0x80, $0x38;
	[tilespmem:$0xA280] =	vst v63  }
0x143: {  	s26 =	sadd.s32 $0x60, s15;
	s28 =	simm.s32 $0x6880  }
0x144: {  	[hbm4b:s26+s1] =	stream.linear.scatter [tilespmem:s28], [sflag:$0x3], $0x80, $0x38;
	[tilespmem:$0xA280] =	vst v63  }
0x145: {  	s26 =	sadd.s32 $0x70, s15;
	s28 =	simm.s32 $0x6980  }
0x146: {  	[hbm4b:s26+s1] =	stream.linear.scatter [tilespmem:s28], [sflag:$0x3], $0x80, $0x38;
	[tilespmem:$0xA280] =	vst v63  }
0x147: {  	s26 =	sadd.s32 $0x80, s15;
	s28 =	simm.s32 $0x6A80  }
0x148: {  	[hbm4b:s26+s1] =	stream.linear.scatter [tilespmem:s28], [sflag:$0x3], $0x80, $0x38;
	[tilespmem:$0xA280] =	vst v63  }
0x149: {  	s26 =	sadd.s32 $0x90, s15;
	s28 =	simm.s32 $0x6B80  }
0x14a: {  	[hbm4b:s26+s1] =	stream.linear.scatter [tilespmem:s28], [sflag:$0x3], $0x80, $0x38;
	[tilespmem:$0xA280] =	vst v63  }
0x14b: {  	s26 =	sadd.s32 $0xA0, s15;
	s28 =	simm.s32 $0x6C80  }
0x14c: {  	[hbm4b:s26+s1] =	stream.linear.scatter [tilespmem:s28], [sflag:$0x3], $0x80, $0x38;
	[tilespmem:$0xA280] =	vst v63  }
0x14d: {  	s26 =	sadd.s32 $0xB0, s15;
	s28 =	simm.s32 $0x6D80  }
0x14e: {  	[hbm4b:s26+s1] =	stream.linear.scatter [tilespmem:s28], [sflag:$0x3], $0x80, $0x38;
	[tilespmem:$0xA280] =	vst v63  }
0x14f: {  	s26 =	sadd.s32 $0xC0, s15;
	s28 =	simm.s32 $0x6E80  }
0x150: {  	[hbm4b:s26+s1] =	stream.linear.scatter [tilespmem:s28], [sflag:$0x3], $0x80, $0x38;
	[tilespmem:$0xA280] =	vst v63  }
0x151: {  	s26 =	sadd.s32 $0xD0, s15;
	s28 =	simm.s32 $0x6F80  }
0x152: {  	[hbm4b:s26+s1] =	stream.linear.scatter [tilespmem:s28], [sflag:$0x3], $0x80, $0x38;
	[tilespmem:$0xA280] =	vst v63  }
0x153: {  	s26 =	sadd.s32 $0xE0, s15;
	s28 =	simm.s32 $0x7080  }
0x154: {  	[hbm4b:s26+s1] =	stream.linear.scatter [tilespmem:s28], [sflag:$0x3], $0x80, $0x38;
	[tilespmem:$0xA280] =	vst v63  }
0x155: {  	s15 =	sadd.s32 $0xF0, s15;
	s26 =	simm.s32 $0x7180  }
0x156: {  	[hbm4b:s15+s1] =	stream.linear.scatter [tilespmem:s26], [sflag:$0x3], $0x80, $0x38;
	[tilespmem:$0xA280] =	vst v63  }
0x157: {  	s28 =	simm.s32 $0x7280;
	s15 =	sadd.s32 s22, s11  }
0x158: {  	[hbm4b:s15+s1] =	stream.linear.scatter [tilespmem:s28], [sflag:$0x3], $0x80, $0x38;
	[tilespmem:$0xA280] =	vst v63  }
0x159: {  	s26 =	sadd.s32 $0x10, s15;
	s28 =	simm.s32 $0x7380  }
0x15a: {  	[hbm4b:s26+s1] =	stream.linear.scatter [tilespmem:s28], [sflag:$0x3], $0x80, $0x38;
	[tilespmem:$0xA280] =	vst v63  }
0x15b: {  	s26 =	sadd.s32 $0x20, s15;
	s28 =	simm.s32 $0x7480  }
0x15c: {  	[hbm4b:s26+s1] =	stream.linear.scatter [tilespmem:s28], [sflag:$0x3], $0x80, $0x38;
	[tilespmem:$0xA280] =	vst v63  }
0x15d: {  	s26 =	sadd.s32 $0x30, s15;
	s28 =	simm.s32 $0x7580  }
0x15e: {  	[hbm4b:s26+s1] =	stream.linear.scatter [tilespmem:s28], [sflag:$0x3], $0x80, $0x38;
	[tilespmem:$0xA280] =	vst v63  }
0x15f: {  	s26 =	sadd.s32 $0x40, s15;
	s28 =	simm.s32 $0x7680  }
0x160: {  	[hbm4b:s26+s1] =	stream.linear.scatter [tilespmem:s28], [sflag:$0x3], $0x80, $0x38;
	[tilespmem:$0xA280] =	vst v63  }
0x161: {  	s26 =	sadd.s32 $0x50, s15;
	s28 =	simm.s32 $0x7780  }
0x162: {  	[hbm4b:s26+s1] =	stream.linear.scatter [tilespmem:s28], [sflag:$0x3], $0x80, $0x38;
	[tilespmem:$0xA280] =	vst v63  }
0x163: {  	s26 =	sadd.s32 $0x60, s15;
	s28 =	simm.s32 $0x7880  }
0x164: {  	[hbm4b:s26+s1] =	stream.linear.scatter [tilespmem:s28], [sflag:$0x3], $0x80, $0x38;
	[tilespmem:$0xA280] =	vst v63  }
0x165: {  	s26 =	sadd.s32 $0x70, s15;
	s28 =	simm.s32 $0x7980  }
0x166: {  	[hbm4b:s26+s1] =	stream.linear.scatter [tilespmem:s28], [sflag:$0x3], $0x80, $0x38;
	[tilespmem:$0xA280] =	vst v63  }
0x167: {  	s26 =	sadd.s32 $0x80, s15;
	s28 =	simm.s32 $0x7A80  }
0x168: {  	[hbm4b:s26+s1] =	stream.linear.scatter [tilespmem:s28], [sflag:$0x3], $0x80, $0x38;
	[tilespmem:$0xA280] =	vst v63  }
0x169: {  	s26 =	sadd.s32 $0x90, s15;
	s28 =	simm.s32 $0x7B80  }
0x16a: {  	[hbm4b:s26+s1] =	stream.linear.scatter [tilespmem:s28], [sflag:$0x3], $0x80, $0x38;
	[tilespmem:$0xA280] =	vst v63  }
0x16b: {  	s26 =	sadd.s32 $0xA0, s15;
	s28 =	simm.s32 $0x7C80  }
0x16c: {  	[hbm4b:s26+s1] =	stream.linear.scatter [tilespmem:s28], [sflag:$0x3], $0x80, $0x38;
	[tilespmem:$0xA280] =	vst v63  }
0x16d: {  	s26 =	sadd.s32 $0xB0, s15;
	s28 =	simm.s32 $0x7D80  }
0x16e: {  	[hbm4b:s26+s1] =	stream.linear.scatter [tilespmem:s28], [sflag:$0x3], $0x80, $0x38;
	[tilespmem:$0xA280] =	vst v63  }
0x16f: {  	s26 =	sadd.s32 $0xC0, s15;
	s28 =	simm.s32 $0x7E80  }
0x170: {  	[hbm4b:s26+s1] =	stream.linear.scatter [tilespmem:s28], [sflag:$0x3], $0x80, $0x38;
	[tilespmem:$0xA280] =	vst v63  }
0x171: {  	s26 =	sadd.s32 $0xD0, s15;
	s28 =	simm.s32 $0x7F80  }
0x172: {  	[hbm4b:s26+s1] =	stream.linear.scatter [tilespmem:s28], [sflag:$0x3], $0x80, $0x38;
	[tilespmem:$0xA280] =	vst v63  }
0x173: {  	s26 =	sadd.s32 $0xE0, s15;
	s28 =	simm.s32 $0x8080  }
0x174: {  	[hbm4b:s26+s1] =	stream.linear.scatter [tilespmem:s28], [sflag:$0x3], $0x80, $0x38;
	[tilespmem:$0xA280] =	vst v63  }
0x175: {  	s15 =	sadd.s32 $0xF0, s15;
	s26 =	simm.s32 $0x8180  }
0x176: {  	[hbm4b:s15+s1] =	stream.linear.scatter [tilespmem:s26], [sflag:$0x3], $0x80, $0x38;
	[tilespmem:$0xA280] =	vst v63  }
0x177: {  	s28 =	simm.s32 $0x8280;
	s15 =	sadd.s32 s22, s12  }
0x178: {  	[hbm4b:s15+s1] =	stream.linear.scatter [tilespmem:s28], [sflag:$0x3], $0x80, $0x38;
	[tilespmem:$0xA280] =	vst v63  }
0x179: {  	s26 =	sadd.s32 $0x10, s15;
	s28 =	simm.s32 $0x8380  }
0x17a: {  	[hbm4b:s26+s1] =	stream.linear.scatter [tilespmem:s28], [sflag:$0x3], $0x80, $0x38;
	[tilespmem:$0xA280] =	vst v63  }
0x17b: {  	s26 =	sadd.s32 $0x20, s15;
	s28 =	simm.s32 $0x8480  }
0x17c: {  	[hbm4b:s26+s1] =	stream.linear.scatter [tilespmem:s28], [sflag:$0x3], $0x80, $0x38;
	[tilespmem:$0xA280] =	vst v63  }
0x17d: {  	s26 =	sadd.s32 $0x30, s15;
	s28 =	simm.s32 $0x8580  }
0x17e: {  	[hbm4b:s26+s1] =	stream.linear.scatter [tilespmem:s28], [sflag:$0x3], $0x80, $0x38;
	[tilespmem:$0xA280] =	vst v63  }
0x17f: {  	s26 =	sadd.s32 $0x40, s15;
	s28 =	simm.s32 $0x8680  }
0x180: {  	[hbm4b:s26+s1] =	stream.linear.scatter [tilespmem:s28], [sflag:$0x3], $0x80, $0x38;
	[tilespmem:$0xA280] =	vst v63  }
0x181: {  	s26 =	sadd.s32 $0x50, s15;
	s28 =	simm.s32 $0x8780  }
0x182: {  	[hbm4b:s26+s1] =	stream.linear.scatter [tilespmem:s28], [sflag:$0x3], $0x80, $0x38;
	[tilespmem:$0xA280] =	vst v63  }
0x183: {  	s26 =	sadd.s32 $0x60, s15;
	s28 =	simm.s32 $0x8880  }
0x184: {  	[hbm4b:s26+s1] =	stream.linear.scatter [tilespmem:s28], [sflag:$0x3], $0x80, $0x38;
	[tilespmem:$0xA280] =	vst v63  }
0x185: {  	s26 =	sadd.s32 $0x70, s15;
	s28 =	simm.s32 $0x8980  }
0x186: {  	[hbm4b:s26+s1] =	stream.linear.scatter [tilespmem:s28], [sflag:$0x3], $0x80, $0x38;
	[tilespmem:$0xA280] =	vst v63  }
0x187: {  	s26 =	sadd.s32 $0x80, s15;
	s28 =	simm.s32 $0x8A80  }
0x188: {  	[hbm4b:s26+s1] =	stream.linear.scatter [tilespmem:s28], [sflag:$0x3], $0x80, $0x38;
	[tilespmem:$0xA280] =	vst v63  }
0x189: {  	s26 =	sadd.s32 $0x90, s15;
	s28 =	simm.s32 $0x8B80  }
0x18a: {  	[hbm4b:s26+s1] =	stream.linear.scatter [tilespmem:s28], [sflag:$0x3], $0x80, $0x38;
	[tilespmem:$0xA280] =	vst v63  }
0x18b: {  	s26 =	sadd.s32 $0xA0, s15;
	s28 =	simm.s32 $0x8C80  }
0x18c: {  	[hbm4b:s26+s1] =	stream.linear.scatter [tilespmem:s28], [sflag:$0x3], $0x80, $0x38;
	[tilespmem:$0xA280] =	vst v63  }
0x18d: {  	s26 =	sadd.s32 $0xB0, s15;
	s28 =	simm.s32 $0x8D80  }
0x18e: {  	[hbm4b:s26+s1] =	stream.linear.scatter [tilespmem:s28], [sflag:$0x3], $0x80, $0x38;
	[tilespmem:$0xA280] =	vst v63  }
0x18f: {  	s26 =	sadd.s32 $0xC0, s15;
	s28 =	simm.s32 $0x8E80  }
0x190: {  	[hbm4b:s26+s1] =	stream.linear.scatter [tilespmem:s28], [sflag:$0x3], $0x80, $0x38;
	[tilespmem:$0xA280] =	vst v63  }
0x191: {  	s26 =	sadd.s32 $0xD0, s15;
	s28 =	simm.s32 $0x8F80  }
0x192: {  	[hbm4b:s26+s1] =	stream.linear.scatter [tilespmem:s28], [sflag:$0x3], $0x80, $0x38;
	[tilespmem:$0xA280] =	vst v63  }
0x193: {  	s26 =	sadd.s32 $0xE0, s15;
	s28 =	simm.s32 $0x9080  }
0x194: {  	[hbm4b:s26+s1] =	stream.linear.scatter [tilespmem:s28], [sflag:$0x3], $0x80, $0x38;
	[tilespmem:$0xA280] =	vst v63  }
0x195: {  	s15 =	sadd.s32 $0xF0, s15;
	s28 =	simm.s32 $0x9180  }
0x196: {  	[hbm4b:s15+s1] =	stream.linear.scatter [tilespmem:s28], [sflag:$0x3], $0x80, $0x38;
	[tilespmem:$0xA280] =	vst v63  }
0x197: {  	s15 =	sadd.s32 s22, s13;
	s22 =	simm.s32 $0x9280  }
0x198: {  	[hbm4b:s15+s1] =	stream.linear.scatter [tilespmem:s22], [sflag:$0x3], $0x80, $0x38;
	[tilespmem:$0xA280] =	vst v63  }
0x199: {  	s28 =	simm.s32 $0x9380;
	s26 =	sadd.s32 $0x10, s15  }
0x19a: {  	[hbm4b:s26+s1] =	stream.linear.scatter [tilespmem:s28], [sflag:$0x3], $0x80, $0x38;
	[tilespmem:$0xA280] =	vst v63  }
0x19b: {  	s26 =	sadd.s32 $0x20, s15;
	s28 =	simm.s32 $0x9480  }
0x19c: {  	[hbm4b:s26+s1] =	stream.linear.scatter [tilespmem:s28], [sflag:$0x3], $0x80, $0x38;
	[tilespmem:$0xA280] =	vst v63  }
0x19d: {  	s26 =	sadd.s32 $0x30, s15;
	s28 =	simm.s32 $0x9580  }
0x19e: {  	[hbm4b:s26+s1] =	stream.linear.scatter [tilespmem:s28], [sflag:$0x3], $0x80, $0x38;
	[tilespmem:$0xA280] =	vst v63  }
0x19f: {  	s26 =	sadd.s32 $0x40, s15;
	s28 =	simm.s32 $0x9680  }
0x1a0: {  	[hbm4b:s26+s1] =	stream.linear.scatter [tilespmem:s28], [sflag:$0x3], $0x80, $0x38;
	[tilespmem:$0xA280] =	vst v63  }
0x1a1: {  	s26 =	sadd.s32 $0x50, s15;
	s28 =	simm.s32 $0x9780  }
0x1a2: {  	[hbm4b:s26+s1] =	stream.linear.scatter [tilespmem:s28], [sflag:$0x3], $0x80, $0x38;
	[tilespmem:$0xA280] =	vst v63  }
0x1a3: {  	s26 =	sadd.s32 $0x60, s15;
	s28 =	simm.s32 $0x9880  }
0x1a4: {  	[hbm4b:s26+s1] =	stream.linear.scatter [tilespmem:s28], [sflag:$0x3], $0x80, $0x38;
	[tilespmem:$0xA280] =	vst v63  }
0x1a5: {  	s26 =	sadd.s32 $0x70, s15;
	s28 =	simm.s32 $0x9980  }
0x1a6: {  	[hbm4b:s26+s1] =	stream.linear.scatter [tilespmem:s28], [sflag:$0x3], $0x80, $0x38;
	[tilespmem:$0xA280] =	vst v63  }
0x1a7: {  	s26 =	sadd.s32 $0x80, s15;
	s28 =	simm.s32 $0x9A80  }
0x1a8: {  	[hbm4b:s26+s1] =	stream.linear.scatter [tilespmem:s28], [sflag:$0x3], $0x80, $0x38;
	[tilespmem:$0xA280] =	vst v63  }
0x1a9: {  	s26 =	sadd.s32 $0x90, s15;
	s28 =	simm.s32 $0x9B80  }
0x1aa: {  	[hbm4b:s26+s1] =	stream.linear.scatter [tilespmem:s28], [sflag:$0x3], $0x80, $0x38;
	[tilespmem:$0xA280] =	vst v63  }
0x1ab: {  	s26 =	sadd.s32 $0xA0, s15;
	s28 =	simm.s32 $0x9C80  }
0x1ac: {  	[hbm4b:s26+s1] =	stream.linear.scatter [tilespmem:s28], [sflag:$0x3], $0x80, $0x38;
	[tilespmem:$0xA280] =	vst v63  }
0x1ad: {  	s26 =	sadd.s32 $0xB0, s15;
	s28 =	simm.s32 $0x9D80  }
0x1ae: {  	[hbm4b:s26+s1] =	stream.linear.scatter [tilespmem:s28], [sflag:$0x3], $0x80, $0x38;
	[tilespmem:$0xA280] =	vst v63  }
0x1af: {  	s26 =	sadd.s32 $0xC0, s15;
	s28 =	simm.s32 $0x9E80  }
0x1b0: {  	[hbm4b:s26+s1] =	stream.linear.scatter [tilespmem:s28], [sflag:$0x3], $0x80, $0x38;
	[tilespmem:$0xA280] =	vst v63  }
0x1b1: {  	s26 =	sadd.s32 $0xD0, s15;
	s28 =	simm.s32 $0x9F80  }
0x1b2: {  	[hbm4b:s26+s1] =	stream.linear.scatter [tilespmem:s28], [sflag:$0x3], $0x80, $0x38;
	[tilespmem:$0xA280] =	vst v63  }
0x1b3: {  	s26 =	sadd.s32 $0xE0, s15;
	s28 =	simm.s32 $0xA080  }
0x1b4: {  	[hbm4b:s26+s1] =	stream.linear.scatter [tilespmem:s28], [sflag:$0x3], $0x80, $0x38;
	[tilespmem:$0xA280] =	vst v63  }
0x1b5: {  	s15 =	sadd.s32 $0xF0, s15;
	s26 =	simm.s32 $0xA180;
	s28 =	sshll.u32 s24, $0xF  }
0x1b6: {  	[hbm4b:s15+s1] =	stream.linear.scatter [tilespmem:s26], [sflag:$0x3], $0x80, $0x38;
	[tilespmem:$0xA280] =	vst v63  }
0x1b7: {  	s22 =	simm.s32 $0x10;
	s1 =	sadd.s32 s28, s14  }
0x1b8: {  	s15 =	simm.s32 $0x280;
	s26 =	simm.s32 $0x380;
	s30 =	sadd.s32 $0x0, s1  }
.LBB2_8:
0x1b9: {  	[tilespmem:s15], [sflag:$0x1] =	stream.linear.gather [hbm4b:s30+s3], $0x80, $0x38;
	[tilespmem:$0xA280] =	vst v63  }
0x1ba: {  	s16 =	smov.u32 s22;
	s15 =	smov.u32 s26;
	p1 =	sne.s32 s22, $0x1F0  }
.Ltmp3:
0x1bb: {  	s22 =	sadd.s32 $0x10, s22;
	(pc) =	sbr.rel @p1 .LBB2_8-.Ltmp3, $2  }
0x1bc: {  	_ =	sdelay $0x2  }
0x1bd: {  	s26 =	sadd.s32 $0x100, s26;
	s30 =	sadd.s32 s16, s1  }
0x1be: {  	[tilespmem:s15], [sflag:$0x1] =	stream.linear.gather [hbm4b:s30+s3], $0x80, $0x38;
	[tilespmem:$0xA280] =	vst v63  }
0x1bf: {  	_ =	swait.ge [sflag:s29], $0x1000  }
0x1c0: {  	[sflag:s29] =	ssyncset.done $0x0  }
0x1c1: {  	s1 =	simm.s32 @!p0 $0x4;
	s16 =	simm.s32 $0x0;
	[sflag:s29] =	ssyncadd.s32 $0xFFFFF000  }
0x1c2: {  	s15 =	sand.u32 $0x7, s16;
	s16 =	simm.s32 $0x0;
	_ =	swait.ge @!p0 [sflag:s1], $0x4000  }
0x1c3: {  	s16 =	sand.u32 $0x3FFFF800, s16;
	s22 =	sshll.u32 s15, $0x8;
	[sflag:s1] =	ssyncset.done @!p0 $0x0  }
0x1c4: {  	s22 =	sor.u32 s22, s16;
	[sflag:s1] =	ssyncadd.s32 @!p0 $0xFFFFC000  }
0x1c5: {  	v4 =	vld [tilespmem:s22+$0x370]  }
0x1c6: {  	v5 =	vld [tilespmem:s22+$0x300]  }
0x1c7: {  	v6 =	vld [tilespmem:s22+$0x310]  }
0x1c8: {  	v7 =	vld [tilespmem:s22+$0x320]  }
0x1c9: {  	v8 =	vld [tilespmem:s22+$0x330]  }
0x1ca: {  	v9 =	vld [tilespmem:s22+$0x340];
	v4 =	vshll.u32 v4, $0x6  }
0x1cb: {  	v10 =	vld [tilespmem:s22+$0x350];
	v5 =	vshll.u32 v5, $0x6;
	v11 =	vor.u32 v0, v4  }
0x1cc: {  	v13 =	vld [tilespmem:s22+$0x360];
	v6 =	vshll.u32 v6, $0x6;
	v12 =	vor.u32 v0, v5  }
0x1cd: {  	v7 =	vshll.u32 v7, $0x6;
	v14 =	vor.u32 v0, v6  }
0x1ce: {  	v8 =	vshll.u32 v8, $0x6;
	v15 =	vor.u32 v0, v7  }
0x1cf: {  	v9 =	vshll.u32 v9, $0x6;
	v16 =	vor.u32 v0, v8  }
0x1d0: {  	v10 =	vshll.u32 v10, $0x6;
	v17 =	vor.u32 v0, v9;
	v11 =	vld.idx.msk [tilespmem:v11+s3+$0x0], $0xffff  }
0x1d1: {  	v13 =	vshll.u32 v13, $0x6;
	v18 =	vor.u32 v0, v10;
	v12 =	vld.idx.msk [tilespmem:v12+s3+$0x0], $0xffff  }
0x1d2: {  	v20 =	vor.u32 v0, v13;
	v14 =	vld.idx.msk [tilespmem:v14+s3+$0x0], $0xffff  }
0x1d3: {  	s26 =	simm.s32 $0x0;
	v19 =	vor.u32 v1, v4;
	v15 =	vld.idx.msk [tilespmem:v15+s3+$0x0], $0xffff  }
0x1d4: {  	s15 =	sshll.u32 s15, $0xC;
	s1 =	sand.u32 $0x3FFFFC00, s26;
	v21 =	vor.u32 v1, v5;
	v16 =	vld.idx.msk [tilespmem:v16+s3+$0x0], $0xffff  }
0x1d5: {  	s1 =	sadd.s32 s1, s15;
	v22 =	vor.u32 v1, v6;
	v17 =	vld.idx.msk [tilespmem:v17+s3+$0x0], $0xffff  }
0x1d6: {  	v23 =	vor.u32 v1, v7;
	v18 =	vld.idx.msk [tilespmem:v18+s3+$0x0], $0xffff;
	[tilespmem:s1+$0x2370] =	vst v11  }
0x1d7: {  	v24 =	vor.u32 v1, v9;
	[tilespmem:s1+$0x2300] =	vst v12;
	v12 =	vld.idx.msk [tilespmem:v20+s3+$0x0], $0xffff  }
0x1d8: {  	v11 =	vor.u32 v1, v8;
	[tilespmem:s1+$0x2310] =	vst v14;
	v19 =	vld.idx.msk [tilespmem:v19+s3+$0x0], $0xffff  }
0x1d9: {  	v52 =	vor.u32 v1, v10;
	[tilespmem:s1+$0x2320] =	vst v15;
	v14 =	vld.idx.msk [tilespmem:v21+s3+$0x0], $0xffff  }
0x1da: {  	v53 =	vor.u32 v1, v13;
	[tilespmem:s1+$0x2330] =	vst v16;
	v15 =	vld.idx.msk [tilespmem:v22+s3+$0x0], $0xffff  }
0x1db: {  	v20 =	vor.u32 v2, v4;
	[tilespmem:s1+$0x2340] =	vst v17;
	v16 =	vld.idx.msk [tilespmem:v23+s3+$0x0], $0xffff  }
0x1dc: {  	v17 =	vor.u32 v2, v6;
	[tilespmem:s1+$0x2350] =	vst v18;
	v24 =	vld.idx.msk [tilespmem:v24+s3+$0x0], $0xffff  }
0x1dd: {  	v54 =	vor.u32 v2, v5;
	v11 =	vld.idx.msk [tilespmem:v11+s3+$0x0], $0xffff;
	[tilespmem:s1+$0x2360] =	vst v12  }
0x1de: {  	v12 =	vld.idx.msk [tilespmem:v52+s3+$0x0], $0xffff;
	[tilespmem:s1+$0x2470] =	vst v19;
	v19 =	vor.u32 v2, v7  }
0x1df: {  	v56 =	vor.u32 v2, v10;
	[tilespmem:s1+$0x2400] =	vst v14;
	v14 =	vld.idx.msk [tilespmem:v53+s3+$0x0], $0xffff  }
0x1e0: {  	[tilespmem:s1+$0x2410] =	vst v15;
	v18 =	vld.idx.msk [tilespmem:v20+s3+$0x0], $0xffff;
	v20 =	vor.u32 v2, v8  }
0x1e1: {  	[tilespmem:s1+$0x2420] =	vst v16;
	v16 =	vld.idx.msk [tilespmem:v17+s3+$0x0], $0xffff;
	v17 =	vor.u32 v2, v13  }
0x1e2: {  	v15 =	vld.idx.msk [tilespmem:v54+s3+$0x0], $0xffff;
	[tilespmem:s1+$0x2430] =	vst v11  }
0x1e3: {  	s22 =	simm.s32 $0x1;
	[tilespmem:s1+$0x2450] =	vst v12;
	v11 =	vld.idx.msk [tilespmem:v19+s3+$0x0], $0xffff  }
0x1e4: {  	s28 =	simm.s32 $0x100;
	s15 =	sand.u32 $0x7, s22;
	v4 =	vor.u32 v3, v4;
	v12 =	vld.idx.msk [tilespmem:v56+s3+$0x0], $0xffff  }
0x1e5: {  	s16 =	sand.u32 $0x3FFFF800, s28;
	s26 =	sshll.u32 s15, $0x8;
	v55 =	vor.u32 v2, v9;
	[tilespmem:s1+$0x2460] =	vst v14;
	v19 =	vld.idx.msk [tilespmem:v20+s3+$0x0], $0xffff  }
0x1e6: {  	s16 =	sor.u32 s26, s16;
	v5 =	vor.u32 v3, v5;
	v14 =	vld.idx.msk [tilespmem:v17+s3+$0x0], $0xffff  }
0x1e7: {  	v17 =	vld [tilespmem:s16+$0x320]  }
0x1e8: {  	v6 =	vor.u32 v3, v6;
	[tilespmem:s1+$0x2570] =	vst v18;
	v20 =	vld [tilespmem:s16+$0x340]  }
0x1e9: {  	[tilespmem:s1+$0x2440] =	vst v24;
	v18 =	vld.idx.msk [tilespmem:v4+s3+$0x0], $0xffff  }
0x1ea: {  	[tilespmem:s1+$0x2500] =	vst v15;
	v4 =	vor.u32 v3, v7;
	v7 =	vld.idx.msk [tilespmem:v55+s3+$0x0], $0xffff  }
0x1eb: {  	v15 =	vld.idx.msk [tilespmem:v5+s3+$0x0], $0xffff  }
0x1ec: {  	[tilespmem:s1+$0x2510] =	vst v16;
	v5 =	vld [tilespmem:s16+$0x300]  }
0x1ed: {  	[tilespmem:s1+$0x2520] =	vst v11;
	v11 =	vld.idx.msk [tilespmem:v6+s3+$0x0], $0xffff  }
0x1ee: {  	v6 =	vld [tilespmem:s16+$0x310]  }
0x1ef: {  	v13 =	vor.u32 v3, v13;
	[tilespmem:s1+$0x2530] =	vst v19;
	v19 =	vld [tilespmem:s16+$0x330]  }
0x1f0: {  	v8 =	vor.u32 v3, v8;
	v16 =	vld.idx.msk [tilespmem:v4+s3+$0x0], $0xffff  }
0x1f1: {  	v9 =	vor.u32 v3, v9;
	v4 =	vld [tilespmem:s16+$0x370]  }
0x1f2: {  	v59 =	vld [tilespmem:s16+$0x350];
	v10 =	vor.u32 v3, v10;
	[tilespmem:s1+$0x2560] =	vst v14;
	v58 =	vshll.u32 v5, $0x6  }
0x1f3: {  	v26 =	vld [tilespmem:s16+$0x360];
	v20 =	vshll.u32 v20, $0x6;
	[tilespmem:s1+$0x2540] =	vst v7;
	v7 =	vor.u32 v0, v58  }
0x1f4: {  	v25 =	vshll.u32 v6, $0x6;
	v6 =	vld.idx.msk [tilespmem:v13+s3+$0x0], $0xffff;
	v13 =	vor.u32 v0, v20  }
0x1f5: {  	[tilespmem:s1+$0x2550] =	vst v12;
	v27 =	vshll.u32 v17, $0x6;
	v8 =	vld.idx.msk [tilespmem:v8+s3+$0x0], $0xffff;
	v12 =	vor.u32 v0, v25  }
0x1f6: {  	v19 =	vshll.u32 v19, $0x6;
	v57 =	vshll.u32 v4, $0x6;
	v4 =	vld.idx.msk [tilespmem:v9+s3+$0x0], $0xffff;
	v9 =	vor.u32 v0, v27  }
0x1f7: {  	v5 =	vld.idx.msk [tilespmem:v10+s3+$0x0], $0xffff;
	v10 =	vor.u32 v0, v19  }
0x1f8: {  	v23 =	vshll.u32 v59, $0x6;
	[tilespmem:s1+$0x2670] =	vst v18;
	v60 =	vor.u32 v0, v57;
	v7 =	vld.idx.msk [tilespmem:v7+s3+$0x0], $0xffff  }
0x1f9: {  	v61 =	vshll.u32 v26, $0x6;
	v17 =	vor.u32 v0, v23;
	[tilespmem:s1+$0x2600] =	vst v15;
	v13 =	vld.idx.msk [tilespmem:v13+s3+$0x0], $0xffff  }
0x1fa: {  	s30 =	simm.s32 $0x80;
	[tilespmem:s1+$0x2610] =	vst v11;
	v11 =	vor.u32 v0, v61;
	v12 =	vld.idx.msk [tilespmem:v12+s3+$0x0], $0xffff  }
0x1fb: {  	s15 =	sshll.u32 s15, $0xC;
	s16 =	sand.u32 $0x3FFFFC00, s30;
	[tilespmem:s1+$0x2620] =	vst v16;
	v16 =	vor.u32 v1, v58;
	v9 =	vld.idx.msk [tilespmem:v9+s3+$0x0], $0xffff  }
0x1fc: {  	s15 =	sadd.s32 s16, s15;
	[tilespmem:s1+$0x2630] =	vst v8;
	v8 =	vor.u32 v1, v25;
	v10 =	vld.idx.msk [tilespmem:v10+s3+$0x0], $0xffff  }
0x1fd: {  	v18 =	vor.u32 v1, v27;
	v14 =	vld.idx.msk [tilespmem:v60+s3+$0x0], $0xffff;
	[tilespmem:s15+$0x2300] =	vst v7  }
0x1fe: {  	v17 =	vld.idx.msk [tilespmem:v17+s3+$0x0], $0xffff;
	v15 =	vor.u32 v1, v57;
	[tilespmem:s15+$0x2340] =	vst v13  }
0x1ff: {  	v11 =	vld.idx.msk [tilespmem:v11+s3+$0x0], $0xffff;
	[tilespmem:s15+$0x2310] =	vst v12  }
0x200: {  	v12 =	vld.idx.msk [tilespmem:v16+s3+$0x0], $0xffff;
	v16 =	vor.u32 v1, v23;
	[tilespmem:s15+$0x2320] =	vst v9  }
0x201: {  	v8 =	vld.idx.msk [tilespmem:v8+s3+$0x0], $0xffff;
	[tilespmem:s15+$0x2330] =	vst v10;
	v10 =	vor.u32 v1, v61  }
0x202: {  	v13 =	vor.u32 v2, v58;
	[tilespmem:s15+$0x2370] =	vst v14;
	v18 =	vld.idx.msk [tilespmem:v18+s3+$0x0], $0xffff  }
0x203: {  	[tilespmem:s15+$0x2350] =	vst v17;
	v14 =	vor.u32 v1, v19;
	v7 =	vld.idx.msk [tilespmem:v15+s3+$0x0], $0xffff  }
0x204: {  	[tilespmem:s15+$0x2360] =	vst v11;
	v9 =	vor.u32 v2, v57  }
0x205: {  	v15 =	vor.u32 v1, v20;
	[tilespmem:s15+$0x2400] =	vst v12;
	v12 =	vld.idx.msk [tilespmem:v16+s3+$0x0], $0xffff  }
0x206: {  	v17 =	vor.u32 v2, v25;
	[tilespmem:s15+$0x2410] =	vst v8;
	v8 =	vld.idx.msk [tilespmem:v10+s3+$0x0], $0xffff  }
0x207: {  	v63 =	vld.idx.msk [tilespmem:v13+s3+$0x0], $0xffff;
	[tilespmem:s15+$0x2420] =	vst v18;
	v18 =	vor.u32 v2, v23  }
0x208: {  	v14 =	vld.idx.msk [tilespmem:v14+s3+$0x0], $0xffff;
	[tilespmem:s15+$0x2470] =	vst v7;
	v7 =	vor.u32 v2, v27  }
0x209: {  	v11 =	vor.u32 v2, v19;
	v9 =	vld.idx.msk [tilespmem:v9+s3+$0x0], $0xffff  }
0x20a: {  	v10 =	vor.u32 v3, v57;
	v15 =	vld.idx.msk [tilespmem:v15+s3+$0x0], $0xffff  }
0x20b: {  	v62 =	vor.u32 v2, v20;
	v28 =	vld.idx.msk [tilespmem:v17+s3+$0x0], $0xffff;
	[tilespmem:s15+$0x2450] =	vst v12  }
0x20c: {  	v29 =	vor.u32 v2, v61;
	[tilespmem:s15+$0x2460] =	vst v8;
	v18 =	vld.idx.msk [tilespmem:v18+s3+$0x0], $0xffff  }
0x20d: {  	v13 =	vor.u32 v3, v58;
	[tilespmem:s15+$0x2430] =	vst v14;
	v17 =	vld.idx.msk [tilespmem:v7+s3+$0x0], $0xffff  }
0x20e: {  	v12 =	vor.u32 v3, v25;
	v14 =	vld.idx.msk [tilespmem:v11+s3+$0x0], $0xffff;
	[tilespmem:s15+$0x2570] =	vst v9  }
0x20f: {  	[tilespmem:s15+$0x2440] =	vst v15;
	v11 =	vor.u32 v3, v27;
	v16 =	vld.idx.msk [tilespmem:v10+s3+$0x0], $0xffff  }
0x210: {  	[tilespmem:s15+$0x2500] =	vst v63;
	v8 =	vor.u32 v3, v23;
	v15 =	vld.idx.msk [tilespmem:v62+s3+$0x0], $0xffff;
	v10 =	vor.u32 v3, v19  }
0x211: {  	s26 =	simm.s32 $0x8;
	[tilespmem:s15+$0x2510] =	vst v28;
	v7 =	vor.u32 v3, v61;
	v9 =	vor.u32 v3, v20;
	v19 =	vld.idx.msk [tilespmem:v29+s3+$0x0], $0xffff  }
.LBB2_10:
0x212: {  	s26 =	sadd.s32 $0x8, s26;
	v13 =	vld.idx.msk [tilespmem:v13+s3+$0x0], $0xffff;
	[tilespmem:s15+$0x2520] =	vst v17;
	s22 =	sadd.s32 $0x1, s22  }
0x213: {  	s30 =	sand.u32 $0x7, s22;
	s16 =	sshll.u32 s26, $0x5;
	p0 =	slt.u32 s26, $0xF8;
	v12 =	vld.idx.msk [tilespmem:v12+s3+$0x0], $0xffff;
	[tilespmem:s15+$0x2530] =	vst v14  }
0x214: {  	s16 =	sand.u32 $0x3FFFF800, s16;
	s28 =	sshll.u32 s30, $0x8;
	v11 =	vld.idx.msk [tilespmem:v11+s3+$0x0], $0xffff;
	[tilespmem:s15+$0x2670] =	vst v16  }
0x215: {  	s16 =	sor.u32 s28, s16;
	v10 =	vld.idx.msk [tilespmem:v10+s3+$0x0], $0xffff;
	[tilespmem:s15+$0x2540] =	vst v15  }
0x216: {  	v14 =	vld [tilespmem:s16+$0x370];
	[tilespmem:s15+$0x2550] =	vst v18  }
0x217: {  	v15 =	vld [tilespmem:s16+$0x300];
	[tilespmem:s15+$0x2560] =	vst v19  }
0x218: {  	v16 =	vld [tilespmem:s16+$0x310];
	[tilespmem:s15+$0x2600] =	vst v13  }
0x219: {  	v13 =	vld [tilespmem:s16+$0x320];
	[tilespmem:s15+$0x2610] =	vst v12  }
0x21a: {  	v12 =	vld [tilespmem:s16+$0x330];
	[tilespmem:s15+$0x2620] =	vst v11  }
0x21b: {  	v11 =	vld [tilespmem:s16+$0x340];
	v14 =	vshll.u32 v14, $0x6;
	[tilespmem:s15+$0x2630] =	vst v10  }
0x21c: {  	v10 =	vshll.u32 v15, $0x6;
	v15 =	vld [tilespmem:s16+$0x350];
	v17 =	vor.u32 v0, v14;
	[tilespmem:s1+$0x2640] =	vst v4  }
0x21d: {  	v18 =	vor.u32 v0, v10;
	v19 =	vor.u32 v1, v10;
	v16 =	vshll.u32 v16, $0x6;
	v20 =	vld [tilespmem:s16+$0x360];
	[tilespmem:s1+$0x2650] =	vst v5  }
0x21e: {  	v21 =	vor.u32 v0, v16;
	v22 =	vor.u32 v1, v16;
	v23 =	vshll.u32 v13, $0x6;
	v4 =	vld.idx.msk [tilespmem:v9+s3+$0x0], $0xffff;
	[tilespmem:s1+$0x2660] =	vst v6;
	s1 =	smov.u32 s15  }
0x21f: {  	v9 =	vor.u32 v0, v23;
	v24 =	vor.u32 v1, v23;
	v25 =	vshll.u32 v12, $0x6;
	v5 =	vld.idx.msk [tilespmem:v8+s3+$0x0], $0xffff  }
0x220: {  	v8 =	vor.u32 v0, v25;
	v26 =	vor.u32 v1, v25;
	v27 =	vshll.u32 v11, $0x6;
	v6 =	vld.idx.msk [tilespmem:v7+s3+$0x0], $0xffff  }
0x221: {  	v7 =	vor.u32 v0, v27;
	v28 =	vor.u32 v1, v27;
	v15 =	vshll.u32 v15, $0x6;
	v17 =	vld.idx.msk [tilespmem:v17+s3+$0x0], $0xffff  }
0x222: {  	v18 =	vld.idx.msk [tilespmem:v18+s3+$0x0], $0xffff;
	v29 =	vor.u32 v0, v15;
	v30 =	vor.u32 v1, v15;
	v20 =	vshll.u32 v20, $0x6  }
0x223: {  	v33 =	vor.u32 v1, v14;
	v21 =	vld.idx.msk [tilespmem:v21+s3+$0x0], $0xffff;
	v31 =	vor.u32 v0, v20;
	v32 =	vor.u32 v1, v20  }
0x224: {  	v34 =	vor.u32 v2, v10;
	s15 =	sshll.u32 s26, $0x4;
	v35 =	vor.u32 v2, v16;
	v37 =	vor.u32 v2, v23;
	v36 =	vld.idx.msk [tilespmem:v9+s3+$0x0], $0xffff  }
0x225: {  	s16 =	sshll.u32 s30, $0xC;
	s15 =	sand.u32 $0x3FFFFC00, s15;
	v39 =	vor.u32 v2, v25;
	v40 =	vor.u32 v2, v27;
	v41 =	vor.u32 v2, v15;
	v38 =	vld.idx.msk [tilespmem:v8+s3+$0x0], $0xffff  }
0x226: {  	v13 =	vor.u32 v3, v10;
	v12 =	vor.u32 v3, v16;
	s15 =	sadd.s32 s15, s16;
	v42 =	vor.u32 v2, v20;
	v16 =	vld.idx.msk [tilespmem:v7+s3+$0x0], $0xffff  }
0x227: {  	v11 =	vor.u32 v3, v23;
	v10 =	vor.u32 v3, v25;
	v23 =	vld.idx.msk [tilespmem:v29+s3+$0x0], $0xffff;
	[tilespmem:s15+$0x2370] =	vst v17  }
0x228: {  	v9 =	vor.u32 v3, v27;
	v8 =	vor.u32 v3, v15;
	[tilespmem:s15+$0x2300] =	vst v18;
	v15 =	vld.idx.msk [tilespmem:v33+s3+$0x0], $0xffff  }
0x229: {  	v7 =	vor.u32 v3, v20;
	[tilespmem:s15+$0x2310] =	vst v21;
	v17 =	vld.idx.msk [tilespmem:v31+s3+$0x0], $0xffff  }
0x22a: {  	v18 =	vld.idx.msk [tilespmem:v19+s3+$0x0], $0xffff;
	[tilespmem:s15+$0x2320] =	vst v36;
	v19 =	vor.u32 v2, v14  }
0x22b: {  	v20 =	vld.idx.msk [tilespmem:v22+s3+$0x0], $0xffff;
	[tilespmem:s15+$0x2330] =	vst v38  }
0x22c: {  	v21 =	vld.idx.msk [tilespmem:v24+s3+$0x0], $0xffff;
	[tilespmem:s15+$0x2340] =	vst v16  }
0x22d: {  	v16 =	vld.idx.msk [tilespmem:v26+s3+$0x0], $0xffff;
	[tilespmem:s15+$0x2350] =	vst v23  }
0x22e: {  	v22 =	vld.idx.msk [tilespmem:v28+s3+$0x0], $0xffff;
	[tilespmem:s15+$0x2470] =	vst v15  }
0x22f: {  	[tilespmem:s15+$0x2360] =	vst v17;
	v15 =	vld.idx.msk [tilespmem:v19+s3+$0x0], $0xffff  }
0x230: {  	[tilespmem:s15+$0x2400] =	vst v18;
	v18 =	vld.idx.msk [tilespmem:v30+s3+$0x0], $0xffff  }
0x231: {  	[tilespmem:s15+$0x2410] =	vst v20;
	v19 =	vld.idx.msk [tilespmem:v32+s3+$0x0], $0xffff;
	v20 =	vor.u32 v3, v14  }
0x232: {  	v23 =	vld.idx.msk [tilespmem:v34+s3+$0x0], $0xffff;
	[tilespmem:s15+$0x2420] =	vst v21  }
0x233: {  	v21 =	vld.idx.msk [tilespmem:v35+s3+$0x0], $0xffff;
	[tilespmem:s15+$0x2430] =	vst v16  }
0x234: {  	v17 =	vld.idx.msk [tilespmem:v37+s3+$0x0], $0xffff;
	[tilespmem:s15+$0x2440] =	vst v22  }
.Ltmp4:
0x235: {  	v14 =	vld.idx.msk [tilespmem:v39+s3+$0x0], $0xffff;
	[tilespmem:s15+$0x2570] =	vst v15;
	(pc) =	sbr.rel @p0 .LBB2_10-.Ltmp4, $4  }
0x236: {  	[tilespmem:s15+$0x2450] =	vst v18;
	v16 =	vld.idx.msk [tilespmem:v20+s3+$0x0], $0xffff  }
0x237: {  	v15 =	vld.idx.msk [tilespmem:v40+s3+$0x0], $0xffff;
	[tilespmem:s15+$0x2460] =	vst v19  }
0x238: {  	[tilespmem:s15+$0x2500] =	vst v23;
	v18 =	vld.idx.msk [tilespmem:v41+s3+$0x0], $0xffff  }
0x239: {  	[tilespmem:s15+$0x2510] =	vst v21;
	v19 =	vld.idx.msk [tilespmem:v42+s3+$0x0], $0xffff  }
0x23a: {  	[tilespmem:s15+$0x2520] =	vst v17  }
0x23b: {  	[tilespmem:s15+$0x2530] =	vst v14  }
0x23c: {  	[tilespmem:s1+$0x2640] =	vst v4  }
0x23d: {  	[tilespmem:s1+$0x2650] =	vst v5  }
0x23e: {  	v13 =	vld.idx.msk [tilespmem:v13+s3+$0x0], $0xffff;
	[tilespmem:s1+$0x2660] =	vst v6  }
0x23f: {  	v12 =	vld.idx.msk [tilespmem:v12+s3+$0x0], $0xffff;
	[tilespmem:s15+$0x2670] =	vst v16  }
0x240: {  	v11 =	vld.idx.msk [tilespmem:v11+s3+$0x0], $0xffff;
	[tilespmem:s15+$0x2540] =	vst v15  }
0x241: {  	v10 =	vld.idx.msk [tilespmem:v10+s3+$0x0], $0xffff;
	[tilespmem:s15+$0x2550] =	vst v18  }
0x242: {  	v9 =	vld.idx.msk [tilespmem:v9+s3+$0x0], $0xffff;
	[tilespmem:s15+$0x2560] =	vst v19  }
0x243: {  	v8 =	vld.idx.msk [tilespmem:v8+s3+$0x0], $0xffff;
	[tilespmem:s15+$0x2600] =	vst v13  }
0x244: {  	[tilespmem:s15+$0x2610] =	vst v12;
	v4 =	vld.idx.msk [tilespmem:v7+s3+$0x0], $0xffff  }
0x245: {  	[tilespmem:s15+$0x2620] =	vst v11  }
0x246: {  	s21 =	sshll.u32 s21, $0x13;
	[tilespmem:s15+$0x2630] =	vst v10  }
0x247: {  	s1 =	sor.u32 s6, s21;
	[tilespmem:s15+$0x2640] =	vst v9  }
0x248: {  	s1 =	sshrl.u32 s1, $0x3;
	[tilespmem:s15+$0x2650] =	vst v8  }
0x249: {  	s16 =	simm.s32 $0x2300;
	[tilespmem:s15+$0x2660] =	vst v4;
	s15 =	sadd.s32 s2, s1  }
0x24a: {  	[hbm4b:s15+s3] =	stream.linear.scatter [tilespmem:s16], [sflag:$0x4], $0x80, $0x38;
	[tilespmem:$0xA280] =	vst v63  }
0x24b: {  	s26 =	simm.s32 $0x2400;
	s22 =	sadd.s32 $0x10, s15  }
0x24c: {  	[hbm4b:s22+s3] =	stream.linear.scatter [tilespmem:s26], [sflag:$0x4], $0x80, $0x38;
	[tilespmem:$0xA280] =	vst v63  }
0x24d: {  	s30 =	simm.s32 $0x2500;
	s28 =	sadd.s32 $0x20, s15  }
0x24e: {  	[hbm4b:s28+s3] =	stream.linear.scatter [tilespmem:s30], [sflag:$0x4], $0x80, $0x38;
	[tilespmem:$0xA280] =	vst v63  }
0x24f: {  	s22 =	sadd.s32 $0x30, s15;
	s26 =	simm.s32 $0x2600  }
0x250: {  	[hbm4b:s22+s3] =	stream.linear.scatter [tilespmem:s26], [sflag:$0x4], $0x80, $0x38;
	[tilespmem:$0xA280] =	vst v63  }
0x251: {  	s28 =	sadd.s32 $0x40, s15;
	s30 =	simm.s32 $0x2700  }
0x252: {  	[hbm4b:s28+s3] =	stream.linear.scatter [tilespmem:s30], [sflag:$0x4], $0x80, $0x38;
	[tilespmem:$0xA280] =	vst v63  }
0x253: {  	s22 =	sadd.s32 $0x50, s15;
	s26 =	simm.s32 $0x2800  }
0x254: {  	[hbm4b:s22+s3] =	stream.linear.scatter [tilespmem:s26], [sflag:$0x4], $0x80, $0x38;
	[tilespmem:$0xA280] =	vst v63  }
0x255: {  	s28 =	sadd.s32 $0x60, s15;
	s30 =	simm.s32 $0x2900  }
0x256: {  	[hbm4b:s28+s3] =	stream.linear.scatter [tilespmem:s30], [sflag:$0x4], $0x80, $0x38;
	[tilespmem:$0xA280] =	vst v63  }
0x257: {  	s22 =	sadd.s32 $0x70, s15;
	s26 =	simm.s32 $0x2A00  }
0x258: {  	[hbm4b:s22+s3] =	stream.linear.scatter [tilespmem:s26], [sflag:$0x4], $0x80, $0x38;
	[tilespmem:$0xA280] =	vst v63  }
0x259: {  	s28 =	sadd.s32 $0x80, s15;
	s30 =	simm.s32 $0x2B00  }
0x25a: {  	[hbm4b:s28+s3] =	stream.linear.scatter [tilespmem:s30], [sflag:$0x4], $0x80, $0x38;
	[tilespmem:$0xA280] =	vst v63  }
0x25b: {  	s22 =	sadd.s32 $0x90, s15;
	s26 =	simm.s32 $0x2C00  }
0x25c: {  	[hbm4b:s22+s3] =	stream.linear.scatter [tilespmem:s26], [sflag:$0x4], $0x80, $0x38;
	[tilespmem:$0xA280] =	vst v63  }
0x25d: {  	s28 =	sadd.s32 $0xA0, s15;
	s30 =	simm.s32 $0x2D00  }
0x25e: {  	[hbm4b:s28+s3] =	stream.linear.scatter [tilespmem:s30], [sflag:$0x4], $0x80, $0x38;
	[tilespmem:$0xA280] =	vst v63  }
0x25f: {  	s22 =	sadd.s32 $0xB0, s15;
	s26 =	simm.s32 $0x2E00  }
0x260: {  	[hbm4b:s22+s3] =	stream.linear.scatter [tilespmem:s26], [sflag:$0x4], $0x80, $0x38;
	[tilespmem:$0xA280] =	vst v63  }
0x261: {  	s28 =	sadd.s32 $0xC0, s15;
	s30 =	simm.s32 $0x2F00  }
0x262: {  	[hbm4b:s28+s3] =	stream.linear.scatter [tilespmem:s30], [sflag:$0x4], $0x80, $0x38;
	[tilespmem:$0xA280] =	vst v63  }
0x263: {  	s21 =	sadd.s32 $0xD0, s15;
	s22 =	simm.s32 $0x3000  }
0x264: {  	[hbm4b:s21+s3] =	stream.linear.scatter [tilespmem:s22], [sflag:$0x4], $0x80, $0x38;
	[tilespmem:$0xA280] =	vst v63  }
0x265: {  	s26 =	sadd.s32 $0xE0, s15;
	s28 =	simm.s32 $0x3100  }
0x266: {  	[hbm4b:s26+s3] =	stream.linear.scatter [tilespmem:s28], [sflag:$0x4], $0x80, $0x38;
	[tilespmem:$0xA280] =	vst v63  }
0x267: {  	s15 =	sadd.s32 $0xF0, s15;
	s30 =	simm.s32 $0x3200  }
0x268: {  	[hbm4b:s15+s3] =	stream.linear.scatter [tilespmem:s30], [sflag:$0x4], $0x80, $0x38;
	[tilespmem:$0xA280] =	vst v63  }
0x269: {  	s21 =	simm.s32 $0x3300;
	s15 =	sadd.s32 s1, s7  }
0x26a: {  	[hbm4b:s15+s3] =	stream.linear.scatter [tilespmem:s21], [sflag:$0x4], $0x80, $0x38;
	[tilespmem:$0xA280] =	vst v63  }
0x26b: {  	s26 =	simm.s32 $0x3400;
	s22 =	sadd.s32 $0x10, s15  }
0x26c: {  	[hbm4b:s22+s3] =	stream.linear.scatter [tilespmem:s26], [sflag:$0x4], $0x80, $0x38;
	[tilespmem:$0xA280] =	vst v63  }
0x26d: {  	s30 =	simm.s32 $0x3500;
	s28 =	sadd.s32 $0x20, s15  }
0x26e: {  	[hbm4b:s28+s3] =	stream.linear.scatter [tilespmem:s30], [sflag:$0x4], $0x80, $0x38;
	[tilespmem:$0xA280] =	vst v63  }
0x26f: {  	s22 =	sadd.s32 $0x30, s15;
	s26 =	simm.s32 $0x3600  }
0x270: {  	[hbm4b:s22+s3] =	stream.linear.scatter [tilespmem:s26], [sflag:$0x4], $0x80, $0x38;
	[tilespmem:$0xA280] =	vst v63  }
0x271: {  	s28 =	sadd.s32 $0x40, s15;
	s30 =	simm.s32 $0x3700  }
0x272: {  	[hbm4b:s28+s3] =	stream.linear.scatter [tilespmem:s30], [sflag:$0x4], $0x80, $0x38;
	[tilespmem:$0xA280] =	vst v63  }
0x273: {  	s22 =	sadd.s32 $0x50, s15;
	s26 =	simm.s32 $0x3800  }
0x274: {  	[hbm4b:s22+s3] =	stream.linear.scatter [tilespmem:s26], [sflag:$0x4], $0x80, $0x38;
	[tilespmem:$0xA280] =	vst v63  }
0x275: {  	s28 =	sadd.s32 $0x60, s15;
	s30 =	simm.s32 $0x3900  }
0x276: {  	[hbm4b:s28+s3] =	stream.linear.scatter [tilespmem:s30], [sflag:$0x4], $0x80, $0x38;
	[tilespmem:$0xA280] =	vst v63  }
0x277: {  	s22 =	sadd.s32 $0x70, s15;
	s26 =	simm.s32 $0x3A00  }
0x278: {  	[hbm4b:s22+s3] =	stream.linear.scatter [tilespmem:s26], [sflag:$0x4], $0x80, $0x38;
	[tilespmem:$0xA280] =	vst v63  }
0x279: {  	s28 =	sadd.s32 $0x80, s15;
	s30 =	simm.s32 $0x3B00  }
0x27a: {  	[hbm4b:s28+s3] =	stream.linear.scatter [tilespmem:s30], [sflag:$0x4], $0x80, $0x38;
	[tilespmem:$0xA280] =	vst v63  }
0x27b: {  	s22 =	sadd.s32 $0x90, s15;
	s26 =	simm.s32 $0x3C00  }
0x27c: {  	[hbm4b:s22+s3] =	stream.linear.scatter [tilespmem:s26], [sflag:$0x4], $0x80, $0x38;
	[tilespmem:$0xA280] =	vst v63  }
0x27d: {  	s28 =	sadd.s32 $0xA0, s15;
	s30 =	simm.s32 $0x3D00  }
0x27e: {  	[hbm4b:s28+s3] =	stream.linear.scatter [tilespmem:s30], [sflag:$0x4], $0x80, $0x38;
	[tilespmem:$0xA280] =	vst v63  }
0x27f: {  	s22 =	sadd.s32 $0xB0, s15;
	s26 =	simm.s32 $0x3E00  }
0x280: {  	[hbm4b:s22+s3] =	stream.linear.scatter [tilespmem:s26], [sflag:$0x4], $0x80, $0x38;
	[tilespmem:$0xA280] =	vst v63  }
0x281: {  	s28 =	sadd.s32 $0xC0, s15;
	s30 =	simm.s32 $0x3F00  }
0x282: {  	[hbm4b:s28+s3] =	stream.linear.scatter [tilespmem:s30], [sflag:$0x4], $0x80, $0x38;
	[tilespmem:$0xA280] =	vst v63  }
0x283: {  	s21 =	sadd.s32 $0xD0, s15;
	s22 =	simm.s32 $0x4000  }
0x284: {  	[hbm4b:s21+s3] =	stream.linear.scatter [tilespmem:s22], [sflag:$0x4], $0x80, $0x38;
	[tilespmem:$0xA280] =	vst v63  }
0x285: {  	s26 =	sadd.s32 $0xE0, s15;
	s28 =	simm.s32 $0x4100  }
0x286: {  	[hbm4b:s26+s3] =	stream.linear.scatter [tilespmem:s28], [sflag:$0x4], $0x80, $0x38;
	[tilespmem:$0xA280] =	vst v63  }
0x287: {  	s15 =	sadd.s32 $0xF0, s15;
	s30 =	simm.s32 $0x4200  }
0x288: {  	[hbm4b:s15+s3] =	stream.linear.scatter [tilespmem:s30], [sflag:$0x4], $0x80, $0x38;
	[tilespmem:$0xA280] =	vst v63  }
0x289: {  	s21 =	simm.s32 $0x4300;
	s15 =	sadd.s32 s1, s8  }
0x28a: {  	[hbm4b:s15+s3] =	stream.linear.scatter [tilespmem:s21], [sflag:$0x4], $0x80, $0x38;
	[tilespmem:$0xA280] =	vst v63  }
0x28b: {  	s26 =	simm.s32 $0x4400;
	s22 =	sadd.s32 $0x10, s15  }
0x28c: {  	[hbm4b:s22+s3] =	stream.linear.scatter [tilespmem:s26], [sflag:$0x4], $0x80, $0x38;
	[tilespmem:$0xA280] =	vst v63  }
0x28d: {  	s30 =	simm.s32 $0x4500;
	s28 =	sadd.s32 $0x20, s15  }
0x28e: {  	[hbm4b:s28+s3] =	stream.linear.scatter [tilespmem:s30], [sflag:$0x4], $0x80, $0x38;
	[tilespmem:$0xA280] =	vst v63  }
0x28f: {  	s22 =	sadd.s32 $0x30, s15;
	s26 =	simm.s32 $0x4600  }
0x290: {  	[hbm4b:s22+s3] =	stream.linear.scatter [tilespmem:s26], [sflag:$0x4], $0x80, $0x38;
	[tilespmem:$0xA280] =	vst v63  }
0x291: {  	s28 =	sadd.s32 $0x40, s15;
	s30 =	simm.s32 $0x4700  }
0x292: {  	[hbm4b:s28+s3] =	stream.linear.scatter [tilespmem:s30], [sflag:$0x4], $0x80, $0x38;
	[tilespmem:$0xA280] =	vst v63  }
0x293: {  	s22 =	sadd.s32 $0x50, s15;
	s26 =	simm.s32 $0x4800  }
0x294: {  	[hbm4b:s22+s3] =	stream.linear.scatter [tilespmem:s26], [sflag:$0x4], $0x80, $0x38;
	[tilespmem:$0xA280] =	vst v63  }
0x295: {  	s28 =	sadd.s32 $0x60, s15;
	s30 =	simm.s32 $0x4900  }
0x296: {  	[hbm4b:s28+s3] =	stream.linear.scatter [tilespmem:s30], [sflag:$0x4], $0x80, $0x38;
	[tilespmem:$0xA280] =	vst v63  }
0x297: {  	s22 =	sadd.s32 $0x70, s15;
	s26 =	simm.s32 $0x4A00  }
0x298: {  	[hbm4b:s22+s3] =	stream.linear.scatter [tilespmem:s26], [sflag:$0x4], $0x80, $0x38;
	[tilespmem:$0xA280] =	vst v63  }
0x299: {  	s28 =	sadd.s32 $0x80, s15;
	s30 =	simm.s32 $0x4B00  }
0x29a: {  	[hbm4b:s28+s3] =	stream.linear.scatter [tilespmem:s30], [sflag:$0x4], $0x80, $0x38;
	[tilespmem:$0xA280] =	vst v63  }
0x29b: {  	s22 =	sadd.s32 $0x90, s15;
	s26 =	simm.s32 $0x4C00  }
0x29c: {  	[hbm4b:s22+s3] =	stream.linear.scatter [tilespmem:s26], [sflag:$0x4], $0x80, $0x38;
	[tilespmem:$0xA280] =	vst v63  }
0x29d: {  	s28 =	sadd.s32 $0xA0, s15;
	s30 =	simm.s32 $0x4D00  }
0x29e: {  	[hbm4b:s28+s3] =	stream.linear.scatter [tilespmem:s30], [sflag:$0x4], $0x80, $0x38;
	[tilespmem:$0xA280] =	vst v63  }
0x29f: {  	s22 =	sadd.s32 $0xB0, s15;
	s26 =	simm.s32 $0x4E00  }
0x2a0: {  	[hbm4b:s22+s3] =	stream.linear.scatter [tilespmem:s26], [sflag:$0x4], $0x80, $0x38;
	[tilespmem:$0xA280] =	vst v63  }
0x2a1: {  	s28 =	sadd.s32 $0xC0, s15;
	s30 =	simm.s32 $0x4F00  }
0x2a2: {  	[hbm4b:s28+s3] =	stream.linear.scatter [tilespmem:s30], [sflag:$0x4], $0x80, $0x38;
	[tilespmem:$0xA280] =	vst v63  }
0x2a3: {  	s21 =	sadd.s32 $0xD0, s15;
	s22 =	simm.s32 $0x5000  }
0x2a4: {  	[hbm4b:s21+s3] =	stream.linear.scatter [tilespmem:s22], [sflag:$0x4], $0x80, $0x38;
	[tilespmem:$0xA280] =	vst v63  }
0x2a5: {  	s26 =	sadd.s32 $0xE0, s15;
	s28 =	simm.s32 $0x5100  }
0x2a6: {  	[hbm4b:s26+s3] =	stream.linear.scatter [tilespmem:s28], [sflag:$0x4], $0x80, $0x38;
	[tilespmem:$0xA280] =	vst v63  }
0x2a7: {  	s15 =	sadd.s32 $0xF0, s15;
	s30 =	simm.s32 $0x5200  }
0x2a8: {  	[hbm4b:s15+s3] =	stream.linear.scatter [tilespmem:s30], [sflag:$0x4], $0x80, $0x38;
	[tilespmem:$0xA280] =	vst v63  }
0x2a9: {  	s21 =	simm.s32 $0x5300;
	s15 =	sadd.s32 s1, s9  }
0x2aa: {  	[hbm4b:s15+s3] =	stream.linear.scatter [tilespmem:s21], [sflag:$0x4], $0x80, $0x38;
	[tilespmem:$0xA280] =	vst v63  }
0x2ab: {  	s26 =	simm.s32 $0x5400;
	s22 =	sadd.s32 $0x10, s15  }
0x2ac: {  	[hbm4b:s22+s3] =	stream.linear.scatter [tilespmem:s26], [sflag:$0x4], $0x80, $0x38;
	[tilespmem:$0xA280] =	vst v63  }
0x2ad: {  	s30 =	simm.s32 $0x5500;
	s28 =	sadd.s32 $0x20, s15  }
0x2ae: {  	[hbm4b:s28+s3] =	stream.linear.scatter [tilespmem:s30], [sflag:$0x4], $0x80, $0x38;
	[tilespmem:$0xA280] =	vst v63  }
0x2af: {  	s22 =	sadd.s32 $0x30, s15;
	s26 =	simm.s32 $0x5600  }
0x2b0: {  	[hbm4b:s22+s3] =	stream.linear.scatter [tilespmem:s26], [sflag:$0x4], $0x80, $0x38;
	[tilespmem:$0xA280] =	vst v63  }
0x2b1: {  	s28 =	sadd.s32 $0x40, s15;
	s30 =	simm.s32 $0x5700  }
0x2b2: {  	[hbm4b:s28+s3] =	stream.linear.scatter [tilespmem:s30], [sflag:$0x4], $0x80, $0x38;
	[tilespmem:$0xA280] =	vst v63  }
0x2b3: {  	s22 =	sadd.s32 $0x50, s15;
	s26 =	simm.s32 $0x5800  }
0x2b4: {  	[hbm4b:s22+s3] =	stream.linear.scatter [tilespmem:s26], [sflag:$0x4], $0x80, $0x38;
	[tilespmem:$0xA280] =	vst v63  }
0x2b5: {  	s28 =	sadd.s32 $0x60, s15;
	s30 =	simm.s32 $0x5900  }
0x2b6: {  	[hbm4b:s28+s3] =	stream.linear.scatter [tilespmem:s30], [sflag:$0x4], $0x80, $0x38;
	[tilespmem:$0xA280] =	vst v63  }
0x2b7: {  	s22 =	sadd.s32 $0x70, s15;
	s26 =	simm.s32 $0x5A00  }
0x2b8: {  	[hbm4b:s22+s3] =	stream.linear.scatter [tilespmem:s26], [sflag:$0x4], $0x80, $0x38;
	[tilespmem:$0xA280] =	vst v63  }
0x2b9: {  	s28 =	sadd.s32 $0x80, s15;
	s30 =	simm.s32 $0x5B00  }
0x2ba: {  	[hbm4b:s28+s3] =	stream.linear.scatter [tilespmem:s30], [sflag:$0x4], $0x80, $0x38;
	[tilespmem:$0xA280] =	vst v63  }
0x2bb: {  	s22 =	sadd.s32 $0x90, s15;
	s26 =	simm.s32 $0x5C00  }
0x2bc: {  	[hbm4b:s22+s3] =	stream.linear.scatter [tilespmem:s26], [sflag:$0x4], $0x80, $0x38;
	[tilespmem:$0xA280] =	vst v63  }
0x2bd: {  	s28 =	sadd.s32 $0xA0, s15;
	s30 =	simm.s32 $0x5D00  }
0x2be: {  	[hbm4b:s28+s3] =	stream.linear.scatter [tilespmem:s30], [sflag:$0x4], $0x80, $0x38;
	[tilespmem:$0xA280] =	vst v63  }
0x2bf: {  	s22 =	sadd.s32 $0xB0, s15;
	s26 =	simm.s32 $0x5E00  }
0x2c0: {  	[hbm4b:s22+s3] =	stream.linear.scatter [tilespmem:s26], [sflag:$0x4], $0x80, $0x38;
	[tilespmem:$0xA280] =	vst v63  }
0x2c1: {  	s28 =	sadd.s32 $0xC0, s15;
	s30 =	simm.s32 $0x5F00  }
0x2c2: {  	[hbm4b:s28+s3] =	stream.linear.scatter [tilespmem:s30], [sflag:$0x4], $0x80, $0x38;
	[tilespmem:$0xA280] =	vst v63  }
0x2c3: {  	s21 =	sadd.s32 $0xD0, s15;
	s22 =	simm.s32 $0x6000  }
0x2c4: {  	[hbm4b:s21+s3] =	stream.linear.scatter [tilespmem:s22], [sflag:$0x4], $0x80, $0x38;
	[tilespmem:$0xA280] =	vst v63  }
0x2c5: {  	s26 =	sadd.s32 $0xE0, s15;
	s28 =	simm.s32 $0x6100  }
0x2c6: {  	[hbm4b:s26+s3] =	stream.linear.scatter [tilespmem:s28], [sflag:$0x4], $0x80, $0x38;
	[tilespmem:$0xA280] =	vst v63  }
0x2c7: {  	s15 =	sadd.s32 $0xF0, s15;
	s30 =	simm.s32 $0x6200  }
0x2c8: {  	[hbm4b:s15+s3] =	stream.linear.scatter [tilespmem:s30], [sflag:$0x4], $0x80, $0x38;
	[tilespmem:$0xA280] =	vst v63  }
0x2c9: {  	s21 =	simm.s32 $0x6300;
	s15 =	sadd.s32 s1, s10  }
0x2ca: {  	[hbm4b:s15+s3] =	stream.linear.scatter [tilespmem:s21], [sflag:$0x4], $0x80, $0x38;
	[tilespmem:$0xA280] =	vst v63  }
0x2cb: {  	s26 =	simm.s32 $0x6400;
	s22 =	sadd.s32 $0x10, s15  }
0x2cc: {  	[hbm4b:s22+s3] =	stream.linear.scatter [tilespmem:s26], [sflag:$0x4], $0x80, $0x38;
	[tilespmem:$0xA280] =	vst v63  }
0x2cd: {  	s30 =	simm.s32 $0x6500;
	s28 =	sadd.s32 $0x20, s15  }
0x2ce: {  	[hbm4b:s28+s3] =	stream.linear.scatter [tilespmem:s30], [sflag:$0x4], $0x80, $0x38;
	[tilespmem:$0xA280] =	vst v63  }
0x2cf: {  	s22 =	sadd.s32 $0x30, s15;
	s26 =	simm.s32 $0x6600  }
0x2d0: {  	[hbm4b:s22+s3] =	stream.linear.scatter [tilespmem:s26], [sflag:$0x4], $0x80, $0x38;
	[tilespmem:$0xA280] =	vst v63  }
0x2d1: {  	s28 =	sadd.s32 $0x40, s15;
	s30 =	simm.s32 $0x6700  }
0x2d2: {  	[hbm4b:s28+s3] =	stream.linear.scatter [tilespmem:s30], [sflag:$0x4], $0x80, $0x38;
	[tilespmem:$0xA280] =	vst v63  }
0x2d3: {  	s22 =	sadd.s32 $0x50, s15;
	s26 =	simm.s32 $0x6800  }
0x2d4: {  	[hbm4b:s22+s3] =	stream.linear.scatter [tilespmem:s26], [sflag:$0x4], $0x80, $0x38;
	[tilespmem:$0xA280] =	vst v63  }
0x2d5: {  	s28 =	sadd.s32 $0x60, s15;
	s30 =	simm.s32 $0x6900  }
0x2d6: {  	[hbm4b:s28+s3] =	stream.linear.scatter [tilespmem:s30], [sflag:$0x4], $0x80, $0x38;
	[tilespmem:$0xA280] =	vst v63  }
0x2d7: {  	s22 =	sadd.s32 $0x70, s15;
	s26 =	simm.s32 $0x6A00  }
0x2d8: {  	[hbm4b:s22+s3] =	stream.linear.scatter [tilespmem:s26], [sflag:$0x4], $0x80, $0x38;
	[tilespmem:$0xA280] =	vst v63  }
0x2d9: {  	s28 =	sadd.s32 $0x80, s15;
	s30 =	simm.s32 $0x6B00  }
0x2da: {  	[hbm4b:s28+s3] =	stream.linear.scatter [tilespmem:s30], [sflag:$0x4], $0x80, $0x38;
	[tilespmem:$0xA280] =	vst v63  }
0x2db: {  	s22 =	sadd.s32 $0x90, s15;
	s26 =	simm.s32 $0x6C00  }
0x2dc: {  	[hbm4b:s22+s3] =	stream.linear.scatter [tilespmem:s26], [sflag:$0x4], $0x80, $0x38;
	[tilespmem:$0xA280] =	vst v63  }
0x2dd: {  	s28 =	sadd.s32 $0xA0, s15;
	s30 =	simm.s32 $0x6D00  }
0x2de: {  	[hbm4b:s28+s3] =	stream.linear.scatter [tilespmem:s30], [sflag:$0x4], $0x80, $0x38;
	[tilespmem:$0xA280] =	vst v63  }
0x2df: {  	s22 =	sadd.s32 $0xB0, s15;
	s26 =	simm.s32 $0x6E00  }
0x2e0: {  	[hbm4b:s22+s3] =	stream.linear.scatter [tilespmem:s26], [sflag:$0x4], $0x80, $0x38;
	[tilespmem:$0xA280] =	vst v63  }
0x2e1: {  	s28 =	sadd.s32 $0xC0, s15;
	s30 =	simm.s32 $0x6F00  }
0x2e2: {  	[hbm4b:s28+s3] =	stream.linear.scatter [tilespmem:s30], [sflag:$0x4], $0x80, $0x38;
	[tilespmem:$0xA280] =	vst v63  }
0x2e3: {  	s21 =	sadd.s32 $0xD0, s15;
	s22 =	simm.s32 $0x7000  }
0x2e4: {  	[hbm4b:s21+s3] =	stream.linear.scatter [tilespmem:s22], [sflag:$0x4], $0x80, $0x38;
	[tilespmem:$0xA280] =	vst v63  }
0x2e5: {  	s26 =	sadd.s32 $0xE0, s15;
	s28 =	simm.s32 $0x7100  }
0x2e6: {  	[hbm4b:s26+s3] =	stream.linear.scatter [tilespmem:s28], [sflag:$0x4], $0x80, $0x38;
	[tilespmem:$0xA280] =	vst v63  }
0x2e7: {  	s15 =	sadd.s32 $0xF0, s15;
	s30 =	simm.s32 $0x7200  }
0x2e8: {  	[hbm4b:s15+s3] =	stream.linear.scatter [tilespmem:s30], [sflag:$0x4], $0x80, $0x38;
	[tilespmem:$0xA280] =	vst v63  }
0x2e9: {  	s21 =	simm.s32 $0x7300;
	s15 =	sadd.s32 s1, s11  }
0x2ea: {  	[hbm4b:s15+s3] =	stream.linear.scatter [tilespmem:s21], [sflag:$0x4], $0x80, $0x38;
	[tilespmem:$0xA280] =	vst v63  }
0x2eb: {  	s26 =	simm.s32 $0x7400;
	s22 =	sadd.s32 $0x10, s15  }
0x2ec: {  	[hbm4b:s22+s3] =	stream.linear.scatter [tilespmem:s26], [sflag:$0x4], $0x80, $0x38;
	[tilespmem:$0xA280] =	vst v63  }
0x2ed: {  	s30 =	simm.s32 $0x7500;
	s28 =	sadd.s32 $0x20, s15  }
0x2ee: {  	[hbm4b:s28+s3] =	stream.linear.scatter [tilespmem:s30], [sflag:$0x4], $0x80, $0x38;
	[tilespmem:$0xA280] =	vst v63  }
0x2ef: {  	s22 =	sadd.s32 $0x30, s15;
	s26 =	simm.s32 $0x7600  }
0x2f0: {  	[hbm4b:s22+s3] =	stream.linear.scatter [tilespmem:s26], [sflag:$0x4], $0x80, $0x38;
	[tilespmem:$0xA280] =	vst v63  }
0x2f1: {  	s28 =	sadd.s32 $0x40, s15;
	s30 =	simm.s32 $0x7700  }
0x2f2: {  	[hbm4b:s28+s3] =	stream.linear.scatter [tilespmem:s30], [sflag:$0x4], $0x80, $0x38;
	[tilespmem:$0xA280] =	vst v63  }
0x2f3: {  	s22 =	sadd.s32 $0x50, s15;
	s26 =	simm.s32 $0x7800  }
0x2f4: {  	[hbm4b:s22+s3] =	stream.linear.scatter [tilespmem:s26], [sflag:$0x4], $0x80, $0x38;
	[tilespmem:$0xA280] =	vst v63  }
0x2f5: {  	s28 =	sadd.s32 $0x60, s15;
	s30 =	simm.s32 $0x7900  }
0x2f6: {  	[hbm4b:s28+s3] =	stream.linear.scatter [tilespmem:s30], [sflag:$0x4], $0x80, $0x38;
	[tilespmem:$0xA280] =	vst v63  }
0x2f7: {  	s22 =	sadd.s32 $0x70, s15;
	s26 =	simm.s32 $0x7A00  }
0x2f8: {  	[hbm4b:s22+s3] =	stream.linear.scatter [tilespmem:s26], [sflag:$0x4], $0x80, $0x38;
	[tilespmem:$0xA280] =	vst v63  }
0x2f9: {  	s28 =	sadd.s32 $0x80, s15;
	s30 =	simm.s32 $0x7B00  }
0x2fa: {  	[hbm4b:s28+s3] =	stream.linear.scatter [tilespmem:s30], [sflag:$0x4], $0x80, $0x38;
	[tilespmem:$0xA280] =	vst v63  }
0x2fb: {  	s22 =	sadd.s32 $0x90, s15;
	s26 =	simm.s32 $0x7C00  }
0x2fc: {  	[hbm4b:s22+s3] =	stream.linear.scatter [tilespmem:s26], [sflag:$0x4], $0x80, $0x38;
	[tilespmem:$0xA280] =	vst v63  }
0x2fd: {  	s28 =	sadd.s32 $0xA0, s15;
	s30 =	simm.s32 $0x7D00  }
0x2fe: {  	[hbm4b:s28+s3] =	stream.linear.scatter [tilespmem:s30], [sflag:$0x4], $0x80, $0x38;
	[tilespmem:$0xA280] =	vst v63  }
0x2ff: {  	s22 =	sadd.s32 $0xB0, s15;
	s26 =	simm.s32 $0x7E00  }
0x300: {  	[hbm4b:s22+s3] =	stream.linear.scatter [tilespmem:s26], [sflag:$0x4], $0x80, $0x38;
	[tilespmem:$0xA280] =	vst v63  }
0x301: {  	s28 =	sadd.s32 $0xC0, s15;
	s30 =	simm.s32 $0x7F00  }
0x302: {  	[hbm4b:s28+s3] =	stream.linear.scatter [tilespmem:s30], [sflag:$0x4], $0x80, $0x38;
	[tilespmem:$0xA280] =	vst v63  }
0x303: {  	s21 =	sadd.s32 $0xD0, s15;
	s22 =	simm.s32 $0x8000  }
0x304: {  	[hbm4b:s21+s3] =	stream.linear.scatter [tilespmem:s22], [sflag:$0x4], $0x80, $0x38;
	[tilespmem:$0xA280] =	vst v63  }
0x305: {  	s26 =	sadd.s32 $0xE0, s15;
	s28 =	simm.s32 $0x8100  }
0x306: {  	[hbm4b:s26+s3] =	stream.linear.scatter [tilespmem:s28], [sflag:$0x4], $0x80, $0x38;
	[tilespmem:$0xA280] =	vst v63  }
0x307: {  	s15 =	sadd.s32 $0xF0, s15;
	s30 =	simm.s32 $0x8200  }
0x308: {  	[hbm4b:s15+s3] =	stream.linear.scatter [tilespmem:s30], [sflag:$0x4], $0x80, $0x38;
	[tilespmem:$0xA280] =	vst v63  }
0x309: {  	s21 =	simm.s32 $0x8300;
	s15 =	sadd.s32 s1, s12  }
0x30a: {  	[hbm4b:s15+s3] =	stream.linear.scatter [tilespmem:s21], [sflag:$0x4], $0x80, $0x38;
	[tilespmem:$0xA280] =	vst v63  }
0x30b: {  	s26 =	simm.s32 $0x8400;
	s22 =	sadd.s32 $0x10, s15  }
0x30c: {  	[hbm4b:s22+s3] =	stream.linear.scatter [tilespmem:s26], [sflag:$0x4], $0x80, $0x38;
	[tilespmem:$0xA280] =	vst v63  }
0x30d: {  	s30 =	simm.s32 $0x8500;
	s28 =	sadd.s32 $0x20, s15  }
0x30e: {  	[hbm4b:s28+s3] =	stream.linear.scatter [tilespmem:s30], [sflag:$0x4], $0x80, $0x38;
	[tilespmem:$0xA280] =	vst v63  }
0x30f: {  	s22 =	sadd.s32 $0x30, s15;
	s26 =	simm.s32 $0x8600  }
0x310: {  	[hbm4b:s22+s3] =	stream.linear.scatter [tilespmem:s26], [sflag:$0x4], $0x80, $0x38;
	[tilespmem:$0xA280] =	vst v63  }
0x311: {  	s28 =	sadd.s32 $0x40, s15;
	s30 =	simm.s32 $0x8700  }
0x312: {  	[hbm4b:s28+s3] =	stream.linear.scatter [tilespmem:s30], [sflag:$0x4], $0x80, $0x38;
	[tilespmem:$0xA280] =	vst v63  }
0x313: {  	s22 =	sadd.s32 $0x50, s15;
	s26 =	simm.s32 $0x8800  }
0x314: {  	[hbm4b:s22+s3] =	stream.linear.scatter [tilespmem:s26], [sflag:$0x4], $0x80, $0x38;
	[tilespmem:$0xA280] =	vst v63  }
0x315: {  	s28 =	sadd.s32 $0x60, s15;
	s30 =	simm.s32 $0x8900  }
0x316: {  	[hbm4b:s28+s3] =	stream.linear.scatter [tilespmem:s30], [sflag:$0x4], $0x80, $0x38;
	[tilespmem:$0xA280] =	vst v63  }
0x317: {  	s22 =	sadd.s32 $0x70, s15;
	s26 =	simm.s32 $0x8A00  }
0x318: {  	[hbm4b:s22+s3] =	stream.linear.scatter [tilespmem:s26], [sflag:$0x4], $0x80, $0x38;
	[tilespmem:$0xA280] =	vst v63  }
0x319: {  	s28 =	sadd.s32 $0x80, s15;
	s30 =	simm.s32 $0x8B00  }
0x31a: {  	[hbm4b:s28+s3] =	stream.linear.scatter [tilespmem:s30], [sflag:$0x4], $0x80, $0x38;
	[tilespmem:$0xA280] =	vst v63  }
0x31b: {  	s22 =	sadd.s32 $0x90, s15;
	s26 =	simm.s32 $0x8C00  }
0x31c: {  	[hbm4b:s22+s3] =	stream.linear.scatter [tilespmem:s26], [sflag:$0x4], $0x80, $0x38;
	[tilespmem:$0xA280] =	vst v63  }
0x31d: {  	s28 =	sadd.s32 $0xA0, s15;
	s30 =	simm.s32 $0x8D00  }
0x31e: {  	[hbm4b:s28+s3] =	stream.linear.scatter [tilespmem:s30], [sflag:$0x4], $0x80, $0x38;
	[tilespmem:$0xA280] =	vst v63  }
0x31f: {  	s22 =	sadd.s32 $0xB0, s15;
	s26 =	simm.s32 $0x8E00  }
0x320: {  	[hbm4b:s22+s3] =	stream.linear.scatter [tilespmem:s26], [sflag:$0x4], $0x80, $0x38;
	[tilespmem:$0xA280] =	vst v63  }
0x321: {  	s28 =	sadd.s32 $0xC0, s15;
	s30 =	simm.s32 $0x8F00  }
0x322: {  	[hbm4b:s28+s3] =	stream.linear.scatter [tilespmem:s30], [sflag:$0x4], $0x80, $0x38;
	[tilespmem:$0xA280] =	vst v63  }
0x323: {  	s21 =	sadd.s32 $0xD0, s15;
	s22 =	simm.s32 $0x9000  }
0x324: {  	[hbm4b:s21+s3] =	stream.linear.scatter [tilespmem:s22], [sflag:$0x4], $0x80, $0x38;
	[tilespmem:$0xA280] =	vst v63  }
0x325: {  	s26 =	sadd.s32 $0xE0, s15;
	s28 =	simm.s32 $0x9100  }
0x326: {  	[hbm4b:s26+s3] =	stream.linear.scatter [tilespmem:s28], [sflag:$0x4], $0x80, $0x38;
	[tilespmem:$0xA280] =	vst v63  }
0x327: {  	s15 =	sadd.s32 $0xF0, s15;
	s30 =	simm.s32 $0x9200  }
0x328: {  	[hbm4b:s15+s3] =	stream.linear.scatter [tilespmem:s30], [sflag:$0x4], $0x80, $0x38;
	[tilespmem:$0xA280] =	vst v63  }
0x329: {  	s1 =	sadd.s32 s1, s13;
	s21 =	simm.s32 $0x9300  }
0x32a: {  	[hbm4b:s1+s3] =	stream.linear.scatter [tilespmem:s21], [sflag:$0x4], $0x80, $0x38;
	[tilespmem:$0xA280] =	vst v63  }
0x32b: {  	s22 =	sadd.s32 $0x10, s1;
	s26 =	simm.s32 $0x9400  }
0x32c: {  	[hbm4b:s22+s3] =	stream.linear.scatter [tilespmem:s26], [sflag:$0x4], $0x80, $0x38;
	[tilespmem:$0xA280] =	vst v63  }
0x32d: {  	s28 =	sadd.s32 $0x20, s1;
	s30 =	simm.s32 $0x9500  }
0x32e: {  	[hbm4b:s28+s3] =	stream.linear.scatter [tilespmem:s30], [sflag:$0x4], $0x80, $0x38;
	[tilespmem:$0xA280] =	vst v63  }
0x32f: {  	s16 =	sadd.s32 $0x30, s1;
	s21 =	simm.s32 $0x9600  }
0x330: {  	[hbm4b:s16+s3] =	stream.linear.scatter [tilespmem:s21], [sflag:$0x4], $0x80, $0x38;
	[tilespmem:$0xA280] =	vst v63  }
0x331: {  	s22 =	sadd.s32 $0x40, s1;
	s26 =	simm.s32 $0x9700  }
0x332: {  	[hbm4b:s22+s3] =	stream.linear.scatter [tilespmem:s26], [sflag:$0x4], $0x80, $0x38;
	[tilespmem:$0xA280] =	vst v63  }
0x333: {  	s28 =	sadd.s32 $0x50, s1;
	s30 =	simm.s32 $0x9800  }
0x334: {  	[hbm4b:s28+s3] =	stream.linear.scatter [tilespmem:s30], [sflag:$0x4], $0x80, $0x38;
	[tilespmem:$0xA280] =	vst v63  }
0x335: {  	s21 =	sadd.s32 $0x60, s1;
	s22 =	simm.s32 $0x9900  }
0x336: {  	[hbm4b:s21+s3] =	stream.linear.scatter [tilespmem:s22], [sflag:$0x4], $0x80, $0x38;
	[tilespmem:$0xA280] =	vst v63  }
0x337: {  	s26 =	sadd.s32 $0x70, s1  }
0x338: {  	[hbm4b:s26+s3] =	stream.linear.scatter [tilespmem:s4], [sflag:$0x4], $0x80, $0x38;
	[tilespmem:$0xA280] =	vst v63  }
0x339: {  	s28 =	sadd.s32 $0x80, s1  }
0x33a: {  	[hbm4b:s28+s3] =	stream.linear.scatter [tilespmem:s17], [sflag:$0x4], $0x80, $0x38;
	[tilespmem:$0xA280] =	vst v63  }
0x33b: {  	s30 =	sadd.s32 $0x90, s1  }
0x33c: {  	[hbm4b:s30+s3] =	stream.linear.scatter [tilespmem:s0], [sflag:$0x4], $0x80, $0x38;
	[tilespmem:$0xA280] =	vst v63  }
0x33d: {  	s16 =	sadd.s32 $0xA0, s1  }
0x33e: {  	[hbm4b:s16+s3] =	stream.linear.scatter [tilespmem:s18], [sflag:$0x4], $0x80, $0x38;
	[tilespmem:$0xA280] =	vst v63  }
0x33f: {  	s21 =	sadd.s32 $0xB0, s1  }
0x340: {  	[hbm4b:s21+s3] =	stream.linear.scatter [tilespmem:s23], [sflag:$0x4], $0x80, $0x38;
	[tilespmem:$0xA280] =	vst v63  }
0x341: {  	s24 =	sadd.s32 $0x1, s24;
	s22 =	sadd.s32 $0xC0, s1  }
0x342: {  	[hbm4b:s22+s3] =	stream.linear.scatter [tilespmem:s19], [sflag:$0x4], $0x80, $0x38;
	[tilespmem:$0xA280] =	vst v63  }
0x343: {  	p0 =	sne.s32 s24, $0xC;
	s26 =	sadd.s32 $0xD0, s1  }
0x344: {  	[hbm4b:s26+s3] =	stream.linear.scatter [tilespmem:s31], [sflag:$0x4], $0x80, $0x38;
	[tilespmem:$0xA280] =	vst v63  }
.Ltmp5:
0x345: {  	_ = 	snop;
	(pc) =	sbr.rel @p0 .LBB2_3-.Ltmp5, $4  }
0x346: {  	s28 =	sadd.s32 $0xE0, s1  }
0x347: {  	[hbm4b:s28+s3] =	stream.linear.scatter [tilespmem:s20], [sflag:$0x4], $0x80, $0x38;
	[tilespmem:$0xA280] =	vst v63  }
0x348: {  	s1 =	sadd.s32 $0xF0, s1;
	s30 =	simm.s32 $0xA200  }
0x349: {  	[hbm4b:s1+s3] =	stream.linear.scatter [tilespmem:s30], [sflag:$0x4], $0x80, $0x38;
	[tilespmem:$0xA280] =	vst v63  }
0x34a: {  	_ =	swait.ge [sflag:s25], $0x1000  }
0x34b: {  	[sflag:s25] =	ssyncset.done $0x0  }
0x34c: {  	s1 =	simm.s32 $0x0;
	s28 =	simm.s32 $0x3;
	[sflag:s25] =	ssyncadd.s32 $0xFFFFF000  }
0x34d: {  	s15 =	simm.s32 $0x0;
	s1 =	sand.u32 $0x7, s1;
	_ =	swait.ge [sflag:s28], $0x4000  }
0x34e: {  	s15 =	sand.u32 $0x3FFFF800, s15;
	s16 =	sshll.u32 s1, $0x8;
	[sflag:s28] =	ssyncset.done $0x0  }
0x34f: {  	s15 =	sor.u32 s16, s15;
	[sflag:s28] =	ssyncadd.s32 $0xFFFFC000  }
0x350: {  	v4 =	vld [tilespmem:s15+$0x2F0]  }
0x351: {  	v5 =	vld [tilespmem:s15+$0x280]  }
0x352: {  	v6 =	vld [tilespmem:s15+$0x290]  }
0x353: {  	v7 =	vld [tilespmem:s15+$0x2A0]  }
0x354: {  	v8 =	vld [tilespmem:s15+$0x2B0]  }
0x355: {  	v9 =	vld [tilespmem:s15+$0x2C0];
	v4 =	vshll.u32 v4, $0x6  }
0x356: {  	v10 =	vld [tilespmem:s15+$0x2D0];
	v5 =	vshll.u32 v5, $0x6;
	v11 =	vor.u32 v0, v4  }
0x357: {  	v13 =	vld [tilespmem:s15+$0x2E0];
	v6 =	vshll.u32 v6, $0x6;
	v12 =	vor.u32 v0, v5  }
0x358: {  	v7 =	vshll.u32 v7, $0x6;
	v14 =	vor.u32 v0, v6  }
0x359: {  	v8 =	vshll.u32 v8, $0x6;
	v15 =	vor.u32 v0, v7  }
0x35a: {  	v9 =	vshll.u32 v9, $0x6;
	v16 =	vor.u32 v0, v8  }
0x35b: {  	v10 =	vshll.u32 v10, $0x6;
	v17 =	vor.u32 v0, v9;
	v11 =	vld.idx.msk [tilespmem:v11+s3+$0x0], $0xffff  }
0x35c: {  	v13 =	vshll.u32 v13, $0x6;
	v18 =	vor.u32 v0, v10;
	v12 =	vld.idx.msk [tilespmem:v12+s3+$0x0], $0xffff  }
0x35d: {  	v20 =	vor.u32 v0, v13;
	v14 =	vld.idx.msk [tilespmem:v14+s3+$0x0], $0xffff  }
0x35e: {  	s22 =	simm.s32 $0x0;
	v19 =	vor.u32 v1, v4;
	v15 =	vld.idx.msk [tilespmem:v15+s3+$0x0], $0xffff  }
0x35f: {  	s1 =	sshll.u32 s1, $0xC;
	s15 =	sand.u32 $0x3FFFFC00, s22;
	v21 =	vor.u32 v1, v5;
	v16 =	vld.idx.msk [tilespmem:v16+s3+$0x0], $0xffff  }
0x360: {  	s1 =	sadd.s32 s15, s1;
	v22 =	vor.u32 v1, v6;
	v17 =	vld.idx.msk [tilespmem:v17+s3+$0x0], $0xffff  }
0x361: {  	v23 =	vor.u32 v1, v7;
	v18 =	vld.idx.msk [tilespmem:v18+s3+$0x0], $0xffff;
	[tilespmem:s1+$0x22F0] =	vst v11  }
0x362: {  	v24 =	vor.u32 v1, v9;
	[tilespmem:s1+$0x2280] =	vst v12;
	v12 =	vld.idx.msk [tilespmem:v20+s3+$0x0], $0xffff  }
0x363: {  	v11 =	vor.u32 v1, v8;
	[tilespmem:s1+$0x2290] =	vst v14;
	v19 =	vld.idx.msk [tilespmem:v19+s3+$0x0], $0xffff  }
0x364: {  	v52 =	vor.u32 v1, v10;
	[tilespmem:s1+$0x22A0] =	vst v15;
	v14 =	vld.idx.msk [tilespmem:v21+s3+$0x0], $0xffff  }
0x365: {  	v53 =	vor.u32 v1, v13;
	[tilespmem:s1+$0x22B0] =	vst v16;
	v15 =	vld.idx.msk [tilespmem:v22+s3+$0x0], $0xffff  }
0x366: {  	v20 =	vor.u32 v2, v4;
	[tilespmem:s1+$0x22C0] =	vst v17;
	v16 =	vld.idx.msk [tilespmem:v23+s3+$0x0], $0xffff  }
0x367: {  	v17 =	vor.u32 v2, v6;
	[tilespmem:s1+$0x22D0] =	vst v18;
	v24 =	vld.idx.msk [tilespmem:v24+s3+$0x0], $0xffff  }
0x368: {  	v54 =	vor.u32 v2, v5;
	v11 =	vld.idx.msk [tilespmem:v11+s3+$0x0], $0xffff;
	[tilespmem:s1+$0x22E0] =	vst v12  }
0x369: {  	v12 =	vld.idx.msk [tilespmem:v52+s3+$0x0], $0xffff;
	[tilespmem:s1+$0x23F0] =	vst v19;
	v19 =	vor.u32 v2, v7  }
0x36a: {  	v56 =	vor.u32 v2, v10;
	[tilespmem:s1+$0x2380] =	vst v14;
	v14 =	vld.idx.msk [tilespmem:v53+s3+$0x0], $0xffff  }
0x36b: {  	[tilespmem:s1+$0x2390] =	vst v15;
	v18 =	vld.idx.msk [tilespmem:v20+s3+$0x0], $0xffff;
	v20 =	vor.u32 v2, v8  }
0x36c: {  	[tilespmem:s1+$0x23A0] =	vst v16;
	v16 =	vld.idx.msk [tilespmem:v17+s3+$0x0], $0xffff;
	v17 =	vor.u32 v2, v13  }
0x36d: {  	v15 =	vld.idx.msk [tilespmem:v54+s3+$0x0], $0xffff;
	[tilespmem:s1+$0x23B0] =	vst v11  }
0x36e: {  	s21 =	simm.s32 $0x1;
	[tilespmem:s1+$0x23D0] =	vst v12;
	v11 =	vld.idx.msk [tilespmem:v19+s3+$0x0], $0xffff  }
0x36f: {  	s26 =	simm.s32 $0x100;
	s24 =	sand.u32 $0x7, s21;
	v4 =	vor.u32 v3, v4;
	v12 =	vld.idx.msk [tilespmem:v56+s3+$0x0], $0xffff  }
0x370: {  	s16 =	sand.u32 $0x3FFFF800, s26;
	s22 =	sshll.u32 s24, $0x8;
	v55 =	vor.u32 v2, v9;
	[tilespmem:s1+$0x23E0] =	vst v14;
	v19 =	vld.idx.msk [tilespmem:v20+s3+$0x0], $0xffff  }
0x371: {  	s16 =	sor.u32 s22, s16;
	v5 =	vor.u32 v3, v5;
	v14 =	vld.idx.msk [tilespmem:v17+s3+$0x0], $0xffff  }
0x372: {  	v17 =	vld [tilespmem:s16+$0x2A0]  }
0x373: {  	v6 =	vor.u32 v3, v6;
	[tilespmem:s1+$0x24F0] =	vst v18;
	v20 =	vld [tilespmem:s16+$0x2C0]  }
0x374: {  	[tilespmem:s1+$0x23C0] =	vst v24;
	v18 =	vld.idx.msk [tilespmem:v4+s3+$0x0], $0xffff  }
0x375: {  	[tilespmem:s1+$0x2480] =	vst v15;
	v4 =	vor.u32 v3, v7;
	v7 =	vld.idx.msk [tilespmem:v55+s3+$0x0], $0xffff  }
0x376: {  	v15 =	vld.idx.msk [tilespmem:v5+s3+$0x0], $0xffff  }
0x377: {  	[tilespmem:s1+$0x2490] =	vst v16;
	v5 =	vld [tilespmem:s16+$0x280]  }
0x378: {  	[tilespmem:s1+$0x24A0] =	vst v11;
	v11 =	vld.idx.msk [tilespmem:v6+s3+$0x0], $0xffff  }
0x379: {  	v6 =	vld [tilespmem:s16+$0x290]  }
0x37a: {  	v13 =	vor.u32 v3, v13;
	[tilespmem:s1+$0x24B0] =	vst v19;
	v19 =	vld [tilespmem:s16+$0x2B0]  }
0x37b: {  	v8 =	vor.u32 v3, v8;
	v16 =	vld.idx.msk [tilespmem:v4+s3+$0x0], $0xffff  }
0x37c: {  	v9 =	vor.u32 v3, v9;
	v4 =	vld [tilespmem:s16+$0x2F0]  }
0x37d: {  	v59 =	vld [tilespmem:s16+$0x2D0];
	v10 =	vor.u32 v3, v10;
	[tilespmem:s1+$0x24E0] =	vst v14;
	v58 =	vshll.u32 v5, $0x6  }
0x37e: {  	v26 =	vld [tilespmem:s16+$0x2E0];
	v20 =	vshll.u32 v20, $0x6;
	[tilespmem:s1+$0x24C0] =	vst v7;
	v7 =	vor.u32 v0, v58  }
0x37f: {  	v25 =	vshll.u32 v6, $0x6;
	v6 =	vld.idx.msk [tilespmem:v13+s3+$0x0], $0xffff;
	v13 =	vor.u32 v0, v20  }
0x380: {  	[tilespmem:s1+$0x24D0] =	vst v12;
	v27 =	vshll.u32 v17, $0x6;
	v8 =	vld.idx.msk [tilespmem:v8+s3+$0x0], $0xffff;
	v12 =	vor.u32 v0, v25  }
0x381: {  	v19 =	vshll.u32 v19, $0x6;
	v57 =	vshll.u32 v4, $0x6;
	v4 =	vld.idx.msk [tilespmem:v9+s3+$0x0], $0xffff;
	v9 =	vor.u32 v0, v27  }
0x382: {  	v5 =	vld.idx.msk [tilespmem:v10+s3+$0x0], $0xffff;
	v10 =	vor.u32 v0, v19  }
0x383: {  	v23 =	vshll.u32 v59, $0x6;
	[tilespmem:s1+$0x25F0] =	vst v18;
	v60 =	vor.u32 v0, v57;
	v7 =	vld.idx.msk [tilespmem:v7+s3+$0x0], $0xffff  }
0x384: {  	v61 =	vshll.u32 v26, $0x6;
	v17 =	vor.u32 v0, v23;
	[tilespmem:s1+$0x2580] =	vst v15;
	v13 =	vld.idx.msk [tilespmem:v13+s3+$0x0], $0xffff  }
0x385: {  	s30 =	simm.s32 $0x80;
	[tilespmem:s1+$0x2590] =	vst v11;
	v11 =	vor.u32 v0, v61;
	v12 =	vld.idx.msk [tilespmem:v12+s3+$0x0], $0xffff  }
0x386: {  	s15 =	sshll.u32 s24, $0xC;
	s16 =	sand.u32 $0x3FFFFC00, s30;
	[tilespmem:s1+$0x25A0] =	vst v16;
	v16 =	vor.u32 v1, v58;
	v9 =	vld.idx.msk [tilespmem:v9+s3+$0x0], $0xffff  }
0x387: {  	s15 =	sadd.s32 s16, s15;
	[tilespmem:s1+$0x25B0] =	vst v8;
	v8 =	vor.u32 v1, v25;
	v10 =	vld.idx.msk [tilespmem:v10+s3+$0x0], $0xffff  }
0x388: {  	v18 =	vor.u32 v1, v27;
	v14 =	vld.idx.msk [tilespmem:v60+s3+$0x0], $0xffff;
	[tilespmem:s15+$0x2280] =	vst v7  }
0x389: {  	v17 =	vld.idx.msk [tilespmem:v17+s3+$0x0], $0xffff;
	v15 =	vor.u32 v1, v57;
	[tilespmem:s15+$0x22C0] =	vst v13  }
0x38a: {  	v11 =	vld.idx.msk [tilespmem:v11+s3+$0x0], $0xffff;
	[tilespmem:s15+$0x2290] =	vst v12  }
0x38b: {  	v12 =	vld.idx.msk [tilespmem:v16+s3+$0x0], $0xffff;
	v16 =	vor.u32 v1, v23;
	[tilespmem:s15+$0x22A0] =	vst v9  }
0x38c: {  	v8 =	vld.idx.msk [tilespmem:v8+s3+$0x0], $0xffff;
	[tilespmem:s15+$0x22B0] =	vst v10;
	v10 =	vor.u32 v1, v61  }
0x38d: {  	v13 =	vor.u32 v2, v58;
	[tilespmem:s15+$0x22F0] =	vst v14;
	v18 =	vld.idx.msk [tilespmem:v18+s3+$0x0], $0xffff  }
0x38e: {  	[tilespmem:s15+$0x22D0] =	vst v17;
	v14 =	vor.u32 v1, v19;
	v7 =	vld.idx.msk [tilespmem:v15+s3+$0x0], $0xffff  }
0x38f: {  	[tilespmem:s15+$0x22E0] =	vst v11;
	v9 =	vor.u32 v2, v57  }
0x390: {  	v15 =	vor.u32 v1, v20;
	[tilespmem:s15+$0x2380] =	vst v12;
	v12 =	vld.idx.msk [tilespmem:v16+s3+$0x0], $0xffff  }
0x391: {  	v17 =	vor.u32 v2, v25;
	[tilespmem:s15+$0x2390] =	vst v8;
	v8 =	vld.idx.msk [tilespmem:v10+s3+$0x0], $0xffff  }
0x392: {  	v63 =	vld.idx.msk [tilespmem:v13+s3+$0x0], $0xffff;
	[tilespmem:s15+$0x23A0] =	vst v18;
	v18 =	vor.u32 v2, v23  }
0x393: {  	v14 =	vld.idx.msk [tilespmem:v14+s3+$0x0], $0xffff;
	[tilespmem:s15+$0x23F0] =	vst v7;
	v7 =	vor.u32 v2, v27  }
0x394: {  	v11 =	vor.u32 v2, v19;
	v9 =	vld.idx.msk [tilespmem:v9+s3+$0x0], $0xffff  }
0x395: {  	v10 =	vor.u32 v3, v57;
	v15 =	vld.idx.msk [tilespmem:v15+s3+$0x0], $0xffff  }
0x396: {  	v62 =	vor.u32 v2, v20;
	v28 =	vld.idx.msk [tilespmem:v17+s3+$0x0], $0xffff;
	[tilespmem:s15+$0x23D0] =	vst v12  }
0x397: {  	v29 =	vor.u32 v2, v61;
	[tilespmem:s15+$0x23E0] =	vst v8;
	v18 =	vld.idx.msk [tilespmem:v18+s3+$0x0], $0xffff  }
0x398: {  	v13 =	vor.u32 v3, v58;
	[tilespmem:s15+$0x23B0] =	vst v14;
	v17 =	vld.idx.msk [tilespmem:v7+s3+$0x0], $0xffff  }
0x399: {  	v12 =	vor.u32 v3, v25;
	v14 =	vld.idx.msk [tilespmem:v11+s3+$0x0], $0xffff;
	[tilespmem:s15+$0x24F0] =	vst v9  }
0x39a: {  	[tilespmem:s15+$0x23C0] =	vst v15;
	v11 =	vor.u32 v3, v27;
	v16 =	vld.idx.msk [tilespmem:v10+s3+$0x0], $0xffff  }
0x39b: {  	[tilespmem:s15+$0x2480] =	vst v63;
	v8 =	vor.u32 v3, v23;
	v15 =	vld.idx.msk [tilespmem:v62+s3+$0x0], $0xffff;
	v10 =	vor.u32 v3, v19  }
0x39c: {  	s22 =	simm.s32 $0x8;
	[tilespmem:s15+$0x2490] =	vst v28;
	v7 =	vor.u32 v3, v61;
	v9 =	vor.u32 v3, v20;
	v19 =	vld.idx.msk [tilespmem:v29+s3+$0x0], $0xffff  }
.LBB2_13:
0x39d: {  	s22 =	sadd.s32 $0x8, s22;
	v13 =	vld.idx.msk [tilespmem:v13+s3+$0x0], $0xffff;
	[tilespmem:s15+$0x24A0] =	vst v17;
	s21 =	sadd.s32 $0x1, s21  }
0x39e: {  	s24 =	sand.u32 $0x7, s21;
	s16 =	sshll.u32 s22, $0x5;
	p0 =	slt.u32 s22, $0xF8;
	v12 =	vld.idx.msk [tilespmem:v12+s3+$0x0], $0xffff;
	[tilespmem:s15+$0x24B0] =	vst v14  }
0x39f: {  	s16 =	sand.u32 $0x3FFFF800, s16;
	s26 =	sshll.u32 s24, $0x8;
	v11 =	vld.idx.msk [tilespmem:v11+s3+$0x0], $0xffff;
	[tilespmem:s15+$0x25F0] =	vst v16  }
0x3a0: {  	s16 =	sor.u32 s26, s16;
	v10 =	vld.idx.msk [tilespmem:v10+s3+$0x0], $0xffff;
	[tilespmem:s15+$0x24C0] =	vst v15  }
0x3a1: {  	v14 =	vld [tilespmem:s16+$0x2F0];
	[tilespmem:s15+$0x24D0] =	vst v18  }
0x3a2: {  	v15 =	vld [tilespmem:s16+$0x280];
	[tilespmem:s15+$0x24E0] =	vst v19  }
0x3a3: {  	v16 =	vld [tilespmem:s16+$0x290];
	[tilespmem:s15+$0x2580] =	vst v13  }
0x3a4: {  	v13 =	vld [tilespmem:s16+$0x2A0];
	[tilespmem:s15+$0x2590] =	vst v12  }
0x3a5: {  	v12 =	vld [tilespmem:s16+$0x2B0];
	[tilespmem:s15+$0x25A0] =	vst v11  }
0x3a6: {  	v11 =	vld [tilespmem:s16+$0x2C0];
	v14 =	vshll.u32 v14, $0x6;
	[tilespmem:s15+$0x25B0] =	vst v10  }
0x3a7: {  	v10 =	vshll.u32 v15, $0x6;
	v15 =	vld [tilespmem:s16+$0x2D0];
	v17 =	vor.u32 v0, v14;
	[tilespmem:s1+$0x25C0] =	vst v4  }
0x3a8: {  	v18 =	vor.u32 v0, v10;
	v19 =	vor.u32 v1, v10;
	v16 =	vshll.u32 v16, $0x6;
	v20 =	vld [tilespmem:s16+$0x2E0];
	[tilespmem:s1+$0x25D0] =	vst v5  }
0x3a9: {  	v21 =	vor.u32 v0, v16;
	v22 =	vor.u32 v1, v16;
	v23 =	vshll.u32 v13, $0x6;
	v4 =	vld.idx.msk [tilespmem:v9+s3+$0x0], $0xffff;
	[tilespmem:s1+$0x25E0] =	vst v6;
	s1 =	smov.u32 s15  }
0x3aa: {  	v9 =	vor.u32 v0, v23;
	v24 =	vor.u32 v1, v23;
	v25 =	vshll.u32 v12, $0x6;
	v5 =	vld.idx.msk [tilespmem:v8+s3+$0x0], $0xffff  }
0x3ab: {  	v8 =	vor.u32 v0, v25;
	v26 =	vor.u32 v1, v25;
	v27 =	vshll.u32 v11, $0x6;
	v6 =	vld.idx.msk [tilespmem:v7+s3+$0x0], $0xffff  }
0x3ac: {  	v7 =	vor.u32 v0, v27;
	v28 =	vor.u32 v1, v27;
	v15 =	vshll.u32 v15, $0x6;
	v17 =	vld.idx.msk [tilespmem:v17+s3+$0x0], $0xffff  }
0x3ad: {  	v18 =	vld.idx.msk [tilespmem:v18+s3+$0x0], $0xffff;
	v29 =	vor.u32 v0, v15;
	v30 =	vor.u32 v1, v15;
	v20 =	vshll.u32 v20, $0x6  }
0x3ae: {  	v33 =	vor.u32 v1, v14;
	v21 =	vld.idx.msk [tilespmem:v21+s3+$0x0], $0xffff;
	v31 =	vor.u32 v0, v20;
	v32 =	vor.u32 v1, v20  }
0x3af: {  	v34 =	vor.u32 v2, v10;
	s15 =	sshll.u32 s22, $0x4;
	v35 =	vor.u32 v2, v16;
	v37 =	vor.u32 v2, v23;
	v36 =	vld.idx.msk [tilespmem:v9+s3+$0x0], $0xffff  }
0x3b0: {  	s16 =	sshll.u32 s24, $0xC;
	s15 =	sand.u32 $0x3FFFFC00, s15;
	v39 =	vor.u32 v2, v25;
	v40 =	vor.u32 v2, v27;
	v41 =	vor.u32 v2, v15;
	v38 =	vld.idx.msk [tilespmem:v8+s3+$0x0], $0xffff  }
0x3b1: {  	v13 =	vor.u32 v3, v10;
	v12 =	vor.u32 v3, v16;
	s15 =	sadd.s32 s15, s16;
	v42 =	vor.u32 v2, v20;
	v16 =	vld.idx.msk [tilespmem:v7+s3+$0x0], $0xffff  }
0x3b2: {  	v11 =	vor.u32 v3, v23;
	v10 =	vor.u32 v3, v25;
	v23 =	vld.idx.msk [tilespmem:v29+s3+$0x0], $0xffff;
	[tilespmem:s15+$0x22F0] =	vst v17  }
0x3b3: {  	v9 =	vor.u32 v3, v27;
	v8 =	vor.u32 v3, v15;
	[tilespmem:s15+$0x2280] =	vst v18;
	v15 =	vld.idx.msk [tilespmem:v33+s3+$0x0], $0xffff  }
0x3b4: {  	v7 =	vor.u32 v3, v20;
	[tilespmem:s15+$0x2290] =	vst v21;
	v17 =	vld.idx.msk [tilespmem:v31+s3+$0x0], $0xffff  }
0x3b5: {  	v18 =	vld.idx.msk [tilespmem:v19+s3+$0x0], $0xffff;
	[tilespmem:s15+$0x22A0] =	vst v36;
	v19 =	vor.u32 v2, v14  }
0x3b6: {  	v20 =	vld.idx.msk [tilespmem:v22+s3+$0x0], $0xffff;
	[tilespmem:s15+$0x22B0] =	vst v38  }
0x3b7: {  	v21 =	vld.idx.msk [tilespmem:v24+s3+$0x0], $0xffff;
	[tilespmem:s15+$0x22C0] =	vst v16  }
0x3b8: {  	v16 =	vld.idx.msk [tilespmem:v26+s3+$0x0], $0xffff;
	[tilespmem:s15+$0x22D0] =	vst v23  }
0x3b9: {  	v22 =	vld.idx.msk [tilespmem:v28+s3+$0x0], $0xffff;
	[tilespmem:s15+$0x23F0] =	vst v15  }
0x3ba: {  	[tilespmem:s15+$0x22E0] =	vst v17;
	v15 =	vld.idx.msk [tilespmem:v19+s3+$0x0], $0xffff  }
0x3bb: {  	[tilespmem:s15+$0x2380] =	vst v18;
	v18 =	vld.idx.msk [tilespmem:v30+s3+$0x0], $0xffff  }
0x3bc: {  	[tilespmem:s15+$0x2390] =	vst v20;
	v19 =	vld.idx.msk [tilespmem:v32+s3+$0x0], $0xffff;
	v20 =	vor.u32 v3, v14  }
0x3bd: {  	v23 =	vld.idx.msk [tilespmem:v34+s3+$0x0], $0xffff;
	[tilespmem:s15+$0x23A0] =	vst v21  }
0x3be: {  	v21 =	vld.idx.msk [tilespmem:v35+s3+$0x0], $0xffff;
	[tilespmem:s15+$0x23B0] =	vst v16  }
0x3bf: {  	v17 =	vld.idx.msk [tilespmem:v37+s3+$0x0], $0xffff;
	[tilespmem:s15+$0x23C0] =	vst v22  }
.Ltmp6:
0x3c0: {  	v14 =	vld.idx.msk [tilespmem:v39+s3+$0x0], $0xffff;
	[tilespmem:s15+$0x24F0] =	vst v15;
	(pc) =	sbr.rel @p0 .LBB2_13-.Ltmp6, $4  }
0x3c1: {  	[tilespmem:s15+$0x23D0] =	vst v18;
	v16 =	vld.idx.msk [tilespmem:v20+s3+$0x0], $0xffff  }
0x3c2: {  	v15 =	vld.idx.msk [tilespmem:v40+s3+$0x0], $0xffff;
	[tilespmem:s15+$0x23E0] =	vst v19  }
0x3c3: {  	[tilespmem:s15+$0x2480] =	vst v23;
	v18 =	vld.idx.msk [tilespmem:v41+s3+$0x0], $0xffff  }
0x3c4: {  	[tilespmem:s15+$0x2490] =	vst v21;
	v19 =	vld.idx.msk [tilespmem:v42+s3+$0x0], $0xffff  }
0x3c5: {  	[tilespmem:s1+$0x25C0] =	vst v4  }
0x3c6: {  	[tilespmem:s1+$0x25D0] =	vst v5  }
0x3c7: {  	[tilespmem:s1+$0x25E0] =	vst v6  }
0x3c8: {  	[tilespmem:s15+$0x24A0] =	vst v17  }
0x3c9: {  	v4 =	vld.idx.msk [tilespmem:v13+s3+$0x0], $0xffff;
	[tilespmem:s15+$0x24B0] =	vst v14  }
0x3ca: {  	v5 =	vld.idx.msk [tilespmem:v12+s3+$0x0], $0xffff;
	[tilespmem:s15+$0x25F0] =	vst v16  }
0x3cb: {  	v63 =	vld.idx.msk [tilespmem:v11+s3+$0x0], $0xffff;
	[tilespmem:s15+$0x24C0] =	vst v15  }
0x3cc: {  	v10 =	vld.idx.msk [tilespmem:v10+s3+$0x0], $0xffff;
	[tilespmem:s15+$0x24D0] =	vst v18  }
0x3cd: {  	v9 =	vld.idx.msk [tilespmem:v9+s3+$0x0], $0xffff;
	[tilespmem:s15+$0x24E0] =	vst v19  }
0x3ce: {  	[tilespmem:s15+$0x2580] =	vst v4;
	v4 =	vld.idx.msk [tilespmem:v8+s3+$0x0], $0xffff  }
0x3cf: {  	[tilespmem:s15+$0x2590] =	vst v5;
	v5 =	vld.idx.msk [tilespmem:v7+s3+$0x0], $0xffff  }
0x3d0: {  	[tilespmem:s15+$0x25A0] =	vst v63  }
0x3d1: {  	[tilespmem:s15+$0x25B0] =	vst v10  }
0x3d2: {  	[tilespmem:s15+$0x25C0] =	vst v9  }
0x3d3: {  	[tilespmem:s15+$0x25D0] =	vst v4  }
0x3d4: {  	[tilespmem:s15+$0x25E0] =	vst v5  }
0x3d5: {  	s22 =	simm.s32 $0x2280;
	s15 =	rddreg [dreg:$0x5]  }
0x3d6: {  	[hbm4b:s15+s3] =	stream.linear.scatter [tilespmem:s22], [sflag:$0x3], $0x80, $0x38;
	[tilespmem:$0xA280] =	vst v63  }
0x3d7: {  	s16 =	simm.s32 $0x2380;
	s24 =	sadd.s32 $0x10, s15  }
0x3d8: {  	[hbm4b:s24+s3] =	stream.linear.scatter [tilespmem:s16], [sflag:$0x3], $0x80, $0x38;
	[tilespmem:$0xA280] =	vst v63  }
0x3d9: {  	s30 =	simm.s32 $0x2480;
	s26 =	sadd.s32 $0x20, s15  }
0x3da: {  	[hbm4b:s26+s3] =	stream.linear.scatter [tilespmem:s30], [sflag:$0x3], $0x80, $0x38;
	[tilespmem:$0xA280] =	vst v63  }
0x3db: {  	s21 =	simm.s32 $0x2580;
	s16 =	sadd.s32 $0x30, s15  }
0x3dc: {  	[hbm4b:s16+s3] =	stream.linear.scatter [tilespmem:s21], [sflag:$0x3], $0x80, $0x38;
	[tilespmem:$0xA280] =	vst v63  }
0x3dd: {  	s22 =	sadd.s32 $0x40, s15;
	s24 =	simm.s32 $0x2680  }
0x3de: {  	[hbm4b:s22+s3] =	stream.linear.scatter [tilespmem:s24], [sflag:$0x3], $0x80, $0x38;
	[tilespmem:$0xA280] =	vst v63  }
0x3df: {  	s26 =	sadd.s32 $0x50, s15;
	s30 =	simm.s32 $0x2780  }
0x3e0: {  	[hbm4b:s26+s3] =	stream.linear.scatter [tilespmem:s30], [sflag:$0x3], $0x80, $0x38;
	[tilespmem:$0xA280] =	vst v63  }
0x3e1: {  	s16 =	sadd.s32 $0x60, s15;
	s21 =	simm.s32 $0x2880  }
0x3e2: {  	[hbm4b:s16+s3] =	stream.linear.scatter [tilespmem:s21], [sflag:$0x3], $0x80, $0x38;
	[tilespmem:$0xA280] =	vst v63  }
0x3e3: {  	s22 =	sadd.s32 $0x70, s15;
	s24 =	simm.s32 $0x2980  }
0x3e4: {  	[hbm4b:s22+s3] =	stream.linear.scatter [tilespmem:s24], [sflag:$0x3], $0x80, $0x38;
	[tilespmem:$0xA280] =	vst v63  }
0x3e5: {  	s26 =	sadd.s32 $0x80, s15;
	s30 =	simm.s32 $0x2A80  }
0x3e6: {  	[hbm4b:s26+s3] =	stream.linear.scatter [tilespmem:s30], [sflag:$0x3], $0x80, $0x38;
	[tilespmem:$0xA280] =	vst v63  }
0x3e7: {  	s16 =	sadd.s32 $0x90, s15;
	s21 =	simm.s32 $0x2B80  }
0x3e8: {  	[hbm4b:s16+s3] =	stream.linear.scatter [tilespmem:s21], [sflag:$0x3], $0x80, $0x38;
	[tilespmem:$0xA280] =	vst v63  }
0x3e9: {  	s22 =	sadd.s32 $0xA0, s15;
	s24 =	simm.s32 $0x2C80  }
0x3ea: {  	[hbm4b:s22+s3] =	stream.linear.scatter [tilespmem:s24], [sflag:$0x3], $0x80, $0x38;
	[tilespmem:$0xA280] =	vst v63  }
0x3eb: {  	s26 =	sadd.s32 $0xB0, s15;
	s30 =	simm.s32 $0x2D80  }
0x3ec: {  	[hbm4b:s26+s3] =	stream.linear.scatter [tilespmem:s30], [sflag:$0x3], $0x80, $0x38;
	[tilespmem:$0xA280] =	vst v63  }
0x3ed: {  	s16 =	sadd.s32 $0xC0, s15;
	s21 =	simm.s32 $0x2E80  }
0x3ee: {  	[hbm4b:s16+s3] =	stream.linear.scatter [tilespmem:s21], [sflag:$0x3], $0x80, $0x38;
	[tilespmem:$0xA280] =	vst v63  }
0x3ef: {  	s22 =	sadd.s32 $0xD0, s15;
	s24 =	simm.s32 $0x2F80  }
0x3f0: {  	[hbm4b:s22+s3] =	stream.linear.scatter [tilespmem:s24], [sflag:$0x3], $0x80, $0x38;
	[tilespmem:$0xA280] =	vst v63  }
0x3f1: {  	s26 =	sadd.s32 $0xE0, s15;
	s30 =	simm.s32 $0x3080  }
0x3f2: {  	[hbm4b:s26+s3] =	stream.linear.scatter [tilespmem:s30], [sflag:$0x3], $0x80, $0x38;
	[tilespmem:$0xA280] =	vst v63  }
0x3f3: {  	s15 =	sadd.s32 $0xF0, s15;
	s16 =	simm.s32 $0x3180  }
0x3f4: {  	[hbm4b:s15+s3] =	stream.linear.scatter [tilespmem:s16], [sflag:$0x3], $0x80, $0x38;
	[tilespmem:$0xA280] =	vst v63  }
0x3f5: {  	s21 =	simm.s32 $0x3280;
	s15 =	rddreg [dreg:$0x6]  }
0x3f6: {  	[hbm4b:s15+s3] =	stream.linear.scatter [tilespmem:s21], [sflag:$0x3], $0x80, $0x38;
	[tilespmem:$0xA280] =	vst v63  }
0x3f7: {  	s24 =	simm.s32 $0x3380;
	s22 =	sadd.s32 $0x10, s15  }
0x3f8: {  	[hbm4b:s22+s3] =	stream.linear.scatter [tilespmem:s24], [sflag:$0x3], $0x80, $0x38;
	[tilespmem:$0xA280] =	vst v63  }
0x3f9: {  	s30 =	simm.s32 $0x3480;
	s26 =	sadd.s32 $0x20, s15  }
0x3fa: {  	[hbm4b:s26+s3] =	stream.linear.scatter [tilespmem:s30], [sflag:$0x3], $0x80, $0x38;
	[tilespmem:$0xA280] =	vst v63  }
0x3fb: {  	s16 =	sadd.s32 $0x30, s15;
	s21 =	simm.s32 $0x3580  }
0x3fc: {  	[hbm4b:s16+s3] =	stream.linear.scatter [tilespmem:s21], [sflag:$0x3], $0x80, $0x38;
	[tilespmem:$0xA280] =	vst v63  }
0x3fd: {  	s22 =	sadd.s32 $0x40, s15;
	s24 =	simm.s32 $0x3680  }
0x3fe: {  	[hbm4b:s22+s3] =	stream.linear.scatter [tilespmem:s24], [sflag:$0x3], $0x80, $0x38;
	[tilespmem:$0xA280] =	vst v63  }
0x3ff: {  	s26 =	sadd.s32 $0x50, s15;
	s30 =	simm.s32 $0x3780  }
0x400: {  	[hbm4b:s26+s3] =	stream.linear.scatter [tilespmem:s30], [sflag:$0x3], $0x80, $0x38;
	[tilespmem:$0xA280] =	vst v63  }
0x401: {  	s16 =	sadd.s32 $0x60, s15;
	s21 =	simm.s32 $0x3880  }
0x402: {  	[hbm4b:s16+s3] =	stream.linear.scatter [tilespmem:s21], [sflag:$0x3], $0x80, $0x38;
	[tilespmem:$0xA280] =	vst v63  }
0x403: {  	s22 =	sadd.s32 $0x70, s15;
	s24 =	simm.s32 $0x3980  }
0x404: {  	[hbm4b:s22+s3] =	stream.linear.scatter [tilespmem:s24], [sflag:$0x3], $0x80, $0x38;
	[tilespmem:$0xA280] =	vst v63  }
0x405: {  	s26 =	sadd.s32 $0x80, s15;
	s30 =	simm.s32 $0x3A80  }
0x406: {  	[hbm4b:s26+s3] =	stream.linear.scatter [tilespmem:s30], [sflag:$0x3], $0x80, $0x38;
	[tilespmem:$0xA280] =	vst v63  }
0x407: {  	s16 =	sadd.s32 $0x90, s15;
	s21 =	simm.s32 $0x3B80  }
0x408: {  	[hbm4b:s16+s3] =	stream.linear.scatter [tilespmem:s21], [sflag:$0x3], $0x80, $0x38;
	[tilespmem:$0xA280] =	vst v63  }
0x409: {  	s22 =	sadd.s32 $0xA0, s15;
	s24 =	simm.s32 $0x3C80  }
0x40a: {  	[hbm4b:s22+s3] =	stream.linear.scatter [tilespmem:s24], [sflag:$0x3], $0x80, $0x38;
	[tilespmem:$0xA280] =	vst v63  }
0x40b: {  	s26 =	sadd.s32 $0xB0, s15;
	s30 =	simm.s32 $0x3D80  }
0x40c: {  	[hbm4b:s26+s3] =	stream.linear.scatter [tilespmem:s30], [sflag:$0x3], $0x80, $0x38;
	[tilespmem:$0xA280] =	vst v63  }
0x40d: {  	s16 =	sadd.s32 $0xC0, s15;
	s21 =	simm.s32 $0x3E80  }
0x40e: {  	[hbm4b:s16+s3] =	stream.linear.scatter [tilespmem:s21], [sflag:$0x3], $0x80, $0x38;
	[tilespmem:$0xA280] =	vst v63  }
0x40f: {  	s22 =	sadd.s32 $0xD0, s15;
	s24 =	simm.s32 $0x3F80  }
0x410: {  	[hbm4b:s22+s3] =	stream.linear.scatter [tilespmem:s24], [sflag:$0x3], $0x80, $0x38;
	[tilespmem:$0xA280] =	vst v63  }
0x411: {  	s26 =	sadd.s32 $0xE0, s15;
	s30 =	simm.s32 $0x4080  }
0x412: {  	[hbm4b:s26+s3] =	stream.linear.scatter [tilespmem:s30], [sflag:$0x3], $0x80, $0x38;
	[tilespmem:$0xA280] =	vst v63  }
0x413: {  	s15 =	sadd.s32 $0xF0, s15;
	s16 =	simm.s32 $0x4180  }
0x414: {  	[hbm4b:s15+s3] =	stream.linear.scatter [tilespmem:s16], [sflag:$0x3], $0x80, $0x38;
	[tilespmem:$0xA280] =	vst v63  }
0x415: {  	s21 =	simm.s32 $0x4280;
	s15 =	rddreg [dreg:$0x7]  }
0x416: {  	[hbm4b:s15+s3] =	stream.linear.scatter [tilespmem:s21], [sflag:$0x3], $0x80, $0x38;
	[tilespmem:$0xA280] =	vst v63  }
0x417: {  	s24 =	simm.s32 $0x4380;
	s22 =	sadd.s32 $0x10, s15  }
0x418: {  	[hbm4b:s22+s3] =	stream.linear.scatter [tilespmem:s24], [sflag:$0x3], $0x80, $0x38;
	[tilespmem:$0xA280] =	vst v63  }
0x419: {  	s30 =	simm.s32 $0x4480;
	s26 =	sadd.s32 $0x20, s15  }
0x41a: {  	[hbm4b:s26+s3] =	stream.linear.scatter [tilespmem:s30], [sflag:$0x3], $0x80, $0x38;
	[tilespmem:$0xA280] =	vst v63  }
0x41b: {  	s16 =	sadd.s32 $0x30, s15;
	s21 =	simm.s32 $0x4580  }
0x41c: {  	[hbm4b:s16+s3] =	stream.linear.scatter [tilespmem:s21], [sflag:$0x3], $0x80, $0x38;
	[tilespmem:$0xA280] =	vst v63  }
0x41d: {  	s22 =	sadd.s32 $0x40, s15;
	s24 =	simm.s32 $0x4680  }
0x41e: {  	[hbm4b:s22+s3] =	stream.linear.scatter [tilespmem:s24], [sflag:$0x3], $0x80, $0x38;
	[tilespmem:$0xA280] =	vst v63  }
0x41f: {  	s26 =	sadd.s32 $0x50, s15;
	s30 =	simm.s32 $0x4780  }
0x420: {  	[hbm4b:s26+s3] =	stream.linear.scatter [tilespmem:s30], [sflag:$0x3], $0x80, $0x38;
	[tilespmem:$0xA280] =	vst v63  }
0x421: {  	s16 =	sadd.s32 $0x60, s15;
	s21 =	simm.s32 $0x4880  }
0x422: {  	[hbm4b:s16+s3] =	stream.linear.scatter [tilespmem:s21], [sflag:$0x3], $0x80, $0x38;
	[tilespmem:$0xA280] =	vst v63  }
0x423: {  	s22 =	sadd.s32 $0x70, s15;
	s24 =	simm.s32 $0x4980  }
0x424: {  	[hbm4b:s22+s3] =	stream.linear.scatter [tilespmem:s24], [sflag:$0x3], $0x80, $0x38;
	[tilespmem:$0xA280] =	vst v63  }
0x425: {  	s26 =	sadd.s32 $0x80, s15;
	s30 =	simm.s32 $0x4A80  }
0x426: {  	[hbm4b:s26+s3] =	stream.linear.scatter [tilespmem:s30], [sflag:$0x3], $0x80, $0x38;
	[tilespmem:$0xA280] =	vst v63  }
0x427: {  	s16 =	sadd.s32 $0x90, s15;
	s21 =	simm.s32 $0x4B80  }
0x428: {  	[hbm4b:s16+s3] =	stream.linear.scatter [tilespmem:s21], [sflag:$0x3], $0x80, $0x38;
	[tilespmem:$0xA280] =	vst v63  }
0x429: {  	s22 =	sadd.s32 $0xA0, s15;
	s24 =	simm.s32 $0x4C80  }
0x42a: {  	[hbm4b:s22+s3] =	stream.linear.scatter [tilespmem:s24], [sflag:$0x3], $0x80, $0x38;
	[tilespmem:$0xA280] =	vst v63  }
0x42b: {  	s26 =	sadd.s32 $0xB0, s15;
	s30 =	simm.s32 $0x4D80  }
0x42c: {  	[hbm4b:s26+s3] =	stream.linear.scatter [tilespmem:s30], [sflag:$0x3], $0x80, $0x38;
	[tilespmem:$0xA280] =	vst v63  }
0x42d: {  	s16 =	sadd.s32 $0xC0, s15;
	s21 =	simm.s32 $0x4E80  }
0x42e: {  	[hbm4b:s16+s3] =	stream.linear.scatter [tilespmem:s21], [sflag:$0x3], $0x80, $0x38;
	[tilespmem:$0xA280] =	vst v63  }
0x42f: {  	s22 =	sadd.s32 $0xD0, s15;
	s24 =	simm.s32 $0x4F80  }
0x430: {  	[hbm4b:s22+s3] =	stream.linear.scatter [tilespmem:s24], [sflag:$0x3], $0x80, $0x38;
	[tilespmem:$0xA280] =	vst v63  }
0x431: {  	s26 =	sadd.s32 $0xE0, s15;
	s30 =	simm.s32 $0x5080  }
0x432: {  	[hbm4b:s26+s3] =	stream.linear.scatter [tilespmem:s30], [sflag:$0x3], $0x80, $0x38;
	[tilespmem:$0xA280] =	vst v63  }
0x433: {  	s15 =	sadd.s32 $0xF0, s15;
	s16 =	simm.s32 $0x5180  }
0x434: {  	[hbm4b:s15+s3] =	stream.linear.scatter [tilespmem:s16], [sflag:$0x3], $0x80, $0x38;
	[tilespmem:$0xA280] =	vst v63  }
0x435: {  	s21 =	simm.s32 $0x5280;
	s15 =	rddreg [dreg:$0x8]  }
0x436: {  	[hbm4b:s15+s3] =	stream.linear.scatter [tilespmem:s21], [sflag:$0x3], $0x80, $0x38;
	[tilespmem:$0xA280] =	vst v63  }
0x437: {  	s24 =	simm.s32 $0x5380;
	s22 =	sadd.s32 $0x10, s15  }
0x438: {  	[hbm4b:s22+s3] =	stream.linear.scatter [tilespmem:s24], [sflag:$0x3], $0x80, $0x38;
	[tilespmem:$0xA280] =	vst v63  }
0x439: {  	s30 =	simm.s32 $0x5480;
	s26 =	sadd.s32 $0x20, s15  }
0x43a: {  	[hbm4b:s26+s3] =	stream.linear.scatter [tilespmem:s30], [sflag:$0x3], $0x80, $0x38;
	[tilespmem:$0xA280] =	vst v63  }
0x43b: {  	s16 =	sadd.s32 $0x30, s15;
	s21 =	simm.s32 $0x5580  }
0x43c: {  	[hbm4b:s16+s3] =	stream.linear.scatter [tilespmem:s21], [sflag:$0x3], $0x80, $0x38;
	[tilespmem:$0xA280] =	vst v63  }
0x43d: {  	s22 =	sadd.s32 $0x40, s15;
	s24 =	simm.s32 $0x5680  }
0x43e: {  	[hbm4b:s22+s3] =	stream.linear.scatter [tilespmem:s24], [sflag:$0x3], $0x80, $0x38;
	[tilespmem:$0xA280] =	vst v63  }
0x43f: {  	s26 =	sadd.s32 $0x50, s15;
	s30 =	simm.s32 $0x5780  }
0x440: {  	[hbm4b:s26+s3] =	stream.linear.scatter [tilespmem:s30], [sflag:$0x3], $0x80, $0x38;
	[tilespmem:$0xA280] =	vst v63  }
0x441: {  	s16 =	sadd.s32 $0x60, s15;
	s21 =	simm.s32 $0x5880  }
0x442: {  	[hbm4b:s16+s3] =	stream.linear.scatter [tilespmem:s21], [sflag:$0x3], $0x80, $0x38;
	[tilespmem:$0xA280] =	vst v63  }
0x443: {  	s22 =	sadd.s32 $0x70, s15;
	s24 =	simm.s32 $0x5980  }
0x444: {  	[hbm4b:s22+s3] =	stream.linear.scatter [tilespmem:s24], [sflag:$0x3], $0x80, $0x38;
	[tilespmem:$0xA280] =	vst v63  }
0x445: {  	s26 =	sadd.s32 $0x80, s15;
	s30 =	simm.s32 $0x5A80  }
0x446: {  	[hbm4b:s26+s3] =	stream.linear.scatter [tilespmem:s30], [sflag:$0x3], $0x80, $0x38;
	[tilespmem:$0xA280] =	vst v63  }
0x447: {  	s16 =	sadd.s32 $0x90, s15;
	s21 =	simm.s32 $0x5B80  }
0x448: {  	[hbm4b:s16+s3] =	stream.linear.scatter [tilespmem:s21], [sflag:$0x3], $0x80, $0x38;
	[tilespmem:$0xA280] =	vst v63  }
0x449: {  	s22 =	sadd.s32 $0xA0, s15;
	s24 =	simm.s32 $0x5C80  }
0x44a: {  	[hbm4b:s22+s3] =	stream.linear.scatter [tilespmem:s24], [sflag:$0x3], $0x80, $0x38;
	[tilespmem:$0xA280] =	vst v63  }
0x44b: {  	s26 =	sadd.s32 $0xB0, s15;
	s30 =	simm.s32 $0x5D80  }
0x44c: {  	[hbm4b:s26+s3] =	stream.linear.scatter [tilespmem:s30], [sflag:$0x3], $0x80, $0x38;
	[tilespmem:$0xA280] =	vst v63  }
0x44d: {  	s16 =	sadd.s32 $0xC0, s15;
	s21 =	simm.s32 $0x5E80  }
0x44e: {  	[hbm4b:s16+s3] =	stream.linear.scatter [tilespmem:s21], [sflag:$0x3], $0x80, $0x38;
	[tilespmem:$0xA280] =	vst v63  }
0x44f: {  	s22 =	sadd.s32 $0xD0, s15;
	s24 =	simm.s32 $0x5F80  }
0x450: {  	[hbm4b:s22+s3] =	stream.linear.scatter [tilespmem:s24], [sflag:$0x3], $0x80, $0x38;
	[tilespmem:$0xA280] =	vst v63  }
0x451: {  	s26 =	sadd.s32 $0xE0, s15;
	s30 =	simm.s32 $0x6080  }
0x452: {  	[hbm4b:s26+s3] =	stream.linear.scatter [tilespmem:s30], [sflag:$0x3], $0x80, $0x38;
	[tilespmem:$0xA280] =	vst v63  }
0x453: {  	s15 =	sadd.s32 $0xF0, s15;
	s16 =	simm.s32 $0x6180  }
0x454: {  	[hbm4b:s15+s3] =	stream.linear.scatter [tilespmem:s16], [sflag:$0x3], $0x80, $0x38;
	[tilespmem:$0xA280] =	vst v63  }
0x455: {  	s21 =	simm.s32 $0x6280;
	s15 =	rddreg [dreg:$0x9]  }
0x456: {  	[hbm4b:s15+s3] =	stream.linear.scatter [tilespmem:s21], [sflag:$0x3], $0x80, $0x38;
	[tilespmem:$0xA280] =	vst v63  }
0x457: {  	s24 =	simm.s32 $0x6380;
	s22 =	sadd.s32 $0x10, s15  }
0x458: {  	[hbm4b:s22+s3] =	stream.linear.scatter [tilespmem:s24], [sflag:$0x3], $0x80, $0x38;
	[tilespmem:$0xA280] =	vst v63  }
0x459: {  	s30 =	simm.s32 $0x6480;
	s26 =	sadd.s32 $0x20, s15  }
0x45a: {  	[hbm4b:s26+s3] =	stream.linear.scatter [tilespmem:s30], [sflag:$0x3], $0x80, $0x38;
	[tilespmem:$0xA280] =	vst v63  }
0x45b: {  	s16 =	sadd.s32 $0x30, s15;
	s21 =	simm.s32 $0x6580  }
0x45c: {  	[hbm4b:s16+s3] =	stream.linear.scatter [tilespmem:s21], [sflag:$0x3], $0x80, $0x38;
	[tilespmem:$0xA280] =	vst v63  }
0x45d: {  	s22 =	sadd.s32 $0x40, s15;
	s24 =	simm.s32 $0x6680  }
0x45e: {  	[hbm4b:s22+s3] =	stream.linear.scatter [tilespmem:s24], [sflag:$0x3], $0x80, $0x38;
	[tilespmem:$0xA280] =	vst v63  }
0x45f: {  	s26 =	sadd.s32 $0x50, s15;
	s30 =	simm.s32 $0x6780  }
0x460: {  	[hbm4b:s26+s3] =	stream.linear.scatter [tilespmem:s30], [sflag:$0x3], $0x80, $0x38;
	[tilespmem:$0xA280] =	vst v63  }
0x461: {  	s16 =	sadd.s32 $0x60, s15;
	s21 =	simm.s32 $0x6880  }
0x462: {  	[hbm4b:s16+s3] =	stream.linear.scatter [tilespmem:s21], [sflag:$0x3], $0x80, $0x38;
	[tilespmem:$0xA280] =	vst v63  }
0x463: {  	s22 =	sadd.s32 $0x70, s15;
	s24 =	simm.s32 $0x6980  }
0x464: {  	[hbm4b:s22+s3] =	stream.linear.scatter [tilespmem:s24], [sflag:$0x3], $0x80, $0x38;
	[tilespmem:$0xA280] =	vst v63  }
0x465: {  	s26 =	sadd.s32 $0x80, s15;
	s30 =	simm.s32 $0x6A80  }
0x466: {  	[hbm4b:s26+s3] =	stream.linear.scatter [tilespmem:s30], [sflag:$0x3], $0x80, $0x38;
	[tilespmem:$0xA280] =	vst v63  }
0x467: {  	s16 =	sadd.s32 $0x90, s15;
	s21 =	simm.s32 $0x6B80  }
0x468: {  	[hbm4b:s16+s3] =	stream.linear.scatter [tilespmem:s21], [sflag:$0x3], $0x80, $0x38;
	[tilespmem:$0xA280] =	vst v63  }
0x469: {  	s22 =	sadd.s32 $0xA0, s15;
	s24 =	simm.s32 $0x6C80  }
0x46a: {  	[hbm4b:s22+s3] =	stream.linear.scatter [tilespmem:s24], [sflag:$0x3], $0x80, $0x38;
	[tilespmem:$0xA280] =	vst v63  }
0x46b: {  	s26 =	sadd.s32 $0xB0, s15;
	s30 =	simm.s32 $0x6D80  }
0x46c: {  	[hbm4b:s26+s3] =	stream.linear.scatter [tilespmem:s30], [sflag:$0x3], $0x80, $0x38;
	[tilespmem:$0xA280] =	vst v63  }
0x46d: {  	s16 =	sadd.s32 $0xC0, s15;
	s21 =	simm.s32 $0x6E80  }
0x46e: {  	[hbm4b:s16+s3] =	stream.linear.scatter [tilespmem:s21], [sflag:$0x3], $0x80, $0x38;
	[tilespmem:$0xA280] =	vst v63  }
0x46f: {  	s22 =	sadd.s32 $0xD0, s15;
	s24 =	simm.s32 $0x6F80  }
0x470: {  	[hbm4b:s22+s3] =	stream.linear.scatter [tilespmem:s24], [sflag:$0x3], $0x80, $0x38;
	[tilespmem:$0xA280] =	vst v63  }
0x471: {  	s26 =	sadd.s32 $0xE0, s15;
	s30 =	simm.s32 $0x7080  }
0x472: {  	[hbm4b:s26+s3] =	stream.linear.scatter [tilespmem:s30], [sflag:$0x3], $0x80, $0x38;
	[tilespmem:$0xA280] =	vst v63  }
0x473: {  	s15 =	sadd.s32 $0xF0, s15;
	s16 =	simm.s32 $0x7180  }
0x474: {  	[hbm4b:s15+s3] =	stream.linear.scatter [tilespmem:s16], [sflag:$0x3], $0x80, $0x38;
	[tilespmem:$0xA280] =	vst v63  }
0x475: {  	s21 =	simm.s32 $0x7280;
	s15 =	rddreg [dreg:$0xa]  }
0x476: {  	[hbm4b:s15+s3] =	stream.linear.scatter [tilespmem:s21], [sflag:$0x3], $0x80, $0x38;
	[tilespmem:$0xA280] =	vst v63  }
0x477: {  	s24 =	simm.s32 $0x7380;
	s22 =	sadd.s32 $0x10, s15  }
0x478: {  	[hbm4b:s22+s3] =	stream.linear.scatter [tilespmem:s24], [sflag:$0x3], $0x80, $0x38;
	[tilespmem:$0xA280] =	vst v63  }
0x479: {  	s30 =	simm.s32 $0x7480;
	s26 =	sadd.s32 $0x20, s15  }
0x47a: {  	[hbm4b:s26+s3] =	stream.linear.scatter [tilespmem:s30], [sflag:$0x3], $0x80, $0x38;
	[tilespmem:$0xA280] =	vst v63  }
0x47b: {  	s16 =	sadd.s32 $0x30, s15;
	s21 =	simm.s32 $0x7580  }
0x47c: {  	[hbm4b:s16+s3] =	stream.linear.scatter [tilespmem:s21], [sflag:$0x3], $0x80, $0x38;
	[tilespmem:$0xA280] =	vst v63  }
0x47d: {  	s22 =	sadd.s32 $0x40, s15;
	s24 =	simm.s32 $0x7680  }
0x47e: {  	[hbm4b:s22+s3] =	stream.linear.scatter [tilespmem:s24], [sflag:$0x3], $0x80, $0x38;
	[tilespmem:$0xA280] =	vst v63  }
0x47f: {  	s26 =	sadd.s32 $0x50, s15;
	s30 =	simm.s32 $0x7780  }
0x480: {  	[hbm4b:s26+s3] =	stream.linear.scatter [tilespmem:s30], [sflag:$0x3], $0x80, $0x38;
	[tilespmem:$0xA280] =	vst v63  }
0x481: {  	s16 =	sadd.s32 $0x60, s15;
	s21 =	simm.s32 $0x7880  }
0x482: {  	[hbm4b:s16+s3] =	stream.linear.scatter [tilespmem:s21], [sflag:$0x3], $0x80, $0x38;
	[tilespmem:$0xA280] =	vst v63  }
0x483: {  	s22 =	sadd.s32 $0x70, s15;
	s24 =	simm.s32 $0x7980  }
0x484: {  	[hbm4b:s22+s3] =	stream.linear.scatter [tilespmem:s24], [sflag:$0x3], $0x80, $0x38;
	[tilespmem:$0xA280] =	vst v63  }
0x485: {  	s26 =	sadd.s32 $0x80, s15;
	s30 =	simm.s32 $0x7A80  }
0x486: {  	[hbm4b:s26+s3] =	stream.linear.scatter [tilespmem:s30], [sflag:$0x3], $0x80, $0x38;
	[tilespmem:$0xA280] =	vst v63  }
0x487: {  	s16 =	sadd.s32 $0x90, s15;
	s21 =	simm.s32 $0x7B80  }
0x488: {  	[hbm4b:s16+s3] =	stream.linear.scatter [tilespmem:s21], [sflag:$0x3], $0x80, $0x38;
	[tilespmem:$0xA280] =	vst v63  }
0x489: {  	s22 =	sadd.s32 $0xA0, s15;
	s24 =	simm.s32 $0x7C80  }
0x48a: {  	[hbm4b:s22+s3] =	stream.linear.scatter [tilespmem:s24], [sflag:$0x3], $0x80, $0x38;
	[tilespmem:$0xA280] =	vst v63  }
0x48b: {  	s26 =	sadd.s32 $0xB0, s15;
	s30 =	simm.s32 $0x7D80  }
0x48c: {  	[hbm4b:s26+s3] =	stream.linear.scatter [tilespmem:s30], [sflag:$0x3], $0x80, $0x38;
	[tilespmem:$0xA280] =	vst v63  }
0x48d: {  	s16 =	sadd.s32 $0xC0, s15;
	s21 =	simm.s32 $0x7E80  }
0x48e: {  	[hbm4b:s16+s3] =	stream.linear.scatter [tilespmem:s21], [sflag:$0x3], $0x80, $0x38;
	[tilespmem:$0xA280] =	vst v63  }
0x48f: {  	s22 =	sadd.s32 $0xD0, s15;
	s24 =	simm.s32 $0x7F80  }
0x490: {  	[hbm4b:s22+s3] =	stream.linear.scatter [tilespmem:s24], [sflag:$0x3], $0x80, $0x38;
	[tilespmem:$0xA280] =	vst v63  }
0x491: {  	s26 =	sadd.s32 $0xE0, s15;
	s30 =	simm.s32 $0x8080  }
0x492: {  	[hbm4b:s26+s3] =	stream.linear.scatter [tilespmem:s30], [sflag:$0x3], $0x80, $0x38;
	[tilespmem:$0xA280] =	vst v63  }
0x493: {  	s15 =	sadd.s32 $0xF0, s15;
	s16 =	simm.s32 $0x8180  }
0x494: {  	[hbm4b:s15+s3] =	stream.linear.scatter [tilespmem:s16], [sflag:$0x3], $0x80, $0x38;
	[tilespmem:$0xA280] =	vst v63  }
0x495: {  	s21 =	simm.s32 $0x8280;
	s15 =	rddreg [dreg:$0xb]  }
0x496: {  	[hbm4b:s15+s3] =	stream.linear.scatter [tilespmem:s21], [sflag:$0x3], $0x80, $0x38;
	[tilespmem:$0xA280] =	vst v63  }
0x497: {  	s24 =	simm.s32 $0x8380;
	s22 =	sadd.s32 $0x10, s15  }
0x498: {  	[hbm4b:s22+s3] =	stream.linear.scatter [tilespmem:s24], [sflag:$0x3], $0x80, $0x38;
	[tilespmem:$0xA280] =	vst v63  }
0x499: {  	s30 =	simm.s32 $0x8480;
	s26 =	sadd.s32 $0x20, s15  }
0x49a: {  	[hbm4b:s26+s3] =	stream.linear.scatter [tilespmem:s30], [sflag:$0x3], $0x80, $0x38;
	[tilespmem:$0xA280] =	vst v63  }
0x49b: {  	s16 =	sadd.s32 $0x30, s15;
	s21 =	simm.s32 $0x8580  }
0x49c: {  	[hbm4b:s16+s3] =	stream.linear.scatter [tilespmem:s21], [sflag:$0x3], $0x80, $0x38;
	[tilespmem:$0xA280] =	vst v63  }
0x49d: {  	s22 =	sadd.s32 $0x40, s15;
	s24 =	simm.s32 $0x8680  }
0x49e: {  	[hbm4b:s22+s3] =	stream.linear.scatter [tilespmem:s24], [sflag:$0x3], $0x80, $0x38;
	[tilespmem:$0xA280] =	vst v63  }
0x49f: {  	s26 =	sadd.s32 $0x50, s15;
	s30 =	simm.s32 $0x8780  }
0x4a0: {  	[hbm4b:s26+s3] =	stream.linear.scatter [tilespmem:s30], [sflag:$0x3], $0x80, $0x38;
	[tilespmem:$0xA280] =	vst v63  }
0x4a1: {  	s16 =	sadd.s32 $0x60, s15;
	s21 =	simm.s32 $0x8880  }
0x4a2: {  	[hbm4b:s16+s3] =	stream.linear.scatter [tilespmem:s21], [sflag:$0x3], $0x80, $0x38;
	[tilespmem:$0xA280] =	vst v63  }
0x4a3: {  	s22 =	sadd.s32 $0x70, s15;
	s24 =	simm.s32 $0x8980  }
0x4a4: {  	[hbm4b:s22+s3] =	stream.linear.scatter [tilespmem:s24], [sflag:$0x3], $0x80, $0x38;
	[tilespmem:$0xA280] =	vst v63  }
0x4a5: {  	s26 =	sadd.s32 $0x80, s15;
	s30 =	simm.s32 $0x8A80  }
0x4a6: {  	[hbm4b:s26+s3] =	stream.linear.scatter [tilespmem:s30], [sflag:$0x3], $0x80, $0x38;
	[tilespmem:$0xA280] =	vst v63  }
0x4a7: {  	s16 =	sadd.s32 $0x90, s15;
	s21 =	simm.s32 $0x8B80  }
0x4a8: {  	[hbm4b:s16+s3] =	stream.linear.scatter [tilespmem:s21], [sflag:$0x3], $0x80, $0x38;
	[tilespmem:$0xA280] =	vst v63  }
0x4a9: {  	s22 =	sadd.s32 $0xA0, s15;
	s24 =	simm.s32 $0x8C80  }
0x4aa: {  	[hbm4b:s22+s3] =	stream.linear.scatter [tilespmem:s24], [sflag:$0x3], $0x80, $0x38;
	[tilespmem:$0xA280] =	vst v63  }
0x4ab: {  	s26 =	sadd.s32 $0xB0, s15;
	s30 =	simm.s32 $0x8D80  }
0x4ac: {  	[hbm4b:s26+s3] =	stream.linear.scatter [tilespmem:s30], [sflag:$0x3], $0x80, $0x38;
	[tilespmem:$0xA280] =	vst v63  }
0x4ad: {  	s16 =	sadd.s32 $0xC0, s15;
	s21 =	simm.s32 $0x8E80  }
0x4ae: {  	[hbm4b:s16+s3] =	stream.linear.scatter [tilespmem:s21], [sflag:$0x3], $0x80, $0x38;
	[tilespmem:$0xA280] =	vst v63  }
0x4af: {  	s22 =	sadd.s32 $0xD0, s15;
	s24 =	simm.s32 $0x8F80  }
0x4b0: {  	[hbm4b:s22+s3] =	stream.linear.scatter [tilespmem:s24], [sflag:$0x3], $0x80, $0x38;
	[tilespmem:$0xA280] =	vst v63  }
0x4b1: {  	s26 =	sadd.s32 $0xE0, s15;
	s30 =	simm.s32 $0x9080  }
0x4b2: {  	[hbm4b:s26+s3] =	stream.linear.scatter [tilespmem:s30], [sflag:$0x3], $0x80, $0x38;
	[tilespmem:$0xA280] =	vst v63  }
0x4b3: {  	s15 =	sadd.s32 $0xF0, s15;
	s16 =	simm.s32 $0x9180  }
0x4b4: {  	[hbm4b:s15+s3] =	stream.linear.scatter [tilespmem:s16], [sflag:$0x3], $0x80, $0x38;
	[tilespmem:$0xA280] =	vst v63  }
0x4b5: {  	s21 =	simm.s32 $0x9280;
	s15 =	rddreg [dreg:$0xc]  }
0x4b6: {  	[hbm4b:s15+s3] =	stream.linear.scatter [tilespmem:s21], [sflag:$0x3], $0x80, $0x38;
	[tilespmem:$0xA280] =	vst v63  }
0x4b7: {  	s24 =	simm.s32 $0x9380;
	s22 =	sadd.s32 $0x10, s15  }
0x4b8: {  	[hbm4b:s22+s3] =	stream.linear.scatter [tilespmem:s24], [sflag:$0x3], $0x80, $0x38;
	[tilespmem:$0xA280] =	vst v63  }
0x4b9: {  	s30 =	simm.s32 $0x9480;
	s26 =	sadd.s32 $0x20, s15  }
0x4ba: {  	[hbm4b:s26+s3] =	stream.linear.scatter [tilespmem:s30], [sflag:$0x3], $0x80, $0x38;
	[tilespmem:$0xA280] =	vst v63  }
0x4bb: {  	s16 =	sadd.s32 $0x30, s15;
	s21 =	simm.s32 $0x9580  }
0x4bc: {  	[hbm4b:s16+s3] =	stream.linear.scatter [tilespmem:s21], [sflag:$0x3], $0x80, $0x38;
	[tilespmem:$0xA280] =	vst v63  }
0x4bd: {  	s22 =	sadd.s32 $0x40, s15;
	s24 =	simm.s32 $0x9680  }
0x4be: {  	[hbm4b:s22+s3] =	stream.linear.scatter [tilespmem:s24], [sflag:$0x3], $0x80, $0x38;
	[tilespmem:$0xA280] =	vst v63  }
0x4bf: {  	s26 =	sadd.s32 $0x50, s15;
	s30 =	simm.s32 $0x9780  }
0x4c0: {  	[hbm4b:s26+s3] =	stream.linear.scatter [tilespmem:s30], [sflag:$0x3], $0x80, $0x38;
	[tilespmem:$0xA280] =	vst v63  }
0x4c1: {  	s16 =	sadd.s32 $0x60, s15;
	s21 =	simm.s32 $0x9880  }
0x4c2: {  	[hbm4b:s16+s3] =	stream.linear.scatter [tilespmem:s21], [sflag:$0x3], $0x80, $0x38;
	[tilespmem:$0xA280] =	vst v63  }
0x4c3: {  	s22 =	sadd.s32 $0x70, s15;
	s24 =	simm.s32 $0x9980  }
0x4c4: {  	[hbm4b:s22+s3] =	stream.linear.scatter [tilespmem:s24], [sflag:$0x3], $0x80, $0x38;
	[tilespmem:$0xA280] =	vst v63  }
0x4c5: {  	s26 =	sadd.s32 $0x80, s15;
	s30 =	simm.s32 $0x9A80  }
0x4c6: {  	[hbm4b:s26+s3] =	stream.linear.scatter [tilespmem:s30], [sflag:$0x3], $0x80, $0x38;
	[tilespmem:$0xA280] =	vst v63  }
0x4c7: {  	s16 =	sadd.s32 $0x90, s15;
	s21 =	simm.s32 $0x9B80  }
0x4c8: {  	[hbm4b:s16+s3] =	stream.linear.scatter [tilespmem:s21], [sflag:$0x3], $0x80, $0x38;
	[tilespmem:$0xA280] =	vst v63  }
0x4c9: {  	s22 =	sadd.s32 $0xA0, s15;
	s24 =	simm.s32 $0x9C80  }
0x4ca: {  	[hbm4b:s22+s3] =	stream.linear.scatter [tilespmem:s24], [sflag:$0x3], $0x80, $0x38;
	[tilespmem:$0xA280] =	vst v63  }
0x4cb: {  	s26 =	sadd.s32 $0xB0, s15;
	s30 =	simm.s32 $0x9D80  }
0x4cc: {  	[hbm4b:s26+s3] =	stream.linear.scatter [tilespmem:s30], [sflag:$0x3], $0x80, $0x38;
	[tilespmem:$0xA280] =	vst v63  }
0x4cd: {  	s16 =	sadd.s32 $0xC0, s15;
	s21 =	simm.s32 $0x9E80  }
0x4ce: {  	[hbm4b:s16+s3] =	stream.linear.scatter [tilespmem:s21], [sflag:$0x3], $0x80, $0x38;
	[tilespmem:$0xA280] =	vst v63  }
0x4cf: {  	s22 =	sadd.s32 $0xD0, s15;
	s24 =	simm.s32 $0x9F80  }
0x4d0: {  	[hbm4b:s22+s3] =	stream.linear.scatter [tilespmem:s24], [sflag:$0x3], $0x80, $0x38;
	[tilespmem:$0xA280] =	vst v63  }
0x4d1: {  	s26 =	sadd.s32 $0xE0, s15;
	s30 =	simm.s32 $0xA080  }
0x4d2: {  	[hbm4b:s26+s3] =	stream.linear.scatter [tilespmem:s30], [sflag:$0x3], $0x80, $0x38;
	[tilespmem:$0xA280] =	vst v63  }
0x4d3: {  	s21 =	sadd.s32 $0xF0, s15;
	s22 =	simm.s32 $0xA180;
	s24 =	simm.s32 $0x4  }
0x4d4: {  	[hbm4b:s21+s3] =	stream.linear.scatter [tilespmem:s22], [sflag:$0x3], $0x80, $0x38;
	[tilespmem:$0xA280] =	vst v63  }
0x4d5: {  	_ =	swait.ge [sflag:s24], $0x4000  }
0x4d6: {  	[sflag:s24] =	ssyncset.done $0x0  }
0x4d7: {  	[sflag:s24] =	ssyncadd.s32 $0xFFFFC000  }
0x4d8: {  	_ =	swait.ge [sflag:s28], $0x4000  }
0x4d9: {  	s26 =	rddreg [dreg:$0xe]  }
0x4da: {  	s30 =	rddreg [dreg:$0xd];
	s15 =	sadd.s32 $0x1, s26  }
0x4db: {  	p0 =	sne.s32 s15, s30  }
.Ltmp7:
0x4dc: {  	_ = 	snop;
	(pc) =	sbr.rel @p0 .LBB2_1-.Ltmp7, $3  }
0x4dd: {  	_ =	sdelay $0x1  }
0x4de: {  	[sflag:s28] =	ssyncset.done $0x0  }
0x4df: {  	[sflag:s28] =	ssyncadd.s32 $0xFFFFC000  }
0x4e0: {  	_ =	sfence.sel $0x180000  }
0x4e1: {  	[bflag:$0x0] =	sbarrier.arrive $0xFFFF  }
0x4e2: {  	_ =	strace $0x90000047  }
0x4e3: {  	s0 =	stileid.u32;
	[bflag:$0x2] =	sbarrier.arrive $0xFFFF  }
0x4e4: {  	p0 =	sne.s32 s0, $0x0;
	s0 =	rddreg [dreg:$0x3]  }
0x4e5: {  	s0 =	sadd.s32 @!p0 $0x100000, s0  }
0x4e6: {  	[sflag:s0] =	ssyncadd.tile.s32 @!p0 $0x1;
	_ =	shalt  }
.Lfunc_end2:
_tile_overlayer_lowered:
.L_overlay_start_2:
0x4e7: {  	(tag) =	ssettag $0x2  }
0x4e8: {  	s0 =	rddreg [dreg:$0x0];
	s2 =	stileid.u32  }
0x4e9: {  	s1 =	rddreg [dreg:$0x1];
	p0 =	sne.s32 s2, $0x0  }
0x4ea: {  	s3 =	rddreg [dreg:$0x2];
	[bflag:$0x3] =	sbarrier.arrive $0xFFFF;
	s2 =	simm.s32 @!p0 $0x1C05  }
0x4eb: {  	[timem:s3], [sflag:s2] =	dma.local @!p0 [hbm:s0], s1  }
0x4ec: {  	s0 =	simm.s32 @!p0 $0x5  }
0x4ed: {  	_ =	swait.ge @!p0 [sflag:s0], s1  }
0x4ee: {  	s1 =	ssub.s32 @!p0 $0x0, s1;
	[sflag:s0] =	ssyncset.done @!p0 $0x0  }
0x4ef: {  	[sflag:s0] =	ssyncadd.s32 @!p0 s1  }
0x4f0: {  	[bflag:$0x3] =	sbarrier.arrive $0xFFFF  }
0x4f1: {  	_ =	shalt  }

</sc_bundles>
